<compile_context>
chip_gen: v7x
topology: tpu7x:2x2x1
jax: 0.10.2.dev20260603
libtpu: 0.0.44.dev20260713+nightly
codegen_flags: <defaults>
</compile_context>

<pallas_src>
import functools

import jax
import jax.numpy as jnp
from jax import lax
from jax.experimental import pallas as pl
from jax.experimental.pallas import tpu as pltpu
from jax.experimental.pallas import tpu_sc as plsc

_N = 8388608
_BINS_MAX = 128
_NC = 2
_NS = 16
_NW = _NC * _NS
_L = 16
_PER_TILE = _N // _NW
_CHUNK = 8192
_NCHUNK = _PER_TILE // _CHUNK
_NB = _BINS_MAX * _L
_UNROLL = 4
_NSLOT = 4

_mesh = plsc.VectorSubcoreMesh(core_axis_name="c", subcore_axis_name="s")


@functools.partial(
    pl.kernel,
    out_type=jax.ShapeDtypeStruct((_NW, 2, _L), jnp.float32),
    mesh=_mesh,
    scratch_types=[
        pltpu.VMEM((2, _CHUNK), jnp.float32),
        pltpu.VMEM((2, _CHUNK), jnp.float32),
        pltpu.VMEM((2, _L), jnp.float32),
        pltpu.SemaphoreType.DMA,
        pltpu.SemaphoreType.DMA,
    ],
    compiler_params=pltpu.CompilerParams(needs_layout_passes=False),
)
def _minmax_kernel(sim_hbm, exp_hbm, out_hbm, sbuf, ebuf, obuf, sem0, sem1):
    wid = lax.axis_index("s") * _NC + lax.axis_index("c")
    base = wid * _PER_TILE
    sems = (sem0, sem1)

    def start(c, slot):
        off = pl.multiple_of(base + c * _CHUNK, _CHUNK)
        pltpu.async_copy(sim_hbm.at[pl.ds(off, _CHUNK)], sbuf.at[slot], sems[slot])
        pltpu.async_copy(exp_hbm.at[pl.ds(off, _CHUNK)], ebuf.at[slot], sems[slot])

    def wait(slot):
        pltpu.make_async_copy(sim_hbm.at[pl.ds(0, _CHUNK)], sbuf.at[slot], sems[slot]).wait()
        pltpu.make_async_copy(exp_hbm.at[pl.ds(0, _CHUNK)], ebuf.at[slot], sems[slot]).wait()

    start(0, 0)
    start(1, 1)

    def process(c, slot, carry):
        wait(slot)

        @plsc.parallel_loop(0, _CHUNK // _L, unroll=_UNROLL, carry=carry)
        def vec_body(i, carry2):
            mnv2, mxv2 = carry2
            sv = sbuf[slot, pl.ds(i * _L, _L)]
            ev = ebuf[slot, pl.ds(i * _L, _L)]
            return (jnp.minimum(mnv2, jnp.minimum(sv, ev)),
                    jnp.maximum(mxv2, jnp.maximum(sv, ev)))

        carry = vec_body

        @pl.when(c + 2 < _NCHUNK)
        def _():
            start(c + 2, slot)

        return carry

    def pair_body(p, carry):
        c0 = p * 2
        carry = process(c0, 0, carry)
        carry = process(c0 + 1, 1, carry)
        return carry

    init = (jnp.full((_L,), jnp.inf, jnp.float32),
            jnp.full((_L,), -jnp.inf, jnp.float32))
    mnv, mxv = lax.fori_loop(0, _NCHUNK // 2, pair_body, init)
    obuf[0, :] = mnv
    obuf[1, :] = mxv
    pltpu.sync_copy(obuf, out_hbm.at[wid])


@functools.partial(
    pl.kernel,
    out_type=tuple(jax.ShapeDtypeStruct((_NW, _NB), jnp.float32) for _ in range(4)),
    mesh=_mesh,
    scratch_types=[
        pltpu.VMEM((_NSLOT, _CHUNK), jnp.float32),
        pltpu.VMEM((_NSLOT, _CHUNK), jnp.float32),
        pltpu.VMEM((_NSLOT, _CHUNK), jnp.float32),
        pltpu.VMEM((_NW, 2, _L), jnp.float32),
        pltpu.VMEM((_NB,), jnp.float32),
        pltpu.VMEM((_NB,), jnp.float32),
        pltpu.VMEM((_NB,), jnp.float32),
        pltpu.VMEM((_NB,), jnp.float32),
        pltpu.SemaphoreType.DMA,
        pltpu.SemaphoreType.DMA,
        pltpu.SemaphoreType.DMA,
        pltpu.SemaphoreType.DMA,
    ],
    compiler_params=pltpu.CompilerParams(needs_layout_passes=False),
)
def _hist_kernel(sim_hbm, exp_hbm, w_hbm, mm_hbm,
                 outCs_hbm, outAs_hbm, outCe_hbm, outAe_hbm,
                 sbuf, ebuf, wbuf, mmbuf, accCs, accAs, accCe, accAe,
                 sem0, sem1, sem2, sem3):
    wid = lax.axis_index("s") * _NC + lax.axis_index("c")
    base = wid * _PER_TILE
    sems = (sem0, sem1, sem2, sem3)

    pltpu.sync_copy(mm_hbm, mmbuf)
    mnv = mmbuf[0, 0, :]
    mxv = mmbuf[0, 1, :]
    for t in range(1, _NW):
        mnv = jnp.minimum(mnv, mmbuf[t, 0, :])
        mxv = jnp.maximum(mxv, mmbuf[t, 1, :])
    mn = lax.reduce_min(mnv, (0,))
    mx = lax.reduce_max(mxv, (0,))
    mn16 = jnp.full((_L,), mn, jnp.float32)
    span16 = jnp.full((_L,), mx - mn, jnp.float32)
    bins_f16 = (span16.astype(jnp.int32)).astype(jnp.float32)
    denom16 = bins_f16 - jnp.float32(1)
    sc16 = denom16 / span16
    st16 = span16 / denom16
    lane = lax.broadcasted_iota(jnp.int32, (_L,), 0)
    ones = jnp.full((_L,), 1.0, jnp.float32)
    zeros = jnp.zeros((_L,), jnp.float32)

    def zero_body(j, _):
        accCs[pl.ds(j * _L, _L)] = zeros
        accAs[pl.ds(j * _L, _L)] = zeros
        accCe[pl.ds(j * _L, _L)] = zeros
        accAe[pl.ds(j * _L, _L)] = zeros
        return 0

    lax.fori_loop(0, _BINS_MAX, zero_body, 0)

    def start(c, slot):
        off = pl.multiple_of(base + c * _CHUNK, _CHUNK)
        pltpu.async_copy(sim_hbm.at[pl.ds(off, _CHUNK)], sbuf.at[slot], sems[slot])
        pltpu.async_copy(exp_hbm.at[pl.ds(off, _CHUNK)], ebuf.at[slot], sems[slot])
        pltpu.async_copy(w_hbm.at[pl.ds(off, _CHUNK)], wbuf.at[slot], sems[slot])

    def wait(slot):
        pltpu.make_async_copy(sim_hbm.at[pl.ds(0, _CHUNK)], sbuf.at[slot], sems[slot]).wait()
        pltpu.make_async_copy(exp_hbm.at[pl.ds(0, _CHUNK)], ebuf.at[slot], sems[slot]).wait()
        pltpu.make_async_copy(w_hbm.at[pl.ds(0, _CHUNK)], wbuf.at[slot], sems[slot]).wait()

    for s in range(_NSLOT):
        start(s, s)

    def process(c, slot):
        wait(slot)

        @plsc.parallel_loop(0, _CHUNK // _L, unroll=_UNROLL)
        def vec_body(i):
            off = i * _L
            o_s = sbuf[slot, pl.ds(off, _L)]
            o_e = ebuf[slot, pl.ds(off, _L)]
            wv = wbuf[slot, pl.ds(off, _L)]
            ks = jnp.clip(((o_s - mn16) * sc16).astype(jnp.int32), 0, _BINS_MAX - 1)
            ke = jnp.clip(((o_e - mn16) * sc16).astype(jnp.int32), 0, _BINS_MAX - 1)
            gs = mn16 + ks.astype(jnp.float32) * st16
            ge = mn16 + ke.astype(jnp.float32) * st16
            addr_s = ks * _L + lane
            addr_e = ke * _L + lane
            plsc.addupdate_scatter(accCs, [addr_s], wv)
            plsc.addupdate_scatter(accAs, [addr_s], wv * (o_s - gs))
            plsc.addupdate_scatter(accCe, [addr_e], ones)
            plsc.addupdate_scatter(accAe, [addr_e], o_e - ge)

        @pl.when(c + _NSLOT < _NCHUNK)
        def _():
            start(c + _NSLOT, slot)

    def ring_body(p, _):
        for s in range(_NSLOT):
            process(p * _NSLOT + s, s)
        return 0

    lax.fori_loop(0, _NCHUNK // _NSLOT, ring_body, 0)

    pltpu.sync_copy(accCs, outCs_hbm.at[wid])
    pltpu.sync_copy(accAs, outAs_hbm.at[wid])
    pltpu.sync_copy(accCe, outCe_hbm.at[wid])
    pltpu.sync_copy(accAe, outAe_hbm.at[wid])


def kernel(sim_observable, exp_observable, weights):
    mm = _minmax_kernel(sim_observable, exp_observable)
    mn = jnp.min(mm[:, 0, :])
    mx = jnp.max(mm[:, 1, :])
    bins = (mx - mn).astype(jnp.int32)
    bins_f = bins.astype(jnp.float32)
    span = mx - mn
    denom = bins_f - jnp.float32(1)
    delta = span / bins_f
    step = span / denom

    pCs, pAs, pCe, pAe = _hist_kernel(sim_observable, exp_observable, weights, mm)

    def tot(p):
        return jnp.sum(p.reshape(_NW, _BINS_MAX, _L), axis=(0, 2))

    Cs, As, Ce, Ae = tot(pCs), tot(pAs), tot(pCe), tot(pAe)

    d = jnp.arange(_BINS_MAX)
    df = d.astype(jnp.float32)
    h = mn + span * df / denom
    g = mn + df * step

    def hist(C, A):
        z1 = jnp.zeros((1,), jnp.float32)
        Am = jnp.concatenate([z1, A[:-1]])
        Cm = jnp.concatenate([z1, C[:-1]])
        gm = jnp.concatenate([z1, g[:-1]])
        hm = jnp.concatenate([z1, h[:-1]])
        hp = jnp.concatenate([h[1:], z1])
        v = (Am + Cm * (gm - hm)) + (C * (hp - g) - A)
        valid = (d >= 1) & (d <= _BINS_MAX - 2) & (d < bins - 1)
        hh = jnp.where(valid, v, jnp.float32(0))
        hh = hh / jnp.sum(hh)
        return hh / delta

    hs = hist(Cs, As)
    he = hist(Ce, Ae)
    return jnp.sum((hs - he) ** 2)

# --- scband reference (transcript-rebuilt; emitter-appended) ---
"""Pipeline reference for scband-binned-loss-74491912782169 (READ-ONLY COPY).

The authoritative reference and input builder live on the scoring server;
editing this copy changes nothing except your own understanding.
"""

import jax, jax.numpy as jnp
from jax import lax
import numpy as np

N = 8388608
BINS_MAX = 128  # static upper bound on int(max-min) for N standard-normal draws

def setup_inputs(seed: int = 0) -> dict:
    key = jax.random.key(seed)
    k1, k2, k3 = jax.random.split(key, 3)
    return {
        "sim_observable": jax.random.normal(k1, (N,), dtype=jnp.float32),
        "exp_observable": jax.random.normal(k2, (N,), dtype=jnp.float32),
        "weights": jax.random.uniform(k3, (N,), dtype=jnp.float32),
    }


def _histogram(observable, weights, bins, mn, mx):
    # Faithful translation of the torch differentiable weighted histogram,
    # with a traced bin count and a statically padded histogram buffer.
    bins_f = bins.astype(jnp.float32)
    delta = (mx - mn) / bins_f
    span = mx - mn
    denom = bins_f - jnp.float32(1)
    # torch.linspace(min, max, steps=bins) equivalent, padded to BINS_MAX
    bin_table = mn + span * jnp.arange(BINS_MAX, dtype=jnp.float32) / denom

    def body(dim, hist):
        dim_f = dim.astype(jnp.float32)
        h_r_sub_1 = mn + span * (dim_f - jnp.float32(1)) / denom
        h_r = mn + span * dim_f / denom
        h_r_plus_1 = mn + span * (dim_f + jnp.float32(1)) / denom
        mask_sub = ((h_r > observable) & (observable >= h_r_sub_1)).astype(jnp.float32)
        mask_plus = ((h_r_plus_1 > observable) & (observable >= h_r)).astype(jnp.float32)
        if weights is None:
            v = jnp.sum((observable - h_r_sub_1) * mask_sub) + jnp.sum((h_r_plus_1 - observable) * mask_plus)
        else:
            v = jnp.sum((observable - h_r_sub_1) * mask_sub * weights) + jnp.sum((h_r_plus_1 - observable) * mask_plus * weights)
        v = jnp.where(dim < bins - 1, v, jnp.float32(0))
        return hist.at[dim].add(v)

    hist = lax.fori_loop(1, BINS_MAX - 1, body, jnp.zeros((BINS_MAX,), dtype=jnp.float32))
    hist = hist / jnp.sum(hist)
    return hist / delta, bin_table


def reference(sim_observable, exp_observable, weights):
    minimum = jnp.min(jnp.minimum(sim_observable, exp_observable))
    maximum = jnp.max(jnp.maximum(sim_observable, exp_observable))
    bins = (maximum - minimum).astype(jnp.int32)  # truncation matches torch int()
    histo_sim, _bins_sim = _histogram(sim_observable, weights, bins, minimum, maximum)
    histo_exp, _bins_exp = _histogram(exp_observable, None, bins, minimum, maximum)
    pseudo_chi2 = jnp.power(histo_sim - histo_exp, 2)
    return jnp.sum(pseudo_chi2)

if __name__ == "__main__":
    import jax
    _d = setup_inputs()
    print(jax.jit(kernel)(*tuple(_d.values())))

</pallas_src>

<mosaic_0001>
#map = affine_map<(d0, d1) -> (0)>
#map1 = affine_map<(d0, d1) -> (0, 0, 0)>
module attributes {stable_mosaic.version = 14 : i64} {
  func.func @_minmax_kernel(%arg0: i32, %arg1: i32, %arg2: memref<8388608xf32, #tpu.memory_space<hbm>>, %arg3: memref<8388608xf32, #tpu.memory_space<hbm>>, %arg4: memref<32x2x16xf32, #tpu.memory_space<hbm>>, %arg5: memref<2x8192xf32, #tpu.memory_space<vmem>>, %arg6: memref<2x8192xf32, #tpu.memory_space<vmem>>, %arg7: memref<2x16xf32, #tpu.memory_space<vmem>>, %arg8: memref<!tpu.dma_semaphore, #tpu.memory_space<semaphore_mem>>, %arg9: memref<!tpu.dma_semaphore, #tpu.memory_space<semaphore_mem>>) attributes {dimension_semantics = [#tpu.dimension_semantics<core_parallel>, #tpu.dimension_semantics<subcore_parallel>], iteration_bounds = array<i64: 2, 16>, scalar_prefetch = 0 : i64, scratch_operands = 5 : i64, tpu.core_type = #tpu.core_type<sc_vector_subcore>, window_params = [{transform_indices = #map}, {transform_indices = #map}, {transform_indices = #map1}]} {
    %mul3A = arith.constant 2 : i32
    %mul3A_0 = arith.muli %arg1, %mul3A : i32
    %add3A = arith.addi %mul3A_0, %arg0 : i32
    %mul3A_1 = arith.constant 262144 : i32
    %mul3A_2 = arith.muli %add3A, %mul3A_1 : i32
    %add3A_3 = arith.constant 0 : i32
    %add3A_4 = arith.addi %mul3A_2, %add3A_3 : i32
    %multiple_of3A = tpu.assume_multiple %add3A_4, 8192 : i32
    %dma_start3A = arith.constant 0 : i32
    %dma_start3A_5 = arith.constant 0 : i32
    %dma_start3A_6 = tpu.memref_slice %arg5[%dma_start3A, %dma_start3A_5] : memref<2x8192xf32, #tpu.memory_space<vmem>> -> memref<1x8192xf32, #tpu.memory_space<vmem>>
    %dma_start3A_7 = tpu.memref_squeeze %dma_start3A_6 : memref<1x8192xf32, #tpu.memory_space<vmem>> -> memref<8192xf32, #tpu.memory_space<vmem>>
    %dma_start3A_8 = tpu.memref_slice %arg2[%multiple_of3A] : memref<8388608xf32, #tpu.memory_space<hbm>> -> memref<8192xf32, #tpu.memory_space<hbm>>
    %dma_start3A_9 = arith.constant 0 : i32
    %dma_start3A_10 = tpu.memref_slice %arg5[%dma_start3A, %dma_start3A_9] : memref<2x8192xf32, #tpu.memory_space<vmem>> -> memref<1x8192xf32, #tpu.memory_space<vmem>>
    %dma_start3A_11 = tpu.memref_squeeze %dma_start3A_10 : memref<1x8192xf32, #tpu.memory_space<vmem>> -> memref<8192xf32, #tpu.memory_space<vmem>>
    %dma_start3A_12 = tpu.memref_slice %arg2[%multiple_of3A] : memref<8388608xf32, #tpu.memory_space<hbm>> -> memref<8192xf32, #tpu.memory_space<hbm>>
    tpu.enqueue_dma source(%dma_start3A_12 : memref<8192xf32, #tpu.memory_space<hbm>>) target(%dma_start3A_11 : memref<8192xf32, #tpu.memory_space<vmem>>) target_semaphore(%arg8 : memref<!tpu.dma_semaphore, #tpu.memory_space<semaphore_mem>>)
    %dma_start3A_13 = arith.constant 0 : i32
    %dma_start3A_14 = arith.constant 0 : i32
    %dma_start3A_15 = tpu.memref_slice %arg6[%dma_start3A_13, %dma_start3A_14] : memref<2x8192xf32, #tpu.memory_space<vmem>> -> memref<1x8192xf32, #tpu.memory_space<vmem>>
    %dma_start3A_16 = tpu.memref_squeeze %dma_start3A_15 : memref<1x8192xf32, #tpu.memory_space<vmem>> -> memref<8192xf32, #tpu.memory_space<vmem>>
    %dma_start3A_17 = tpu.memref_slice %arg3[%multiple_of3A] : memref<8388608xf32, #tpu.memory_space<hbm>> -> memref<8192xf32, #tpu.memory_space<hbm>>
    %dma_start3A_18 = arith.constant 0 : i32
    %dma_start3A_19 = tpu.memref_slice %arg6[%dma_start3A_13, %dma_start3A_18] : memref<2x8192xf32, #tpu.memory_space<vmem>> -> memref<1x8192xf32, #tpu.memory_space<vmem>>
    %dma_start3A_20 = tpu.memref_squeeze %dma_start3A_19 : memref<1x8192xf32, #tpu.memory_space<vmem>> -> memref<8192xf32, #tpu.memory_space<vmem>>
    %dma_start3A_21 = tpu.memref_slice %arg3[%multiple_of3A] : memref<8388608xf32, #tpu.memory_space<hbm>> -> memref<8192xf32, #tpu.memory_space<hbm>>
    tpu.enqueue_dma source(%dma_start3A_21 : memref<8192xf32, #tpu.memory_space<hbm>>) target(%dma_start3A_20 : memref<8192xf32, #tpu.memory_space<vmem>>) target_semaphore(%arg8 : memref<!tpu.dma_semaphore, #tpu.memory_space<semaphore_mem>>)
    %add3A_22 = arith.constant 8192 : i32
    %add3A_23 = arith.addi %mul3A_2, %add3A_22 : i32
    %multiple_of3A_24 = tpu.assume_multiple %add3A_23, 8192 : i32
    %dma_start3A_25 = arith.constant 1 : i32
    %dma_start3A_26 = arith.constant 0 : i32
    %dma_start3A_27 = tpu.memref_slice %arg5[%dma_start3A_25, %dma_start3A_26] : memref<2x8192xf32, #tpu.memory_space<vmem>> -> memref<1x8192xf32, #tpu.memory_space<vmem>>
    %dma_start3A_28 = tpu.memref_squeeze %dma_start3A_27 : memref<1x8192xf32, #tpu.memory_space<vmem>> -> memref<8192xf32, #tpu.memory_space<vmem>>
    %dma_start3A_29 = tpu.memref_slice %arg2[%multiple_of3A_24] : memref<8388608xf32, #tpu.memory_space<hbm>> -> memref<8192xf32, #tpu.memory_space<hbm>>
    %dma_start3A_30 = arith.constant 0 : i32
    %dma_start3A_31 = tpu.memref_slice %arg5[%dma_start3A_25, %dma_start3A_30] : memref<2x8192xf32, #tpu.memory_space<vmem>> -> memref<1x8192xf32, #tpu.memory_space<vmem>>
    %dma_start3A_32 = tpu.memref_squeeze %dma_start3A_31 : memref<1x8192xf32, #tpu.memory_space<vmem>> -> memref<8192xf32, #tpu.memory_space<vmem>>
    %dma_start3A_33 = tpu.memref_slice %arg2[%multiple_of3A_24] : memref<8388608xf32, #tpu.memory_space<hbm>> -> memref<8192xf32, #tpu.memory_space<hbm>>
    tpu.enqueue_dma source(%dma_start3A_33 : memref<8192xf32, #tpu.memory_space<hbm>>) target(%dma_start3A_32 : memref<8192xf32, #tpu.memory_space<vmem>>) target_semaphore(%arg9 : memref<!tpu.dma_semaphore, #tpu.memory_space<semaphore_mem>>)
    %dma_start3A_34 = arith.constant 1 : i32
    %dma_start3A_35 = arith.constant 0 : i32
    %dma_start3A_36 = tpu.memref_slice %arg6[%dma_start3A_34, %dma_start3A_35] : memref<2x8192xf32, #tpu.memory_space<vmem>> -> memref<1x8192xf32, #tpu.memory_space<vmem>>
    %dma_start3A_37 = tpu.memref_squeeze %dma_start3A_36 : memref<1x8192xf32, #tpu.memory_space<vmem>> -> memref<8192xf32, #tpu.memory_space<vmem>>
    %dma_start3A_38 = tpu.memref_slice %arg3[%multiple_of3A_24] : memref<8388608xf32, #tpu.memory_space<hbm>> -> memref<8192xf32, #tpu.memory_space<hbm>>
    %dma_start3A_39 = arith.constant 0 : i32
    %dma_start3A_40 = tpu.memref_slice %arg6[%dma_start3A_34, %dma_start3A_39] : memref<2x8192xf32, #tpu.memory_space<vmem>> -> memref<1x8192xf32, #tpu.memory_space<vmem>>
    %dma_start3A_41 = tpu.memref_squeeze %dma_start3A_40 : memref<1x8192xf32, #tpu.memory_space<vmem>> -> memref<8192xf32, #tpu.memory_space<vmem>>
    %dma_start3A_42 = tpu.memref_slice %arg3[%multiple_of3A_24] : memref<8388608xf32, #tpu.memory_space<hbm>> -> memref<8192xf32, #tpu.memory_space<hbm>>
    tpu.enqueue_dma source(%dma_start3A_42 : memref<8192xf32, #tpu.memory_space<hbm>>) target(%dma_start3A_41 : memref<8192xf32, #tpu.memory_space<vmem>>) target_semaphore(%arg9 : memref<!tpu.dma_semaphore, #tpu.memory_space<semaphore_mem>>)
    %broadcast_in_dim3A = arith.constant 0x7F800000 : f32
    %broadcast_in_dim3A_43 = vector.broadcast %broadcast_in_dim3A : f32 to vector<16xf32>
    %broadcast_in_dim3A_44 = arith.constant 0xFF800000 : f32
    %broadcast_in_dim3A_45 = vector.broadcast %broadcast_in_dim3A_44 : f32 to vector<16xf32>
    %scan3A = arith.constant 0 : i32
    %scan3A_46 = arith.constant 16 : i32
    %scan3A_47 = arith.addi %scan3A, %scan3A_46 : i32
    %scan3A_48 = arith.constant 1 : i32
    %scan3A_49:2 = scf.for %scan3A_58 = %scan3A to %scan3A_47 step %scan3A_48 iter_args(%scan3A_59 = %broadcast_in_dim3A_43, %scan3A_60 = %broadcast_in_dim3A_45) -> (vector<16xf32>, vector<16xf32>)  : i32 {
      %mul3A_61 = arith.constant 2 : i32
      %mul3A_62 = arith.muli %scan3A_58, %mul3A_61 : i32
      %dma_wait3A = arith.constant 0 : i32
      %dma_wait3A_63 = arith.constant 0 : i32
      %dma_wait3A_64 = tpu.memref_slice %arg5[%dma_wait3A, %dma_wait3A_63] : memref<2x8192xf32, #tpu.memory_space<vmem>> -> memref<1x8192xf32, #tpu.memory_space<vmem>>
      %dma_wait3A_65 = tpu.memref_squeeze %dma_wait3A_64 : memref<1x8192xf32, #tpu.memory_space<vmem>> -> memref<8192xf32, #tpu.memory_space<vmem>>
      %dma_wait3A_66 = arith.constant 0 : i32
      %dma_wait3A_67 = tpu.memref_slice %arg2[%dma_wait3A_66] : memref<8388608xf32, #tpu.memory_space<hbm>> -> memref<8192xf32, #tpu.memory_space<hbm>>
      %dma_wait3A_68 = arith.constant 0 : i32
      %dma_wait3A_69 = tpu.memref_slice %arg5[%dma_wait3A, %dma_wait3A_68] : memref<2x8192xf32, #tpu.memory_space<vmem>> -> memref<1x8192xf32, #tpu.memory_space<vmem>>
      %dma_wait3A_70 = tpu.memref_squeeze %dma_wait3A_69 : memref<1x8192xf32, #tpu.memory_space<vmem>> -> memref<8192xf32, #tpu.memory_space<vmem>>
      %dma_wait3A_71 = arith.constant 0 : i32
      %dma_wait3A_72 = tpu.memref_slice %arg2[%dma_wait3A_71] : memref<8388608xf32, #tpu.memory_space<hbm>> -> memref<8192xf32, #tpu.memory_space<hbm>>
      tpu.wait_dma2 semaphore(%arg8 : memref<!tpu.dma_semaphore, #tpu.memory_space<semaphore_mem>>) src(%dma_wait3A_72 : memref<8192xf32, #tpu.memory_space<hbm>>) dst(%dma_wait3A_70 : memref<8192xf32, #tpu.memory_space<vmem>>)
      %dma_wait3A_73 = arith.constant 0 : i32
      %dma_wait3A_74 = arith.constant 0 : i32
      %dma_wait3A_75 = tpu.memref_slice %arg6[%dma_wait3A_73, %dma_wait3A_74] : memref<2x8192xf32, #tpu.memory_space<vmem>> -> memref<1x8192xf32, #tpu.memory_space<vmem>>
      %dma_wait3A_76 = tpu.memref_squeeze %dma_wait3A_75 : memref<1x8192xf32, #tpu.memory_space<vmem>> -> memref<8192xf32, #tpu.memory_space<vmem>>
      %dma_wait3A_77 = arith.constant 0 : i32
      %dma_wait3A_78 = tpu.memref_slice %arg3[%dma_wait3A_77] : memref<8388608xf32, #tpu.memory_space<hbm>> -> memref<8192xf32, #tpu.memory_space<hbm>>
      %dma_wait3A_79 = arith.constant 0 : i32
      %dma_wait3A_80 = tpu.memref_slice %arg6[%dma_wait3A_73, %dma_wait3A_79] : memref<2x8192xf32, #tpu.memory_space<vmem>> -> memref<1x8192xf32, #tpu.memory_space<vmem>>
      %dma_wait3A_81 = tpu.memref_squeeze %dma_wait3A_80 : memref<1x8192xf32, #tpu.memory_space<vmem>> -> memref<8192xf32, #tpu.memory_space<vmem>>
      %dma_wait3A_82 = arith.constant 0 : i32
      %dma_wait3A_83 = tpu.memref_slice %arg3[%dma_wait3A_82] : memref<8388608xf32, #tpu.memory_space<hbm>> -> memref<8192xf32, #tpu.memory_space<hbm>>
      tpu.wait_dma2 semaphore(%arg8 : memref<!tpu.dma_semaphore, #tpu.memory_space<semaphore_mem>>) src(%dma_wait3A_83 : memref<8192xf32, #tpu.memory_space<hbm>>) dst(%dma_wait3A_81 : memref<8192xf32, #tpu.memory_space<vmem>>)
      %parallel_loop3A = arith.constant 0 : i32
      %parallel_loop3A_84 = arith.constant 512 : i32
      %parallel_loop3A_85 = arith.constant 1 : i32
      %parallel_loop3A_86:2 = scf.for %parallel_loop3A_126 = %parallel_loop3A to %parallel_loop3A_84 step %parallel_loop3A_85 iter_args(%parallel_loop3A_127 = %scan3A_59, %parallel_loop3A_128 = %scan3A_60) -> (vector<16xf32>, vector<16xf32>)  : i32 {
        %parallel_loop3A_129 = arith.constant 16 : i32
        %parallel_loop3A_130 = arith.muli %parallel_loop3A_126, %parallel_loop3A_129 : i32
        %parallel_loop3A_131 = arith.constant 0 : i32
        %parallel_loop3A_132 = arith.index_cast %parallel_loop3A_131 : i32 to index
        %parallel_loop3A_133 = arith.index_cast %parallel_loop3A_130 : i32 to index
        %parallel_loop3A_134 = tpu.vector_load %arg5[%parallel_loop3A_132, %parallel_loop3A_133] {strides = array<i32>} : memref<2x8192xf32, #tpu.memory_space<vmem>>, vector<16xf32>,
        %parallel_loop3A_135 = arith.constant 16 : i32
        %parallel_loop3A_136 = arith.muli %parallel_loop3A_126, %parallel_loop3A_135 : i32
        %parallel_loop3A_137 = arith.constant 0 : i32
        %parallel_loop3A_138 = arith.index_cast %parallel_loop3A_137 : i32 to index
        %parallel_loop3A_139 = arith.index_cast %parallel_loop3A_136 : i32 to index
        %parallel_loop3A_140 = tpu.vector_load %arg6[%parallel_loop3A_138, %parallel_loop3A_139] {strides = array<i32>} : memref<2x8192xf32, #tpu.memory_space<vmem>>, vector<16xf32>,
        %parallel_loop3A_141 = arith.minimumf %parallel_loop3A_134, %parallel_loop3A_140 : vector<16xf32>
        %parallel_loop3A_142 = arith.minimumf %parallel_loop3A_127, %parallel_loop3A_141 : vector<16xf32>
        %parallel_loop3A_143 = arith.maximumf %parallel_loop3A_134, %parallel_loop3A_140 : vector<16xf32>
        %parallel_loop3A_144 = arith.maximumf %parallel_loop3A_128, %parallel_loop3A_143 : vector<16xf32>
        scf.yield %parallel_loop3A_142, %parallel_loop3A_144 : vector<16xf32>, vector<16xf32>
      } {sc.loop_unroll_factor = 4 : i64, sc.parallel_access}
      %add3A_87 = arith.constant 2 : i32
      %add3A_88 = arith.addi %mul3A_62, %add3A_87 : i32
      %lt3A = arith.constant 32 : i32
      %lt3A_89 = arith.cmpi slt, %add3A_88, %lt3A : i32
      %convert_element_type3A = arith.extui %lt3A_89 : i1 to i32
      %cond3A = arith.constant 0 : i32
      %cond3A_90 = arith.cmpi ne, %convert_element_type3A, %cond3A : i32
      scf.if %cond3A_90 {
        %add3A_126 = arith.constant 2 : i32
        %add3A_127 = arith.addi %mul3A_62, %add3A_126 : i32
        %mul3A_128 = arith.constant 8192 : i32
        %mul3A_129 = arith.muli %add3A_127, %mul3A_128 : i32
        %add3A_130 = arith.addi %mul3A_2, %mul3A_129 : i32
        %multiple_of3A_131 = tpu.assume_multiple %add3A_130, 8192 : i32
        %dma_start3A_132 = arith.constant 0 : i32
        %dma_start3A_133 = arith.constant 0 : i32
        %dma_start3A_134 = tpu.memref_slice %arg5[%dma_start3A_132, %dma_start3A_133] : memref<2x8192xf32, #tpu.memory_space<vmem>> -> memref<1x8192xf32, #tpu.memory_space<vmem>>
        %dma_start3A_135 = tpu.memref_squeeze %dma_start3A_134 : memref<1x8192xf32, #tpu.memory_space<vmem>> -> memref<8192xf32, #tpu.memory_space<vmem>>
        %dma_start3A_136 = tpu.memref_slice %arg2[%multiple_of3A_131] : memref<8388608xf32, #tpu.memory_space<hbm>> -> memref<8192xf32, #tpu.memory_space<hbm>>
        %dma_start3A_137 = arith.constant 0 : i32
        %dma_start3A_138 = tpu.memref_slice %arg5[%dma_start3A_132, %dma_start3A_137] : memref<2x8192xf32, #tpu.memory_space<vmem>> -> memref<1x8192xf32, #tpu.memory_space<vmem>>
        %dma_start3A_139 = tpu.memref_squeeze %dma_start3A_138 : memref<1x8192xf32, #tpu.memory_space<vmem>> -> memref<8192xf32, #tpu.memory_space<vmem>>
        %dma_start3A_140 = tpu.memref_slice %arg2[%multiple_of3A_131] : memref<8388608xf32, #tpu.memory_space<hbm>> -> memref<8192xf32, #tpu.memory_space<hbm>>
        tpu.enqueue_dma source(%dma_start3A_140 : memref<8192xf32, #tpu.memory_space<hbm>>) target(%dma_start3A_139 : memref<8192xf32, #tpu.memory_space<vmem>>) target_semaphore(%arg8 : memref<!tpu.dma_semaphore, #tpu.memory_space<semaphore_mem>>)
        %dma_start3A_141 = arith.constant 0 : i32
        %dma_start3A_142 = arith.constant 0 : i32
        %dma_start3A_143 = tpu.memref_slice %arg6[%dma_start3A_141, %dma_start3A_142] : memref<2x8192xf32, #tpu.memory_space<vmem>> -> memref<1x8192xf32, #tpu.memory_space<vmem>>
        %dma_start3A_144 = tpu.memref_squeeze %dma_start3A_143 : memref<1x8192xf32, #tpu.memory_space<vmem>> -> memref<8192xf32, #tpu.memory_space<vmem>>
        %dma_start3A_145 = tpu.memref_slice %arg3[%multiple_of3A_131] : memref<8388608xf32, #tpu.memory_space<hbm>> -> memref<8192xf32, #tpu.memory_space<hbm>>
        %dma_start3A_146 = arith.constant 0 : i32
        %dma_start3A_147 = tpu.memref_slice %arg6[%dma_start3A_141, %dma_start3A_146] : memref<2x8192xf32, #tpu.memory_space<vmem>> -> memref<1x8192xf32, #tpu.memory_space<vmem>>
        %dma_start3A_148 = tpu.memref_squeeze %dma_start3A_147 : memref<1x8192xf32, #tpu.memory_space<vmem>> -> memref<8192xf32, #tpu.memory_space<vmem>>
        %dma_start3A_149 = tpu.memref_slice %arg3[%multiple_of3A_131] : memref<8388608xf32, #tpu.memory_space<hbm>> -> memref<8192xf32, #tpu.memory_space<hbm>>
        tpu.enqueue_dma source(%dma_start3A_149 : memref<8192xf32, #tpu.memory_space<hbm>>) target(%dma_start3A_148 : memref<8192xf32, #tpu.memory_space<vmem>>) target_semaphore(%arg8 : memref<!tpu.dma_semaphore, #tpu.memory_space<semaphore_mem>>)
      } else {
      }
      %add3A_91 = arith.constant 1 : i32
      %add3A_92 = arith.addi %mul3A_62, %add3A_91 : i32
      %dma_wait3A_93 = arith.constant 1 : i32
      %dma_wait3A_94 = arith.constant 0 : i32
      %dma_wait3A_95 = tpu.memref_slice %arg5[%dma_wait3A_93, %dma_wait3A_94] : memref<2x8192xf32, #tpu.memory_space<vmem>> -> memref<1x8192xf32, #tpu.memory_space<vmem>>
      %dma_wait3A_96 = tpu.memref_squeeze %dma_wait3A_95 : memref<1x8192xf32, #tpu.memory_space<vmem>> -> memref<8192xf32, #tpu.memory_space<vmem>>
      %dma_wait3A_97 = arith.constant 0 : i32
      %dma_wait3A_98 = tpu.memref_slice %arg2[%dma_wait3A_97] : memref<8388608xf32, #tpu.memory_space<hbm>> -> memref<8192xf32, #tpu.memory_space<hbm>>
      %dma_wait3A_99 = arith.constant 0 : i32
      %dma_wait3A_100 = tpu.memref_slice %arg5[%dma_wait3A_93, %dma_wait3A_99] : memref<2x8192xf32, #tpu.memory_space<vmem>> -> memref<1x8192xf32, #tpu.memory_space<vmem>>
      %dma_wait3A_101 = tpu.memref_squeeze %dma_wait3A_100 : memref<1x8192xf32, #tpu.memory_space<vmem>> -> memref<8192xf32, #tpu.memory_space<vmem>>
      %dma_wait3A_102 = arith.constant 0 : i32
      %dma_wait3A_103 = tpu.memref_slice %arg2[%dma_wait3A_102] : memref<8388608xf32, #tpu.memory_space<hbm>> -> memref<8192xf32, #tpu.memory_space<hbm>>
      tpu.wait_dma2 semaphore(%arg9 : memref<!tpu.dma_semaphore, #tpu.memory_space<semaphore_mem>>) src(%dma_wait3A_103 : memref<8192xf32, #tpu.memory_space<hbm>>) dst(%dma_wait3A_101 : memref<8192xf32, #tpu.memory_space<vmem>>)
      %dma_wait3A_104 = arith.constant 1 : i32
      %dma_wait3A_105 = arith.constant 0 : i32
      %dma_wait3A_106 = tpu.memref_slice %arg6[%dma_wait3A_104, %dma_wait3A_105] : memref<2x8192xf32, #tpu.memory_space<vmem>> -> memref<1x8192xf32, #tpu.memory_space<vmem>>
      %dma_wait3A_107 = tpu.memref_squeeze %dma_wait3A_106 : memref<1x8192xf32, #tpu.memory_space<vmem>> -> memref<8192xf32, #tpu.memory_space<vmem>>
      %dma_wait3A_108 = arith.constant 0 : i32
      %dma_wait3A_109 = tpu.memref_slice %arg3[%dma_wait3A_108] : memref<8388608xf32, #tpu.memory_space<hbm>> -> memref<8192xf32, #tpu.memory_space<hbm>>
      %dma_wait3A_110 = arith.constant 0 : i32
      %dma_wait3A_111 = tpu.memref_slice %arg6[%dma_wait3A_104, %dma_wait3A_110] : memref<2x8192xf32, #tpu.memory_space<vmem>> -> memref<1x8192xf32, #tpu.memory_space<vmem>>
      %dma_wait3A_112 = tpu.memref_squeeze %dma_wait3A_111 : memref<1x8192xf32, #tpu.memory_space<vmem>> -> memref<8192xf32, #tpu.memory_space<vmem>>
      %dma_wait3A_113 = arith.constant 0 : i32
      %dma_wait3A_114 = tpu.memref_slice %arg3[%dma_wait3A_113] : memref<8388608xf32, #tpu.memory_space<hbm>> -> memref<8192xf32, #tpu.memory_space<hbm>>
      tpu.wait_dma2 semaphore(%arg9 : memref<!tpu.dma_semaphore, #tpu.memory_space<semaphore_mem>>) src(%dma_wait3A_114 : memref<8192xf32, #tpu.memory_space<hbm>>) dst(%dma_wait3A_112 : memref<8192xf32, #tpu.memory_space<vmem>>)
      %parallel_loop3A_115 = arith.constant 0 : i32
      %parallel_loop3A_116 = arith.constant 512 : i32
      %parallel_loop3A_117 = arith.constant 1 : i32
      %parallel_loop3A_118:2 = scf.for %parallel_loop3A_126 = %parallel_loop3A_115 to %parallel_loop3A_116 step %parallel_loop3A_117 iter_args(%parallel_loop3A_127 = %parallel_loop3A_86#0, %parallel_loop3A_128 = %parallel_loop3A_86#1) -> (vector<16xf32>, vector<16xf32>)  : i32 {
        %parallel_loop3A_129 = arith.constant 16 : i32
        %parallel_loop3A_130 = arith.muli %parallel_loop3A_126, %parallel_loop3A_129 : i32
        %parallel_loop3A_131 = arith.constant 1 : i32
        %parallel_loop3A_132 = arith.index_cast %parallel_loop3A_131 : i32 to index
        %parallel_loop3A_133 = arith.index_cast %parallel_loop3A_130 : i32 to index
        %parallel_loop3A_134 = tpu.vector_load %arg5[%parallel_loop3A_132, %parallel_loop3A_133] {strides = array<i32>} : memref<2x8192xf32, #tpu.memory_space<vmem>>, vector<16xf32>,
        %parallel_loop3A_135 = arith.constant 16 : i32
        %parallel_loop3A_136 = arith.muli %parallel_loop3A_126, %parallel_loop3A_135 : i32
        %parallel_loop3A_137 = arith.constant 1 : i32
        %parallel_loop3A_138 = arith.index_cast %parallel_loop3A_137 : i32 to index
        %parallel_loop3A_139 = arith.index_cast %parallel_loop3A_136 : i32 to index
        %parallel_loop3A_140 = tpu.vector_load %arg6[%parallel_loop3A_138, %parallel_loop3A_139] {strides = array<i32>} : memref<2x8192xf32, #tpu.memory_space<vmem>>, vector<16xf32>,
        %parallel_loop3A_141 = arith.minimumf %parallel_loop3A_134, %parallel_loop3A_140 : vector<16xf32>
        %parallel_loop3A_142 = arith.minimumf %parallel_loop3A_127, %parallel_loop3A_141 : vector<16xf32>
        %parallel_loop3A_143 = arith.maximumf %parallel_loop3A_134, %parallel_loop3A_140 : vector<16xf32>
        %parallel_loop3A_144 = arith.maximumf %parallel_loop3A_128, %parallel_loop3A_143 : vector<16xf32>
        scf.yield %parallel_loop3A_142, %parallel_loop3A_144 : vector<16xf32>, vector<16xf32>
      } {sc.loop_unroll_factor = 4 : i64, sc.parallel_access}
      %add3A_119 = arith.constant 2 : i32
      %add3A_120 = arith.addi %add3A_92, %add3A_119 : i32
      %lt3A_121 = arith.constant 32 : i32
      %lt3A_122 = arith.cmpi slt, %add3A_120, %lt3A_121 : i32
      %convert_element_type3A_123 = arith.extui %lt3A_122 : i1 to i32
      %cond3A_124 = arith.constant 0 : i32
      %cond3A_125 = arith.cmpi ne, %convert_element_type3A_123, %cond3A_124 : i32
      scf.if %cond3A_125 {
        %add3A_126 = arith.constant 2 : i32
        %add3A_127 = arith.addi %add3A_92, %add3A_126 : i32
        %mul3A_128 = arith.constant 8192 : i32
        %mul3A_129 = arith.muli %add3A_127, %mul3A_128 : i32
        %add3A_130 = arith.addi %mul3A_2, %mul3A_129 : i32
        %multiple_of3A_131 = tpu.assume_multiple %add3A_130, 8192 : i32
        %dma_start3A_132 = arith.constant 1 : i32
        %dma_start3A_133 = arith.constant 0 : i32
        %dma_start3A_134 = tpu.memref_slice %arg5[%dma_start3A_132, %dma_start3A_133] : memref<2x8192xf32, #tpu.memory_space<vmem>> -> memref<1x8192xf32, #tpu.memory_space<vmem>>
        %dma_start3A_135 = tpu.memref_squeeze %dma_start3A_134 : memref<1x8192xf32, #tpu.memory_space<vmem>> -> memref<8192xf32, #tpu.memory_space<vmem>>
        %dma_start3A_136 = tpu.memref_slice %arg2[%multiple_of3A_131] : memref<8388608xf32, #tpu.memory_space<hbm>> -> memref<8192xf32, #tpu.memory_space<hbm>>
        %dma_start3A_137 = arith.constant 0 : i32
        %dma_start3A_138 = tpu.memref_slice %arg5[%dma_start3A_132, %dma_start3A_137] : memref<2x8192xf32, #tpu.memory_space<vmem>> -> memref<1x8192xf32, #tpu.memory_space<vmem>>
        %dma_start3A_139 = tpu.memref_squeeze %dma_start3A_138 : memref<1x8192xf32, #tpu.memory_space<vmem>> -> memref<8192xf32, #tpu.memory_space<vmem>>
        %dma_start3A_140 = tpu.memref_slice %arg2[%multiple_of3A_131] : memref<8388608xf32, #tpu.memory_space<hbm>> -> memref<8192xf32, #tpu.memory_space<hbm>>
        tpu.enqueue_dma source(%dma_start3A_140 : memref<8192xf32, #tpu.memory_space<hbm>>) target(%dma_start3A_139 : memref<8192xf32, #tpu.memory_space<vmem>>) target_semaphore(%arg9 : memref<!tpu.dma_semaphore, #tpu.memory_space<semaphore_mem>>)
        %dma_start3A_141 = arith.constant 1 : i32
        %dma_start3A_142 = arith.constant 0 : i32
        %dma_start3A_143 = tpu.memref_slice %arg6[%dma_start3A_141, %dma_start3A_142] : memref<2x8192xf32, #tpu.memory_space<vmem>> -> memref<1x8192xf32, #tpu.memory_space<vmem>>
        %dma_start3A_144 = tpu.memref_squeeze %dma_start3A_143 : memref<1x8192xf32, #tpu.memory_space<vmem>> -> memref<8192xf32, #tpu.memory_space<vmem>>
        %dma_start3A_145 = tpu.memref_slice %arg3[%multiple_of3A_131] : memref<8388608xf32, #tpu.memory_space<hbm>> -> memref<8192xf32, #tpu.memory_space<hbm>>
        %dma_start3A_146 = arith.constant 0 : i32
        %dma_start3A_147 = tpu.memref_slice %arg6[%dma_start3A_141, %dma_start3A_146] : memref<2x8192xf32, #tpu.memory_space<vmem>> -> memref<1x8192xf32, #tpu.memory_space<vmem>>
        %dma_start3A_148 = tpu.memref_squeeze %dma_start3A_147 : memref<1x8192xf32, #tpu.memory_space<vmem>> -> memref<8192xf32, #tpu.memory_space<vmem>>
        %dma_start3A_149 = tpu.memref_slice %arg3[%multiple_of3A_131] : memref<8388608xf32, #tpu.memory_space<hbm>> -> memref<8192xf32, #tpu.memory_space<hbm>>
        tpu.enqueue_dma source(%dma_start3A_149 : memref<8192xf32, #tpu.memory_space<hbm>>) target(%dma_start3A_148 : memref<8192xf32, #tpu.memory_space<vmem>>) target_semaphore(%arg9 : memref<!tpu.dma_semaphore, #tpu.memory_space<semaphore_mem>>)
      } else {
      }
      scf.yield %parallel_loop3A_118#0, %parallel_loop3A_118#1 : vector<16xf32>, vector<16xf32>
    }
    %scan3A_50 = arith.constant 16 : i32
    %swap3A = arith.constant 0 : i32
    %swap3A_51 = arith.index_cast %swap3A : i32 to index
    %swap3A_52 = arith.constant 0 : index
    %swap3A_53 = tpu.vector_load %arg7[%swap3A_51, %swap3A_52] {strides = array<i32>} : memref<2x16xf32, #tpu.memory_space<vmem>>, vector<16xf32>,
    tpu.vector_store %arg7[%swap3A_51, %swap3A_52], %scan3A_49#0 {strides = array<i32>} : memref<2x16xf32, #tpu.memory_space<vmem>>, vector<16xf32>,
    %swap3A_54 = arith.constant 1 : i32
    %swap3A_55 = arith.index_cast %swap3A_54 : i32 to index
    %swap3A_56 = arith.constant 0 : index
    %swap3A_57 = tpu.vector_load %arg7[%swap3A_55, %swap3A_56] {strides = array<i32>} : memref<2x16xf32, #tpu.memory_space<vmem>>, vector<16xf32>,
    tpu.vector_store %arg7[%swap3A_55, %swap3A_56], %scan3A_49#1 {strides = array<i32>} : memref<2x16xf32, #tpu.memory_space<vmem>>, vector<16xf32>,
    "tpu.region"() ({
      %run_scoped3A = tpu.sem_alloc : memref<!tpu.dma_semaphore, #tpu.memory_space<semaphore_mem>>
      %dma_start3A_58 = arith.constant 0 : i32
      %dma_start3A_59 = arith.constant 0 : i32
      %dma_start3A_60 = tpu.memref_slice %arg4[%add3A, %dma_start3A_58, %dma_start3A_59] : memref<32x2x16xf32, #tpu.memory_space<hbm>> -> memref<1x2x16xf32, #tpu.memory_space<hbm>>
      %dma_start3A_61 = tpu.memref_squeeze %dma_start3A_60 : memref<1x2x16xf32, #tpu.memory_space<hbm>> -> memref<2x16xf32, #tpu.memory_space<hbm>>
      %dma_start3A_62 = arith.constant 0 : i32
      %dma_start3A_63 = arith.constant 0 : i32
      %dma_start3A_64 = tpu.memref_slice %arg4[%add3A, %dma_start3A_62, %dma_start3A_63] : memref<32x2x16xf32, #tpu.memory_space<hbm>> -> memref<1x2x16xf32, #tpu.memory_space<hbm>>
      %dma_start3A_65 = tpu.memref_squeeze %dma_start3A_64 : memref<1x2x16xf32, #tpu.memory_space<hbm>> -> memref<2x16xf32, #tpu.memory_space<hbm>>
      tpu.enqueue_dma source(%arg7 : memref<2x16xf32, #tpu.memory_space<vmem>>) target(%dma_start3A_65 : memref<2x16xf32, #tpu.memory_space<hbm>>) target_semaphore(%run_scoped3A : memref<!tpu.dma_semaphore, #tpu.memory_space<semaphore_mem>>)
      %dma_wait3A = arith.constant 0 : i32
      %dma_wait3A_66 = arith.constant 0 : i32
      %dma_wait3A_67 = tpu.memref_slice %arg4[%add3A, %dma_wait3A, %dma_wait3A_66] : memref<32x2x16xf32, #tpu.memory_space<hbm>> -> memref<1x2x16xf32, #tpu.memory_space<hbm>>
      %dma_wait3A_68 = tpu.memref_squeeze %dma_wait3A_67 : memref<1x2x16xf32, #tpu.memory_space<hbm>> -> memref<2x16xf32, #tpu.memory_space<hbm>>
      %dma_wait3A_69 = arith.constant 0 : i32
      %dma_wait3A_70 = arith.constant 0 : i32
      %dma_wait3A_71 = tpu.memref_slice %arg4[%add3A, %dma_wait3A_69, %dma_wait3A_70] : memref<32x2x16xf32, #tpu.memory_space<hbm>> -> memref<1x2x16xf32, #tpu.memory_space<hbm>>
      %dma_wait3A_72 = tpu.memref_squeeze %dma_wait3A_71 : memref<1x2x16xf32, #tpu.memory_space<hbm>> -> memref<2x16xf32, #tpu.memory_space<hbm>>
      tpu.wait_dma2 semaphore(%run_scoped3A : memref<!tpu.dma_semaphore, #tpu.memory_space<semaphore_mem>>) src(%arg7 : memref<2x16xf32, #tpu.memory_space<vmem>>) dst(%dma_wait3A_72 : memref<2x16xf32, #tpu.memory_space<hbm>>)
      tpu.yield
    }) : () -> ()
    return
  }
}

#map = affine_map<(d0, d1) -> (0)>
#map1 = affine_map<(d0, d1) -> (0, 0, 0)>
#map2 = affine_map<(d0, d1) -> (0, 0)>
module attributes {stable_mosaic.version = 14 : i64} {
  func.func @_hist_kernel(%arg0: i32, %arg1: i32, %arg2: memref<8388608xf32, #tpu.memory_space<hbm>>, %arg3: memref<8388608xf32, #tpu.memory_space<hbm>>, %arg4: memref<8388608xf32, #tpu.memory_space<hbm>>, %arg5: memref<32x2x16xf32, #tpu.memory_space<hbm>>, %arg6: memref<32x2048xf32, #tpu.memory_space<hbm>>, %arg7: memref<32x2048xf32, #tpu.memory_space<hbm>>, %arg8: memref<32x2048xf32, #tpu.memory_space<hbm>>, %arg9: memref<32x2048xf32, #tpu.memory_space<hbm>>, %arg10: memref<4x8192xf32, #tpu.memory_space<vmem>>, %arg11: memref<4x8192xf32, #tpu.memory_space<vmem>>, %arg12: memref<4x8192xf32, #tpu.memory_space<vmem>>, %arg13: memref<32x2x16xf32, #tpu.memory_space<vmem>>, %arg14: memref<2048xf32, #tpu.memory_space<vmem>>, %arg15: memref<2048xf32, #tpu.memory_space<vmem>>, %arg16: memref<2048xf32, #tpu.memory_space<vmem>>, %arg17: memref<2048xf32, #tpu.memory_space<vmem>>, %arg18: memref<!tpu.dma_semaphore, #tpu.memory_space<semaphore_mem>>, %arg19: memref<!tpu.dma_semaphore, #tpu.memory_space<semaphore_mem>>, %arg20: memref<!tpu.dma_semaphore, #tpu.memory_space<semaphore_mem>>, %arg21: memref<!tpu.dma_semaphore, #tpu.memory_space<semaphore_mem>>) attributes {dimension_semantics = [#tpu.dimension_semantics<core_parallel>, #tpu.dimension_semantics<subcore_parallel>], iteration_bounds = array<i64: 2, 16>, scalar_prefetch = 0 : i64, scratch_operands = 12 : i64, tpu.core_type = #tpu.core_type<sc_vector_subcore>, window_params = [{transform_indices = #map}, {transform_indices = #map}, {transform_indices = #map}, {transform_indices = #map1}, {transform_indices = #map2}, {transform_indices = #map2}, {transform_indices = #map2}, {transform_indices = #map2}]} {
    %mul3A = arith.constant 2 : i32
    %mul3A_0 = arith.muli %arg1, %mul3A : i32
    %add3A = arith.addi %mul3A_0, %arg0 : i32
    %mul3A_1 = arith.constant 262144 : i32
    %mul3A_2 = arith.muli %add3A, %mul3A_1 : i32
    "tpu.region"() ({
      %run_scoped3A = tpu.sem_alloc : memref<!tpu.dma_semaphore, #tpu.memory_space<semaphore_mem>>
      tpu.enqueue_dma source(%arg5 : memref<32x2x16xf32, #tpu.memory_space<hbm>>) target(%arg13 : memref<32x2x16xf32, #tpu.memory_space<vmem>>) target_semaphore(%run_scoped3A : memref<!tpu.dma_semaphore, #tpu.memory_space<semaphore_mem>>)
      tpu.wait_dma2 semaphore(%run_scoped3A : memref<!tpu.dma_semaphore, #tpu.memory_space<semaphore_mem>>) src(%arg5 : memref<32x2x16xf32, #tpu.memory_space<hbm>>) dst(%arg13 : memref<32x2x16xf32, #tpu.memory_space<vmem>>)
      tpu.yield
    }) : () -> ()
    %get3A = arith.constant 0 : i32
    %get3A_3 = arith.constant 0 : i32
    %get3A_4 = arith.index_cast %get3A : i32 to index
    %get3A_5 = arith.index_cast %get3A_3 : i32 to index
    %get3A_6 = arith.constant 0 : index
    %get3A_7 = tpu.vector_load %arg13[%get3A_4, %get3A_5, %get3A_6] {strides = array<i32>} : memref<32x2x16xf32, #tpu.memory_space<vmem>>, vector<16xf32>,
    %get3A_8 = arith.constant 0 : i32
    %get3A_9 = arith.constant 1 : i32
    %get3A_10 = arith.index_cast %get3A_8 : i32 to index
    %get3A_11 = arith.index_cast %get3A_9 : i32 to index
    %get3A_12 = arith.constant 0 : index
    %get3A_13 = tpu.vector_load %arg13[%get3A_10, %get3A_11, %get3A_12] {strides = array<i32>} : memref<32x2x16xf32, #tpu.memory_space<vmem>>, vector<16xf32>,
    %get3A_14 = arith.constant 1 : i32
    %get3A_15 = arith.constant 0 : i32
    %get3A_16 = arith.index_cast %get3A_14 : i32 to index
    %get3A_17 = arith.index_cast %get3A_15 : i32 to index
    %get3A_18 = arith.constant 0 : index
    %get3A_19 = tpu.vector_load %arg13[%get3A_16, %get3A_17, %get3A_18] {strides = array<i32>} : memref<32x2x16xf32, #tpu.memory_space<vmem>>, vector<16xf32>,
    %min3A = arith.minimumf %get3A_7, %get3A_19 : vector<16xf32>
    %get3A_20 = arith.constant 1 : i32
    %get3A_21 = arith.constant 1 : i32
    %get3A_22 = arith.index_cast %get3A_20 : i32 to index
    %get3A_23 = arith.index_cast %get3A_21 : i32 to index
    %get3A_24 = arith.constant 0 : index
    %get3A_25 = tpu.vector_load %arg13[%get3A_22, %get3A_23, %get3A_24] {strides = array<i32>} : memref<32x2x16xf32, #tpu.memory_space<vmem>>, vector<16xf32>,
    %max3A = arith.maximumf %get3A_13, %get3A_25 : vector<16xf32>
    %get3A_26 = arith.constant 2 : i32
    %get3A_27 = arith.constant 0 : i32
    %get3A_28 = arith.index_cast %get3A_26 : i32 to index
    %get3A_29 = arith.index_cast %get3A_27 : i32 to index
    %get3A_30 = arith.constant 0 : index
    %get3A_31 = tpu.vector_load %arg13[%get3A_28, %get3A_29, %get3A_30] {strides = array<i32>} : memref<32x2x16xf32, #tpu.memory_space<vmem>>, vector<16xf32>,
    %min3A_32 = arith.minimumf %min3A, %get3A_31 : vector<16xf32>
    %get3A_33 = arith.constant 2 : i32
    %get3A_34 = arith.constant 1 : i32
    %get3A_35 = arith.index_cast %get3A_33 : i32 to index
    %get3A_36 = arith.index_cast %get3A_34 : i32 to index
    %get3A_37 = arith.constant 0 : index
    %get3A_38 = tpu.vector_load %arg13[%get3A_35, %get3A_36, %get3A_37] {strides = array<i32>} : memref<32x2x16xf32, #tpu.memory_space<vmem>>, vector<16xf32>,
    %max3A_39 = arith.maximumf %max3A, %get3A_38 : vector<16xf32>
    %get3A_40 = arith.constant 3 : i32
    %get3A_41 = arith.constant 0 : i32
    %get3A_42 = arith.index_cast %get3A_40 : i32 to index
    %get3A_43 = arith.index_cast %get3A_41 : i32 to index
    %get3A_44 = arith.constant 0 : index
    %get3A_45 = tpu.vector_load %arg13[%get3A_42, %get3A_43, %get3A_44] {strides = array<i32>} : memref<32x2x16xf32, #tpu.memory_space<vmem>>, vector<16xf32>,
    %min3A_46 = arith.minimumf %min3A_32, %get3A_45 : vector<16xf32>
    %get3A_47 = arith.constant 3 : i32
    %get3A_48 = arith.constant 1 : i32
    %get3A_49 = arith.index_cast %get3A_47 : i32 to index
    %get3A_50 = arith.index_cast %get3A_48 : i32 to index
    %get3A_51 = arith.constant 0 : index
    %get3A_52 = tpu.vector_load %arg13[%get3A_49, %get3A_50, %get3A_51] {strides = array<i32>} : memref<32x2x16xf32, #tpu.memory_space<vmem>>, vector<16xf32>,
    %max3A_53 = arith.maximumf %max3A_39, %get3A_52 : vector<16xf32>
    %get3A_54 = arith.constant 4 : i32
    %get3A_55 = arith.constant 0 : i32
    %get3A_56 = arith.index_cast %get3A_54 : i32 to index
    %get3A_57 = arith.index_cast %get3A_55 : i32 to index
    %get3A_58 = arith.constant 0 : index
    %get3A_59 = tpu.vector_load %arg13[%get3A_56, %get3A_57, %get3A_58] {strides = array<i32>} : memref<32x2x16xf32, #tpu.memory_space<vmem>>, vector<16xf32>,
    %min3A_60 = arith.minimumf %min3A_46, %get3A_59 : vector<16xf32>
    %get3A_61 = arith.constant 4 : i32
    %get3A_62 = arith.constant 1 : i32
    %get3A_63 = arith.index_cast %get3A_61 : i32 to index
    %get3A_64 = arith.index_cast %get3A_62 : i32 to index
    %get3A_65 = arith.constant 0 : index
    %get3A_66 = tpu.vector_load %arg13[%get3A_63, %get3A_64, %get3A_65] {strides = array<i32>} : memref<32x2x16xf32, #tpu.memory_space<vmem>>, vector<16xf32>,
    %max3A_67 = arith.maximumf %max3A_53, %get3A_66 : vector<16xf32>
    %get3A_68 = arith.constant 5 : i32
    %get3A_69 = arith.constant 0 : i32
    %get3A_70 = arith.index_cast %get3A_68 : i32 to index
    %get3A_71 = arith.index_cast %get3A_69 : i32 to index
    %get3A_72 = arith.constant 0 : index
    %get3A_73 = tpu.vector_load %arg13[%get3A_70, %get3A_71, %get3A_72] {strides = array<i32>} : memref<32x2x16xf32, #tpu.memory_space<vmem>>, vector<16xf32>,
    %min3A_74 = arith.minimumf %min3A_60, %get3A_73 : vector<16xf32>
    %get3A_75 = arith.constant 5 : i32
    %get3A_76 = arith.constant 1 : i32
    %get3A_77 = arith.index_cast %get3A_75 : i32 to index
    %get3A_78 = arith.index_cast %get3A_76 : i32 to index
    %get3A_79 = arith.constant 0 : index
    %get3A_80 = tpu.vector_load %arg13[%get3A_77, %get3A_78, %get3A_79] {strides = array<i32>} : memref<32x2x16xf32, #tpu.memory_space<vmem>>, vector<16xf32>,
    %max3A_81 = arith.maximumf %max3A_67, %get3A_80 : vector<16xf32>
    %get3A_82 = arith.constant 6 : i32
    %get3A_83 = arith.constant 0 : i32
    %get3A_84 = arith.index_cast %get3A_82 : i32 to index
    %get3A_85 = arith.index_cast %get3A_83 : i32 to index
    %get3A_86 = arith.constant 0 : index
    %get3A_87 = tpu.vector_load %arg13[%get3A_84, %get3A_85, %get3A_86] {strides = array<i32>} : memref<32x2x16xf32, #tpu.memory_space<vmem>>, vector<16xf32>,
    %min3A_88 = arith.minimumf %min3A_74, %get3A_87 : vector<16xf32>
    %get3A_89 = arith.constant 6 : i32
    %get3A_90 = arith.constant 1 : i32
    %get3A_91 = arith.index_cast %get3A_89 : i32 to index
    %get3A_92 = arith.index_cast %get3A_90 : i32 to index
    %get3A_93 = arith.constant 0 : index
    %get3A_94 = tpu.vector_load %arg13[%get3A_91, %get3A_92, %get3A_93] {strides = array<i32>} : memref<32x2x16xf32, #tpu.memory_space<vmem>>, vector<16xf32>,
    %max3A_95 = arith.maximumf %max3A_81, %get3A_94 : vector<16xf32>
    %get3A_96 = arith.constant 7 : i32
    %get3A_97 = arith.constant 0 : i32
    %get3A_98 = arith.index_cast %get3A_96 : i32 to index
    %get3A_99 = arith.index_cast %get3A_97 : i32 to index
    %get3A_100 = arith.constant 0 : index
    %get3A_101 = tpu.vector_load %arg13[%get3A_98, %get3A_99, %get3A_100] {strides = array<i32>} : memref<32x2x16xf32, #tpu.memory_space<vmem>>, vector<16xf32>,
    %min3A_102 = arith.minimumf %min3A_88, %get3A_101 : vector<16xf32>
    %get3A_103 = arith.constant 7 : i32
    %get3A_104 = arith.constant 1 : i32
    %get3A_105 = arith.index_cast %get3A_103 : i32 to index
    %get3A_106 = arith.index_cast %get3A_104 : i32 to index
    %get3A_107 = arith.constant 0 : index
    %get3A_108 = tpu.vector_load %arg13[%get3A_105, %get3A_106, %get3A_107] {strides = array<i32>} : memref<32x2x16xf32, #tpu.memory_space<vmem>>, vector<16xf32>,
    %max3A_109 = arith.maximumf %max3A_95, %get3A_108 : vector<16xf32>
    %get3A_110 = arith.constant 8 : i32
    %get3A_111 = arith.constant 0 : i32
    %get3A_112 = arith.index_cast %get3A_110 : i32 to index
    %get3A_113 = arith.index_cast %get3A_111 : i32 to index
    %get3A_114 = arith.constant 0 : index
    %get3A_115 = tpu.vector_load %arg13[%get3A_112, %get3A_113, %get3A_114] {strides = array<i32>} : memref<32x2x16xf32, #tpu.memory_space<vmem>>, vector<16xf32>,
    %min3A_116 = arith.minimumf %min3A_102, %get3A_115 : vector<16xf32>
    %get3A_117 = arith.constant 8 : i32
    %get3A_118 = arith.constant 1 : i32
    %get3A_119 = arith.index_cast %get3A_117 : i32 to index
    %get3A_120 = arith.index_cast %get3A_118 : i32 to index
    %get3A_121 = arith.constant 0 : index
    %get3A_122 = tpu.vector_load %arg13[%get3A_119, %get3A_120, %get3A_121] {strides = array<i32>} : memref<32x2x16xf32, #tpu.memory_space<vmem>>, vector<16xf32>,
    %max3A_123 = arith.maximumf %max3A_109, %get3A_122 : vector<16xf32>
    %get3A_124 = arith.constant 9 : i32
    %get3A_125 = arith.constant 0 : i32
    %get3A_126 = arith.index_cast %get3A_124 : i32 to index
    %get3A_127 = arith.index_cast %get3A_125 : i32 to index
    %get3A_128 = arith.constant 0 : index
    %get3A_129 = tpu.vector_load %arg13[%get3A_126, %get3A_127, %get3A_128] {strides = array<i32>} : memref<32x2x16xf32, #tpu.memory_space<vmem>>, vector<16xf32>,
    %min3A_130 = arith.minimumf %min3A_116, %get3A_129 : vector<16xf32>
    %get3A_131 = arith.constant 9 : i32
    %get3A_132 = arith.constant 1 : i32
    %get3A_133 = arith.index_cast %get3A_131 : i32 to index
    %get3A_134 = arith.index_cast %get3A_132 : i32 to index
    %get3A_135 = arith.constant 0 : index
    %get3A_136 = tpu.vector_load %arg13[%get3A_133, %get3A_134, %get3A_135] {strides = array<i32>} : memref<32x2x16xf32, #tpu.memory_space<vmem>>, vector<16xf32>,
    %max3A_137 = arith.maximumf %max3A_123, %get3A_136 : vector<16xf32>
    %get3A_138 = arith.constant 10 : i32
    %get3A_139 = arith.constant 0 : i32
    %get3A_140 = arith.index_cast %get3A_138 : i32 to index
    %get3A_141 = arith.index_cast %get3A_139 : i32 to index
    %get3A_142 = arith.constant 0 : index
    %get3A_143 = tpu.vector_load %arg13[%get3A_140, %get3A_141, %get3A_142] {strides = array<i32>} : memref<32x2x16xf32, #tpu.memory_space<vmem>>, vector<16xf32>,
    %min3A_144 = arith.minimumf %min3A_130, %get3A_143 : vector<16xf32>
    %get3A_145 = arith.constant 10 : i32
    %get3A_146 = arith.constant 1 : i32
    %get3A_147 = arith.index_cast %get3A_145 : i32 to index
    %get3A_148 = arith.index_cast %get3A_146 : i32 to index
    %get3A_149 = arith.constant 0 : index
    %get3A_150 = tpu.vector_load %arg13[%get3A_147, %get3A_148, %get3A_149] {strides = array<i32>} : memref<32x2x16xf32, #tpu.memory_space<vmem>>, vector<16xf32>,
    %max3A_151 = arith.maximumf %max3A_137, %get3A_150 : vector<16xf32>
    %get3A_152 = arith.constant 11 : i32
    %get3A_153 = arith.constant 0 : i32
    %get3A_154 = arith.index_cast %get3A_152 : i32 to index
    %get3A_155 = arith.index_cast %get3A_153 : i32 to index
    %get3A_156 = arith.constant 0 : index
    %get3A_157 = tpu.vector_load %arg13[%get3A_154, %get3A_155, %get3A_156] {strides = array<i32>} : memref<32x2x16xf32, #tpu.memory_space<vmem>>, vector<16xf32>,
    %min3A_158 = arith.minimumf %min3A_144, %get3A_157 : vector<16xf32>
    %get3A_159 = arith.constant 11 : i32
    %get3A_160 = arith.constant 1 : i32
    %get3A_161 = arith.index_cast %get3A_159 : i32 to index
    %get3A_162 = arith.index_cast %get3A_160 : i32 to index
    %get3A_163 = arith.constant 0 : index
    %get3A_164 = tpu.vector_load %arg13[%get3A_161, %get3A_162, %get3A_163] {strides = array<i32>} : memref<32x2x16xf32, #tpu.memory_space<vmem>>, vector<16xf32>,
    %max3A_165 = arith.maximumf %max3A_151, %get3A_164 : vector<16xf32>
    %get3A_166 = arith.constant 12 : i32
    %get3A_167 = arith.constant 0 : i32
    %get3A_168 = arith.index_cast %get3A_166 : i32 to index
    %get3A_169 = arith.index_cast %get3A_167 : i32 to index
    %get3A_170 = arith.constant 0 : index
    %get3A_171 = tpu.vector_load %arg13[%get3A_168, %get3A_169, %get3A_170] {strides = array<i32>} : memref<32x2x16xf32, #tpu.memory_space<vmem>>, vector<16xf32>,
    %min3A_172 = arith.minimumf %min3A_158, %get3A_171 : vector<16xf32>
    %get3A_173 = arith.constant 12 : i32
    %get3A_174 = arith.constant 1 : i32
    %get3A_175 = arith.index_cast %get3A_173 : i32 to index
    %get3A_176 = arith.index_cast %get3A_174 : i32 to index
    %get3A_177 = arith.constant 0 : index
    %get3A_178 = tpu.vector_load %arg13[%get3A_175, %get3A_176, %get3A_177] {strides = array<i32>} : memref<32x2x16xf32, #tpu.memory_space<vmem>>, vector<16xf32>,
    %max3A_179 = arith.maximumf %max3A_165, %get3A_178 : vector<16xf32>
    %get3A_180 = arith.constant 13 : i32
    %get3A_181 = arith.constant 0 : i32
    %get3A_182 = arith.index_cast %get3A_180 : i32 to index
    %get3A_183 = arith.index_cast %get3A_181 : i32 to index
    %get3A_184 = arith.constant 0 : index
    %get3A_185 = tpu.vector_load %arg13[%get3A_182, %get3A_183, %get3A_184] {strides = array<i32>} : memref<32x2x16xf32, #tpu.memory_space<vmem>>, vector<16xf32>,
    %min3A_186 = arith.minimumf %min3A_172, %get3A_185 : vector<16xf32>
    %get3A_187 = arith.constant 13 : i32
    %get3A_188 = arith.constant 1 : i32
    %get3A_189 = arith.index_cast %get3A_187 : i32 to index
    %get3A_190 = arith.index_cast %get3A_188 : i32 to index
    %get3A_191 = arith.constant 0 : index
    %get3A_192 = tpu.vector_load %arg13[%get3A_189, %get3A_190, %get3A_191] {strides = array<i32>} : memref<32x2x16xf32, #tpu.memory_space<vmem>>, vector<16xf32>,
    %max3A_193 = arith.maximumf %max3A_179, %get3A_192 : vector<16xf32>
    %get3A_194 = arith.constant 14 : i32
    %get3A_195 = arith.constant 0 : i32
    %get3A_196 = arith.index_cast %get3A_194 : i32 to index
    %get3A_197 = arith.index_cast %get3A_195 : i32 to index
    %get3A_198 = arith.constant 0 : index
    %get3A_199 = tpu.vector_load %arg13[%get3A_196, %get3A_197, %get3A_198] {strides = array<i32>} : memref<32x2x16xf32, #tpu.memory_space<vmem>>, vector<16xf32>,
    %min3A_200 = arith.minimumf %min3A_186, %get3A_199 : vector<16xf32>
    %get3A_201 = arith.constant 14 : i32
    %get3A_202 = arith.constant 1 : i32
    %get3A_203 = arith.index_cast %get3A_201 : i32 to index
    %get3A_204 = arith.index_cast %get3A_202 : i32 to index
    %get3A_205 = arith.constant 0 : index
    %get3A_206 = tpu.vector_load %arg13[%get3A_203, %get3A_204, %get3A_205] {strides = array<i32>} : memref<32x2x16xf32, #tpu.memory_space<vmem>>, vector<16xf32>,
    %max3A_207 = arith.maximumf %max3A_193, %get3A_206 : vector<16xf32>
    %get3A_208 = arith.constant 15 : i32
    %get3A_209 = arith.constant 0 : i32
    %get3A_210 = arith.index_cast %get3A_208 : i32 to index
    %get3A_211 = arith.index_cast %get3A_209 : i32 to index
    %get3A_212 = arith.constant 0 : index
    %get3A_213 = tpu.vector_load %arg13[%get3A_210, %get3A_211, %get3A_212] {strides = array<i32>} : memref<32x2x16xf32, #tpu.memory_space<vmem>>, vector<16xf32>,
    %min3A_214 = arith.minimumf %min3A_200, %get3A_213 : vector<16xf32>
    %get3A_215 = arith.constant 15 : i32
    %get3A_216 = arith.constant 1 : i32
    %get3A_217 = arith.index_cast %get3A_215 : i32 to index
    %get3A_218 = arith.index_cast %get3A_216 : i32 to index
    %get3A_219 = arith.constant 0 : index
    %get3A_220 = tpu.vector_load %arg13[%get3A_217, %get3A_218, %get3A_219] {strides = array<i32>} : memref<32x2x16xf32, #tpu.memory_space<vmem>>, vector<16xf32>,
    %max3A_221 = arith.maximumf %max3A_207, %get3A_220 : vector<16xf32>
    %get3A_222 = arith.constant 16 : i32
    %get3A_223 = arith.constant 0 : i32
    %get3A_224 = arith.index_cast %get3A_222 : i32 to index
    %get3A_225 = arith.index_cast %get3A_223 : i32 to index
    %get3A_226 = arith.constant 0 : index
    %get3A_227 = tpu.vector_load %arg13[%get3A_224, %get3A_225, %get3A_226] {strides = array<i32>} : memref<32x2x16xf32, #tpu.memory_space<vmem>>, vector<16xf32>,
    %min3A_228 = arith.minimumf %min3A_214, %get3A_227 : vector<16xf32>
    %get3A_229 = arith.constant 16 : i32
    %get3A_230 = arith.constant 1 : i32
    %get3A_231 = arith.index_cast %get3A_229 : i32 to index
    %get3A_232 = arith.index_cast %get3A_230 : i32 to index
    %get3A_233 = arith.constant 0 : index
    %get3A_234 = tpu.vector_load %arg13[%get3A_231, %get3A_232, %get3A_233] {strides = array<i32>} : memref<32x2x16xf32, #tpu.memory_space<vmem>>, vector<16xf32>,
    %max3A_235 = arith.maximumf %max3A_221, %get3A_234 : vector<16xf32>
    %get3A_236 = arith.constant 17 : i32
    %get3A_237 = arith.constant 0 : i32
    %get3A_238 = arith.index_cast %get3A_236 : i32 to index
    %get3A_239 = arith.index_cast %get3A_237 : i32 to index
    %get3A_240 = arith.constant 0 : index
    %get3A_241 = tpu.vector_load %arg13[%get3A_238, %get3A_239, %get3A_240] {strides = array<i32>} : memref<32x2x16xf32, #tpu.memory_space<vmem>>, vector<16xf32>,
    %min3A_242 = arith.minimumf %min3A_228, %get3A_241 : vector<16xf32>
    %get3A_243 = arith.constant 17 : i32
    %get3A_244 = arith.constant 1 : i32
    %get3A_245 = arith.index_cast %get3A_243 : i32 to index
    %get3A_246 = arith.index_cast %get3A_244 : i32 to index
    %get3A_247 = arith.constant 0 : index
    %get3A_248 = tpu.vector_load %arg13[%get3A_245, %get3A_246, %get3A_247] {strides = array<i32>} : memref<32x2x16xf32, #tpu.memory_space<vmem>>, vector<16xf32>,
    %max3A_249 = arith.maximumf %max3A_235, %get3A_248 : vector<16xf32>
    %get3A_250 = arith.constant 18 : i32
    %get3A_251 = arith.constant 0 : i32
    %get3A_252 = arith.index_cast %get3A_250 : i32 to index
    %get3A_253 = arith.index_cast %get3A_251 : i32 to index
    %get3A_254 = arith.constant 0 : index
    %get3A_255 = tpu.vector_load %arg13[%get3A_252, %get3A_253, %get3A_254] {strides = array<i32>} : memref<32x2x16xf32, #tpu.memory_space<vmem>>, vector<16xf32>,
    %min3A_256 = arith.minimumf %min3A_242, %get3A_255 : vector<16xf32>
    %get3A_257 = arith.constant 18 : i32
    %get3A_258 = arith.constant 1 : i32
    %get3A_259 = arith.index_cast %get3A_257 : i32 to index
    %get3A_260 = arith.index_cast %get3A_258 : i32 to index
    %get3A_261 = arith.constant 0 : index
    %get3A_262 = tpu.vector_load %arg13[%get3A_259, %get3A_260, %get3A_261] {strides = array<i32>} : memref<32x2x16xf32, #tpu.memory_space<vmem>>, vector<16xf32>,
    %max3A_263 = arith.maximumf %max3A_249, %get3A_262 : vector<16xf32>
    %get3A_264 = arith.constant 19 : i32
    %get3A_265 = arith.constant 0 : i32
    %get3A_266 = arith.index_cast %get3A_264 : i32 to index
    %get3A_267 = arith.index_cast %get3A_265 : i32 to index
    %get3A_268 = arith.constant 0 : index
    %get3A_269 = tpu.vector_load %arg13[%get3A_266, %get3A_267, %get3A_268] {strides = array<i32>} : memref<32x2x16xf32, #tpu.memory_space<vmem>>, vector<16xf32>,
    %min3A_270 = arith.minimumf %min3A_256, %get3A_269 : vector<16xf32>
    %get3A_271 = arith.constant 19 : i32
    %get3A_272 = arith.constant 1 : i32
    %get3A_273 = arith.index_cast %get3A_271 : i32 to index
    %get3A_274 = arith.index_cast %get3A_272 : i32 to index
    %get3A_275 = arith.constant 0 : index
    %get3A_276 = tpu.vector_load %arg13[%get3A_273, %get3A_274, %get3A_275] {strides = array<i32>} : memref<32x2x16xf32, #tpu.memory_space<vmem>>, vector<16xf32>,
    %max3A_277 = arith.maximumf %max3A_263, %get3A_276 : vector<16xf32>
    %get3A_278 = arith.constant 20 : i32
    %get3A_279 = arith.constant 0 : i32
    %get3A_280 = arith.index_cast %get3A_278 : i32 to index
    %get3A_281 = arith.index_cast %get3A_279 : i32 to index
    %get3A_282 = arith.constant 0 : index
    %get3A_283 = tpu.vector_load %arg13[%get3A_280, %get3A_281, %get3A_282] {strides = array<i32>} : memref<32x2x16xf32, #tpu.memory_space<vmem>>, vector<16xf32>,
    %min3A_284 = arith.minimumf %min3A_270, %get3A_283 : vector<16xf32>
    %get3A_285 = arith.constant 20 : i32
    %get3A_286 = arith.constant 1 : i32
    %get3A_287 = arith.index_cast %get3A_285 : i32 to index
    %get3A_288 = arith.index_cast %get3A_286 : i32 to index
    %get3A_289 = arith.constant 0 : index
    %get3A_290 = tpu.vector_load %arg13[%get3A_287, %get3A_288, %get3A_289] {strides = array<i32>} : memref<32x2x16xf32, #tpu.memory_space<vmem>>, vector<16xf32>,
    %max3A_291 = arith.maximumf %max3A_277, %get3A_290 : vector<16xf32>
    %get3A_292 = arith.constant 21 : i32
    %get3A_293 = arith.constant 0 : i32
    %get3A_294 = arith.index_cast %get3A_292 : i32 to index
    %get3A_295 = arith.index_cast %get3A_293 : i32 to index
    %get3A_296 = arith.constant 0 : index
    %get3A_297 = tpu.vector_load %arg13[%get3A_294, %get3A_295, %get3A_296] {strides = array<i32>} : memref<32x2x16xf32, #tpu.memory_space<vmem>>, vector<16xf32>,
    %min3A_298 = arith.minimumf %min3A_284, %get3A_297 : vector<16xf32>
    %get3A_299 = arith.constant 21 : i32
    %get3A_300 = arith.constant 1 : i32
    %get3A_301 = arith.index_cast %get3A_299 : i32 to index
    %get3A_302 = arith.index_cast %get3A_300 : i32 to index
    %get3A_303 = arith.constant 0 : index
    %get3A_304 = tpu.vector_load %arg13[%get3A_301, %get3A_302, %get3A_303] {strides = array<i32>} : memref<32x2x16xf32, #tpu.memory_space<vmem>>, vector<16xf32>,
    %max3A_305 = arith.maximumf %max3A_291, %get3A_304 : vector<16xf32>
    %get3A_306 = arith.constant 22 : i32
    %get3A_307 = arith.constant 0 : i32
    %get3A_308 = arith.index_cast %get3A_306 : i32 to index
    %get3A_309 = arith.index_cast %get3A_307 : i32 to index
    %get3A_310 = arith.constant 0 : index
    %get3A_311 = tpu.vector_load %arg13[%get3A_308, %get3A_309, %get3A_310] {strides = array<i32>} : memref<32x2x16xf32, #tpu.memory_space<vmem>>, vector<16xf32>,
    %min3A_312 = arith.minimumf %min3A_298, %get3A_311 : vector<16xf32>
    %get3A_313 = arith.constant 22 : i32
    %get3A_314 = arith.constant 1 : i32
    %get3A_315 = arith.index_cast %get3A_313 : i32 to index
    %get3A_316 = arith.index_cast %get3A_314 : i32 to index
    %get3A_317 = arith.constant 0 : index
    %get3A_318 = tpu.vector_load %arg13[%get3A_315, %get3A_316, %get3A_317] {strides = array<i32>} : memref<32x2x16xf32, #tpu.memory_space<vmem>>, vector<16xf32>,
    %max3A_319 = arith.maximumf %max3A_305, %get3A_318 : vector<16xf32>
    %get3A_320 = arith.constant 23 : i32
    %get3A_321 = arith.constant 0 : i32
    %get3A_322 = arith.index_cast %get3A_320 : i32 to index
    %get3A_323 = arith.index_cast %get3A_321 : i32 to index
    %get3A_324 = arith.constant 0 : index
    %get3A_325 = tpu.vector_load %arg13[%get3A_322, %get3A_323, %get3A_324] {strides = array<i32>} : memref<32x2x16xf32, #tpu.memory_space<vmem>>, vector<16xf32>,
    %min3A_326 = arith.minimumf %min3A_312, %get3A_325 : vector<16xf32>
    %get3A_327 = arith.constant 23 : i32
    %get3A_328 = arith.constant 1 : i32
    %get3A_329 = arith.index_cast %get3A_327 : i32 to index
    %get3A_330 = arith.index_cast %get3A_328 : i32 to index
    %get3A_331 = arith.constant 0 : index
    %get3A_332 = tpu.vector_load %arg13[%get3A_329, %get3A_330, %get3A_331] {strides = array<i32>} : memref<32x2x16xf32, #tpu.memory_space<vmem>>, vector<16xf32>,
    %max3A_333 = arith.maximumf %max3A_319, %get3A_332 : vector<16xf32>
    %get3A_334 = arith.constant 24 : i32
    %get3A_335 = arith.constant 0 : i32
    %get3A_336 = arith.index_cast %get3A_334 : i32 to index
    %get3A_337 = arith.index_cast %get3A_335 : i32 to index
    %get3A_338 = arith.constant 0 : index
    %get3A_339 = tpu.vector_load %arg13[%get3A_336, %get3A_337, %get3A_338] {strides = array<i32>} : memref<32x2x16xf32, #tpu.memory_space<vmem>>, vector<16xf32>,
    %min3A_340 = arith.minimumf %min3A_326, %get3A_339 : vector<16xf32>
    %get3A_341 = arith.constant 24 : i32
    %get3A_342 = arith.constant 1 : i32
    %get3A_343 = arith.index_cast %get3A_341 : i32 to index
    %get3A_344 = arith.index_cast %get3A_342 : i32 to index
    %get3A_345 = arith.constant 0 : index
    %get3A_346 = tpu.vector_load %arg13[%get3A_343, %get3A_344, %get3A_345] {strides = array<i32>} : memref<32x2x16xf32, #tpu.memory_space<vmem>>, vector<16xf32>,
    %max3A_347 = arith.maximumf %max3A_333, %get3A_346 : vector<16xf32>
    %get3A_348 = arith.constant 25 : i32
    %get3A_349 = arith.constant 0 : i32
    %get3A_350 = arith.index_cast %get3A_348 : i32 to index
    %get3A_351 = arith.index_cast %get3A_349 : i32 to index
    %get3A_352 = arith.constant 0 : index
    %get3A_353 = tpu.vector_load %arg13[%get3A_350, %get3A_351, %get3A_352] {strides = array<i32>} : memref<32x2x16xf32, #tpu.memory_space<vmem>>, vector<16xf32>,
    %min3A_354 = arith.minimumf %min3A_340, %get3A_353 : vector<16xf32>
    %get3A_355 = arith.constant 25 : i32
    %get3A_356 = arith.constant 1 : i32
    %get3A_357 = arith.index_cast %get3A_355 : i32 to index
    %get3A_358 = arith.index_cast %get3A_356 : i32 to index
    %get3A_359 = arith.constant 0 : index
    %get3A_360 = tpu.vector_load %arg13[%get3A_357, %get3A_358, %get3A_359] {strides = array<i32>} : memref<32x2x16xf32, #tpu.memory_space<vmem>>, vector<16xf32>,
    %max3A_361 = arith.maximumf %max3A_347, %get3A_360 : vector<16xf32>
    %get3A_362 = arith.constant 26 : i32
    %get3A_363 = arith.constant 0 : i32
    %get3A_364 = arith.index_cast %get3A_362 : i32 to index
    %get3A_365 = arith.index_cast %get3A_363 : i32 to index
    %get3A_366 = arith.constant 0 : index
    %get3A_367 = tpu.vector_load %arg13[%get3A_364, %get3A_365, %get3A_366] {strides = array<i32>} : memref<32x2x16xf32, #tpu.memory_space<vmem>>, vector<16xf32>,
    %min3A_368 = arith.minimumf %min3A_354, %get3A_367 : vector<16xf32>
    %get3A_369 = arith.constant 26 : i32
    %get3A_370 = arith.constant 1 : i32
    %get3A_371 = arith.index_cast %get3A_369 : i32 to index
    %get3A_372 = arith.index_cast %get3A_370 : i32 to index
    %get3A_373 = arith.constant 0 : index
    %get3A_374 = tpu.vector_load %arg13[%get3A_371, %get3A_372, %get3A_373] {strides = array<i32>} : memref<32x2x16xf32, #tpu.memory_space<vmem>>, vector<16xf32>,
    %max3A_375 = arith.maximumf %max3A_361, %get3A_374 : vector<16xf32>
    %get3A_376 = arith.constant 27 : i32
    %get3A_377 = arith.constant 0 : i32
    %get3A_378 = arith.index_cast %get3A_376 : i32 to index
    %get3A_379 = arith.index_cast %get3A_377 : i32 to index
    %get3A_380 = arith.constant 0 : index
    %get3A_381 = tpu.vector_load %arg13[%get3A_378, %get3A_379, %get3A_380] {strides = array<i32>} : memref<32x2x16xf32, #tpu.memory_space<vmem>>, vector<16xf32>,
    %min3A_382 = arith.minimumf %min3A_368, %get3A_381 : vector<16xf32>
    %get3A_383 = arith.constant 27 : i32
    %get3A_384 = arith.constant 1 : i32
    %get3A_385 = arith.index_cast %get3A_383 : i32 to index
    %get3A_386 = arith.index_cast %get3A_384 : i32 to index
    %get3A_387 = arith.constant 0 : index
    %get3A_388 = tpu.vector_load %arg13[%get3A_385, %get3A_386, %get3A_387] {strides = array<i32>} : memref<32x2x16xf32, #tpu.memory_space<vmem>>, vector<16xf32>,
    %max3A_389 = arith.maximumf %max3A_375, %get3A_388 : vector<16xf32>
    %get3A_390 = arith.constant 28 : i32
    %get3A_391 = arith.constant 0 : i32
    %get3A_392 = arith.index_cast %get3A_390 : i32 to index
    %get3A_393 = arith.index_cast %get3A_391 : i32 to index
    %get3A_394 = arith.constant 0 : index
    %get3A_395 = tpu.vector_load %arg13[%get3A_392, %get3A_393, %get3A_394] {strides = array<i32>} : memref<32x2x16xf32, #tpu.memory_space<vmem>>, vector<16xf32>,
    %min3A_396 = arith.minimumf %min3A_382, %get3A_395 : vector<16xf32>
    %get3A_397 = arith.constant 28 : i32
    %get3A_398 = arith.constant 1 : i32
    %get3A_399 = arith.index_cast %get3A_397 : i32 to index
    %get3A_400 = arith.index_cast %get3A_398 : i32 to index
    %get3A_401 = arith.constant 0 : index
    %get3A_402 = tpu.vector_load %arg13[%get3A_399, %get3A_400, %get3A_401] {strides = array<i32>} : memref<32x2x16xf32, #tpu.memory_space<vmem>>, vector<16xf32>,
    %max3A_403 = arith.maximumf %max3A_389, %get3A_402 : vector<16xf32>
    %get3A_404 = arith.constant 29 : i32
    %get3A_405 = arith.constant 0 : i32
    %get3A_406 = arith.index_cast %get3A_404 : i32 to index
    %get3A_407 = arith.index_cast %get3A_405 : i32 to index
    %get3A_408 = arith.constant 0 : index
    %get3A_409 = tpu.vector_load %arg13[%get3A_406, %get3A_407, %get3A_408] {strides = array<i32>} : memref<32x2x16xf32, #tpu.memory_space<vmem>>, vector<16xf32>,
    %min3A_410 = arith.minimumf %min3A_396, %get3A_409 : vector<16xf32>
    %get3A_411 = arith.constant 29 : i32
    %get3A_412 = arith.constant 1 : i32
    %get3A_413 = arith.index_cast %get3A_411 : i32 to index
    %get3A_414 = arith.index_cast %get3A_412 : i32 to index
    %get3A_415 = arith.constant 0 : index
    %get3A_416 = tpu.vector_load %arg13[%get3A_413, %get3A_414, %get3A_415] {strides = array<i32>} : memref<32x2x16xf32, #tpu.memory_space<vmem>>, vector<16xf32>,
    %max3A_417 = arith.maximumf %max3A_403, %get3A_416 : vector<16xf32>
    %get3A_418 = arith.constant 30 : i32
    %get3A_419 = arith.constant 0 : i32
    %get3A_420 = arith.index_cast %get3A_418 : i32 to index
    %get3A_421 = arith.index_cast %get3A_419 : i32 to index
    %get3A_422 = arith.constant 0 : index
    %get3A_423 = tpu.vector_load %arg13[%get3A_420, %get3A_421, %get3A_422] {strides = array<i32>} : memref<32x2x16xf32, #tpu.memory_space<vmem>>, vector<16xf32>,
    %min3A_424 = arith.minimumf %min3A_410, %get3A_423 : vector<16xf32>
    %get3A_425 = arith.constant 30 : i32
    %get3A_426 = arith.constant 1 : i32
    %get3A_427 = arith.index_cast %get3A_425 : i32 to index
    %get3A_428 = arith.index_cast %get3A_426 : i32 to index
    %get3A_429 = arith.constant 0 : index
    %get3A_430 = tpu.vector_load %arg13[%get3A_427, %get3A_428, %get3A_429] {strides = array<i32>} : memref<32x2x16xf32, #tpu.memory_space<vmem>>, vector<16xf32>,
    %max3A_431 = arith.maximumf %max3A_417, %get3A_430 : vector<16xf32>
    %get3A_432 = arith.constant 31 : i32
    %get3A_433 = arith.constant 0 : i32
    %get3A_434 = arith.index_cast %get3A_432 : i32 to index
    %get3A_435 = arith.index_cast %get3A_433 : i32 to index
    %get3A_436 = arith.constant 0 : index
    %get3A_437 = tpu.vector_load %arg13[%get3A_434, %get3A_435, %get3A_436] {strides = array<i32>} : memref<32x2x16xf32, #tpu.memory_space<vmem>>, vector<16xf32>,
    %min3A_438 = arith.minimumf %min3A_424, %get3A_437 : vector<16xf32>
    %get3A_439 = arith.constant 31 : i32
    %get3A_440 = arith.constant 1 : i32
    %get3A_441 = arith.index_cast %get3A_439 : i32 to index
    %get3A_442 = arith.index_cast %get3A_440 : i32 to index
    %get3A_443 = arith.constant 0 : index
    %get3A_444 = tpu.vector_load %arg13[%get3A_441, %get3A_442, %get3A_443] {strides = array<i32>} : memref<32x2x16xf32, #tpu.memory_space<vmem>>, vector<16xf32>,
    %max3A_445 = arith.maximumf %max3A_431, %get3A_444 : vector<16xf32>
    %reduce_min3A = arith.constant true
    %reduce_min3A_446 = vector.broadcast %reduce_min3A : i1 to vector<16xi1>
    %reduce_min3A_447 = tpu.scan <min>, %min3A_438 masked %reduce_min3A_446 : vector<16xf32>, vector<16xi1> -> vector<16xf32>
    %reduce_min3A_448 = vector.extract %reduce_min3A_447[15] : f32 from vector<16xf32>
    %reduce_max3A = arith.constant true
    %reduce_max3A_449 = vector.broadcast %reduce_max3A : i1 to vector<16xi1>
    %reduce_max3A_450 = tpu.scan <max>, %max3A_445 masked %reduce_max3A_449 : vector<16xf32>, vector<16xi1> -> vector<16xf32>
    %reduce_max3A_451 = vector.extract %reduce_max3A_450[15] : f32 from vector<16xf32>
    %broadcast_in_dim3A = vector.broadcast %reduce_min3A_448 : f32 to vector<16xf32>
    %sub3A = arith.subf %reduce_max3A_451, %reduce_min3A_448 : f32
    %broadcast_in_dim3A_452 = vector.broadcast %sub3A : f32 to vector<16xf32>
    %convert_element_type3A = arith.fptosi %broadcast_in_dim3A_452 : vector<16xf32> to vector<16xi32>
    %convert_element_type3A_453 = arith.sitofp %convert_element_type3A : vector<16xi32> to vector<16xf32>
    %sub3A_454 = arith.constant 1.000000e+00 : f32
    %sub3A_455 = vector.broadcast %sub3A_454 : f32 to vector<16xf32>
    %sub3A_456 = arith.subf %convert_element_type3A_453, %sub3A_455 : vector<16xf32>
    %div3A = arith.divf %sub3A_456, %broadcast_in_dim3A_452 : vector<16xf32>
    %div3A_457 = arith.divf %broadcast_in_dim3A_452, %sub3A_456 : vector<16xf32>
    %iota3A = tpu.iota {dimensions = array<i32: 0>} : vector<16xi32>
    %broadcast_in_dim3A_458 = arith.constant 1.000000e+00 : f32
    %broadcast_in_dim3A_459 = vector.broadcast %broadcast_in_dim3A_458 : f32 to vector<16xf32>
    %broadcast_in_dim3A_460 = arith.constant 0.000000e+00 : f32
    %broadcast_in_dim3A_461 = vector.broadcast %broadcast_in_dim3A_460 : f32 to vector<16xf32>
    %scan3A = arith.constant 0 : i32
    %scan3A_462 = arith.constant 0 : i32
    %scan3A_463 = arith.constant 128 : i32
    %scan3A_464 = arith.addi %scan3A_462, %scan3A_463 : i32
    %scan3A_465 = arith.constant 1 : i32
    %scan3A_466 = scf.for %scan3A_593 = %scan3A_462 to %scan3A_464 step %scan3A_465 iter_args(%scan3A_594 = %scan3A) -> (i32)  : i32 {
      %mul3A_595 = arith.constant 16 : i32
      %mul3A_596 = arith.muli %scan3A_593, %mul3A_595 : i32
      %swap3A = arith.index_cast %mul3A_596 : i32 to index
      %swap3A_597 = tpu.vector_load %arg14[%swap3A] {strides = array<i32>} : memref<2048xf32, #tpu.memory_space<vmem>>, vector<16xf32>,
      tpu.vector_store %arg14[%swap3A], %broadcast_in_dim3A_461 {strides = array<i32>} : memref<2048xf32, #tpu.memory_space<vmem>>, vector<16xf32>,
      %mul3A_598 = arith.constant 16 : i32
      %mul3A_599 = arith.muli %scan3A_593, %mul3A_598 : i32
      %swap3A_600 = arith.index_cast %mul3A_599 : i32 to index
      %swap3A_601 = tpu.vector_load %arg15[%swap3A_600] {strides = array<i32>} : memref<2048xf32, #tpu.memory_space<vmem>>, vector<16xf32>,
      tpu.vector_store %arg15[%swap3A_600], %broadcast_in_dim3A_461 {strides = array<i32>} : memref<2048xf32, #tpu.memory_space<vmem>>, vector<16xf32>,
      %mul3A_602 = arith.constant 16 : i32
      %mul3A_603 = arith.muli %scan3A_593, %mul3A_602 : i32
      %swap3A_604 = arith.index_cast %mul3A_603 : i32 to index
      %swap3A_605 = tpu.vector_load %arg16[%swap3A_604] {strides = array<i32>} : memref<2048xf32, #tpu.memory_space<vmem>>, vector<16xf32>,
      tpu.vector_store %arg16[%swap3A_604], %broadcast_in_dim3A_461 {strides = array<i32>} : memref<2048xf32, #tpu.memory_space<vmem>>, vector<16xf32>,
      %mul3A_606 = arith.constant 16 : i32
      %mul3A_607 = arith.muli %scan3A_593, %mul3A_606 : i32
      %swap3A_608 = arith.index_cast %mul3A_607 : i32 to index
      %swap3A_609 = tpu.vector_load %arg17[%swap3A_608] {strides = array<i32>} : memref<2048xf32, #tpu.memory_space<vmem>>, vector<16xf32>,
      tpu.vector_store %arg17[%swap3A_608], %broadcast_in_dim3A_461 {strides = array<i32>} : memref<2048xf32, #tpu.memory_space<vmem>>, vector<16xf32>,
      %scan3A_610 = arith.constant 0 : i32
      scf.yield %scan3A_610 : i32
    }
    %scan3A_467 = arith.constant 128 : i32
    %add3A_468 = arith.constant 0 : i32
    %add3A_469 = arith.addi %mul3A_2, %add3A_468 : i32
    %multiple_of3A = tpu.assume_multiple %add3A_469, 8192 : i32
    %dma_start3A = arith.constant 0 : i32
    %dma_start3A_470 = arith.constant 0 : i32
    %dma_start3A_471 = tpu.memref_slice %arg10[%dma_start3A, %dma_start3A_470] : memref<4x8192xf32, #tpu.memory_space<vmem>> -> memref<1x8192xf32, #tpu.memory_space<vmem>>
    %dma_start3A_472 = tpu.memref_squeeze %dma_start3A_471 : memref<1x8192xf32, #tpu.memory_space<vmem>> -> memref<8192xf32, #tpu.memory_space<vmem>>
    %dma_start3A_473 = tpu.memref_slice %arg2[%multiple_of3A] : memref<8388608xf32, #tpu.memory_space<hbm>> -> memref<8192xf32, #tpu.memory_space<hbm>>
    %dma_start3A_474 = arith.constant 0 : i32
    %dma_start3A_475 = tpu.memref_slice %arg10[%dma_start3A, %dma_start3A_474] : memref<4x8192xf32, #tpu.memory_space<vmem>> -> memref<1x8192xf32, #tpu.memory_space<vmem>>
    %dma_start3A_476 = tpu.memref_squeeze %dma_start3A_475 : memref<1x8192xf32, #tpu.memory_space<vmem>> -> memref<8192xf32, #tpu.memory_space<vmem>>
    %dma_start3A_477 = tpu.memref_slice %arg2[%multiple_of3A] : memref<8388608xf32, #tpu.memory_space<hbm>> -> memref<8192xf32, #tpu.memory_space<hbm>>
    tpu.enqueue_dma source(%dma_start3A_477 : memref<8192xf32, #tpu.memory_space<hbm>>) target(%dma_start3A_476 : memref<8192xf32, #tpu.memory_space<vmem>>) target_semaphore(%arg18 : memref<!tpu.dma_semaphore, #tpu.memory_space<semaphore_mem>>)
    %dma_start3A_478 = arith.constant 0 : i32
    %dma_start3A_479 = arith.constant 0 : i32
    %dma_start3A_480 = tpu.memref_slice %arg11[%dma_start3A_478, %dma_start3A_479] : memref<4x8192xf32, #tpu.memory_space<vmem>> -> memref<1x8192xf32, #tpu.memory_space<vmem>>
    %dma_start3A_481 = tpu.memref_squeeze %dma_start3A_480 : memref<1x8192xf32, #tpu.memory_space<vmem>> -> memref<8192xf32, #tpu.memory_space<vmem>>
    %dma_start3A_482 = tpu.memref_slice %arg3[%multiple_of3A] : memref<8388608xf32, #tpu.memory_space<hbm>> -> memref<8192xf32, #tpu.memory_space<hbm>>
    %dma_start3A_483 = arith.constant 0 : i32
    %dma_start3A_484 = tpu.memref_slice %arg11[%dma_start3A_478, %dma_start3A_483] : memref<4x8192xf32, #tpu.memory_space<vmem>> -> memref<1x8192xf32, #tpu.memory_space<vmem>>
    %dma_start3A_485 = tpu.memref_squeeze %dma_start3A_484 : memref<1x8192xf32, #tpu.memory_space<vmem>> -> memref<8192xf32, #tpu.memory_space<vmem>>
    %dma_start3A_486 = tpu.memref_slice %arg3[%multiple_of3A] : memref<8388608xf32, #tpu.memory_space<hbm>> -> memref<8192xf32, #tpu.memory_space<hbm>>
    tpu.enqueue_dma source(%dma_start3A_486 : memref<8192xf32, #tpu.memory_space<hbm>>) target(%dma_start3A_485 : memref<8192xf32, #tpu.memory_space<vmem>>) target_semaphore(%arg18 : memref<!tpu.dma_semaphore, #tpu.memory_space<semaphore_mem>>)
    %dma_start3A_487 = arith.constant 0 : i32
    %dma_start3A_488 = arith.constant 0 : i32
    %dma_start3A_489 = tpu.memref_slice %arg12[%dma_start3A_487, %dma_start3A_488] : memref<4x8192xf32, #tpu.memory_space<vmem>> -> memref<1x8192xf32, #tpu.memory_space<vmem>>
    %dma_start3A_490 = tpu.memref_squeeze %dma_start3A_489 : memref<1x8192xf32, #tpu.memory_space<vmem>> -> memref<8192xf32, #tpu.memory_space<vmem>>
    %dma_start3A_491 = tpu.memref_slice %arg4[%multiple_of3A] : memref<8388608xf32, #tpu.memory_space<hbm>> -> memref<8192xf32, #tpu.memory_space<hbm>>
    %dma_start3A_492 = arith.constant 0 : i32
    %dma_start3A_493 = tpu.memref_slice %arg12[%dma_start3A_487, %dma_start3A_492] : memref<4x8192xf32, #tpu.memory_space<vmem>> -> memref<1x8192xf32, #tpu.memory_space<vmem>>
    %dma_start3A_494 = tpu.memref_squeeze %dma_start3A_493 : memref<1x8192xf32, #tpu.memory_space<vmem>> -> memref<8192xf32, #tpu.memory_space<vmem>>
    %dma_start3A_495 = tpu.memref_slice %arg4[%multiple_of3A] : memref<8388608xf32, #tpu.memory_space<hbm>> -> memref<8192xf32, #tpu.memory_space<hbm>>
    tpu.enqueue_dma source(%dma_start3A_495 : memref<8192xf32, #tpu.memory_space<hbm>>) target(%dma_start3A_494 : memref<8192xf32, #tpu.memory_space<vmem>>) target_semaphore(%arg18 : memref<!tpu.dma_semaphore, #tpu.memory_space<semaphore_mem>>)
    %add3A_496 = arith.constant 8192 : i32
    %add3A_497 = arith.addi %mul3A_2, %add3A_496 : i32
    %multiple_of3A_498 = tpu.assume_multiple %add3A_497, 8192 : i32
    %dma_start3A_499 = arith.constant 1 : i32
    %dma_start3A_500 = arith.constant 0 : i32
    %dma_start3A_501 = tpu.memref_slice %arg10[%dma_start3A_499, %dma_start3A_500] : memref<4x8192xf32, #tpu.memory_space<vmem>> -> memref<1x8192xf32, #tpu.memory_space<vmem>>
    %dma_start3A_502 = tpu.memref_squeeze %dma_start3A_501 : memref<1x8192xf32, #tpu.memory_space<vmem>> -> memref<8192xf32, #tpu.memory_space<vmem>>
    %dma_start3A_503 = tpu.memref_slice %arg2[%multiple_of3A_498] : memref<8388608xf32, #tpu.memory_space<hbm>> -> memref<8192xf32, #tpu.memory_space<hbm>>
    %dma_start3A_504 = arith.constant 0 : i32
    %dma_start3A_505 = tpu.memref_slice %arg10[%dma_start3A_499, %dma_start3A_504] : memref<4x8192xf32, #tpu.memory_space<vmem>> -> memref<1x8192xf32, #tpu.memory_space<vmem>>
    %dma_start3A_506 = tpu.memref_squeeze %dma_start3A_505 : memref<1x8192xf32, #tpu.memory_space<vmem>> -> memref<8192xf32, #tpu.memory_space<vmem>>
    %dma_start3A_507 = tpu.memref_slice %arg2[%multiple_of3A_498] : memref<8388608xf32, #tpu.memory_space<hbm>> -> memref<8192xf32, #tpu.memory_space<hbm>>
    tpu.enqueue_dma source(%dma_start3A_507 : memref<8192xf32, #tpu.memory_space<hbm>>) target(%dma_start3A_506 : memref<8192xf32, #tpu.memory_space<vmem>>) target_semaphore(%arg19 : memref<!tpu.dma_semaphore, #tpu.memory_space<semaphore_mem>>)
    %dma_start3A_508 = arith.constant 1 : i32
    %dma_start3A_509 = arith.constant 0 : i32
    %dma_start3A_510 = tpu.memref_slice %arg11[%dma_start3A_508, %dma_start3A_509] : memref<4x8192xf32, #tpu.memory_space<vmem>> -> memref<1x8192xf32, #tpu.memory_space<vmem>>
    %dma_start3A_511 = tpu.memref_squeeze %dma_start3A_510 : memref<1x8192xf32, #tpu.memory_space<vmem>> -> memref<8192xf32, #tpu.memory_space<vmem>>
    %dma_start3A_512 = tpu.memref_slice %arg3[%multiple_of3A_498] : memref<8388608xf32, #tpu.memory_space<hbm>> -> memref<8192xf32, #tpu.memory_space<hbm>>
    %dma_start3A_513 = arith.constant 0 : i32
    %dma_start3A_514 = tpu.memref_slice %arg11[%dma_start3A_508, %dma_start3A_513] : memref<4x8192xf32, #tpu.memory_space<vmem>> -> memref<1x8192xf32, #tpu.memory_space<vmem>>
    %dma_start3A_515 = tpu.memref_squeeze %dma_start3A_514 : memref<1x8192xf32, #tpu.memory_space<vmem>> -> memref<8192xf32, #tpu.memory_space<vmem>>
    %dma_start3A_516 = tpu.memref_slice %arg3[%multiple_of3A_498] : memref<8388608xf32, #tpu.memory_space<hbm>> -> memref<8192xf32, #tpu.memory_space<hbm>>
    tpu.enqueue_dma source(%dma_start3A_516 : memref<8192xf32, #tpu.memory_space<hbm>>) target(%dma_start3A_515 : memref<8192xf32, #tpu.memory_space<vmem>>) target_semaphore(%arg19 : memref<!tpu.dma_semaphore, #tpu.memory_space<semaphore_mem>>)
    %dma_start3A_517 = arith.constant 1 : i32
    %dma_start3A_518 = arith.constant 0 : i32
    %dma_start3A_519 = tpu.memref_slice %arg12[%dma_start3A_517, %dma_start3A_518] : memref<4x8192xf32, #tpu.memory_space<vmem>> -> memref<1x8192xf32, #tpu.memory_space<vmem>>
    %dma_start3A_520 = tpu.memref_squeeze %dma_start3A_519 : memref<1x8192xf32, #tpu.memory_space<vmem>> -> memref<8192xf32, #tpu.memory_space<vmem>>
    %dma_start3A_521 = tpu.memref_slice %arg4[%multiple_of3A_498] : memref<8388608xf32, #tpu.memory_space<hbm>> -> memref<8192xf32, #tpu.memory_space<hbm>>
    %dma_start3A_522 = arith.constant 0 : i32
    %dma_start3A_523 = tpu.memref_slice %arg12[%dma_start3A_517, %dma_start3A_522] : memref<4x8192xf32, #tpu.memory_space<vmem>> -> memref<1x8192xf32, #tpu.memory_space<vmem>>
    %dma_start3A_524 = tpu.memref_squeeze %dma_start3A_523 : memref<1x8192xf32, #tpu.memory_space<vmem>> -> memref<8192xf32, #tpu.memory_space<vmem>>
    %dma_start3A_525 = tpu.memref_slice %arg4[%multiple_of3A_498] : memref<8388608xf32, #tpu.memory_space<hbm>> -> memref<8192xf32, #tpu.memory_space<hbm>>
    tpu.enqueue_dma source(%dma_start3A_525 : memref<8192xf32, #tpu.memory_space<hbm>>) target(%dma_start3A_524 : memref<8192xf32, #tpu.memory_space<vmem>>) target_semaphore(%arg19 : memref<!tpu.dma_semaphore, #tpu.memory_space<semaphore_mem>>)
    %add3A_526 = arith.constant 16384 : i32
    %add3A_527 = arith.addi %mul3A_2, %add3A_526 : i32
    %multiple_of3A_528 = tpu.assume_multiple %add3A_527, 8192 : i32
    %dma_start3A_529 = arith.constant 2 : i32
    %dma_start3A_530 = arith.constant 0 : i32
    %dma_start3A_531 = tpu.memref_slice %arg10[%dma_start3A_529, %dma_start3A_530] : memref<4x8192xf32, #tpu.memory_space<vmem>> -> memref<1x8192xf32, #tpu.memory_space<vmem>>
    %dma_start3A_532 = tpu.memref_squeeze %dma_start3A_531 : memref<1x8192xf32, #tpu.memory_space<vmem>> -> memref<8192xf32, #tpu.memory_space<vmem>>
    %dma_start3A_533 = tpu.memref_slice %arg2[%multiple_of3A_528] : memref<8388608xf32, #tpu.memory_space<hbm>> -> memref<8192xf32, #tpu.memory_space<hbm>>
    %dma_start3A_534 = arith.constant 0 : i32
    %dma_start3A_535 = tpu.memref_slice %arg10[%dma_start3A_529, %dma_start3A_534] : memref<4x8192xf32, #tpu.memory_space<vmem>> -> memref<1x8192xf32, #tpu.memory_space<vmem>>
    %dma_start3A_536 = tpu.memref_squeeze %dma_start3A_535 : memref<1x8192xf32, #tpu.memory_space<vmem>> -> memref<8192xf32, #tpu.memory_space<vmem>>
    %dma_start3A_537 = tpu.memref_slice %arg2[%multiple_of3A_528] : memref<8388608xf32, #tpu.memory_space<hbm>> -> memref<8192xf32, #tpu.memory_space<hbm>>
    tpu.enqueue_dma source(%dma_start3A_537 : memref<8192xf32, #tpu.memory_space<hbm>>) target(%dma_start3A_536 : memref<8192xf32, #tpu.memory_space<vmem>>) target_semaphore(%arg20 : memref<!tpu.dma_semaphore, #tpu.memory_space<semaphore_mem>>)
    %dma_start3A_538 = arith.constant 2 : i32
    %dma_start3A_539 = arith.constant 0 : i32
    %dma_start3A_540 = tpu.memref_slice %arg11[%dma_start3A_538, %dma_start3A_539] : memref<4x8192xf32, #tpu.memory_space<vmem>> -> memref<1x8192xf32, #tpu.memory_space<vmem>>
    %dma_start3A_541 = tpu.memref_squeeze %dma_start3A_540 : memref<1x8192xf32, #tpu.memory_space<vmem>> -> memref<8192xf32, #tpu.memory_space<vmem>>
    %dma_start3A_542 = tpu.memref_slice %arg3[%multiple_of3A_528] : memref<8388608xf32, #tpu.memory_space<hbm>> -> memref<8192xf32, #tpu.memory_space<hbm>>
    %dma_start3A_543 = arith.constant 0 : i32
    %dma_start3A_544 = tpu.memref_slice %arg11[%dma_start3A_538, %dma_start3A_543] : memref<4x8192xf32, #tpu.memory_space<vmem>> -> memref<1x8192xf32, #tpu.memory_space<vmem>>
    %dma_start3A_545 = tpu.memref_squeeze %dma_start3A_544 : memref<1x8192xf32, #tpu.memory_space<vmem>> -> memref<8192xf32, #tpu.memory_space<vmem>>
    %dma_start3A_546 = tpu.memref_slice %arg3[%multiple_of3A_528] : memref<8388608xf32, #tpu.memory_space<hbm>> -> memref<8192xf32, #tpu.memory_space<hbm>>
    tpu.enqueue_dma source(%dma_start3A_546 : memref<8192xf32, #tpu.memory_space<hbm>>) target(%dma_start3A_545 : memref<8192xf32, #tpu.memory_space<vmem>>) target_semaphore(%arg20 : memref<!tpu.dma_semaphore, #tpu.memory_space<semaphore_mem>>)
    %dma_start3A_547 = arith.constant 2 : i32
    %dma_start3A_548 = arith.constant 0 : i32
    %dma_start3A_549 = tpu.memref_slice %arg12[%dma_start3A_547, %dma_start3A_548] : memref<4x8192xf32, #tpu.memory_space<vmem>> -> memref<1x8192xf32, #tpu.memory_space<vmem>>
    %dma_start3A_550 = tpu.memref_squeeze %dma_start3A_549 : memref<1x8192xf32, #tpu.memory_space<vmem>> -> memref<8192xf32, #tpu.memory_space<vmem>>
    %dma_start3A_551 = tpu.memref_slice %arg4[%multiple_of3A_528] : memref<8388608xf32, #tpu.memory_space<hbm>> -> memref<8192xf32, #tpu.memory_space<hbm>>
    %dma_start3A_552 = arith.constant 0 : i32
    %dma_start3A_553 = tpu.memref_slice %arg12[%dma_start3A_547, %dma_start3A_552] : memref<4x8192xf32, #tpu.memory_space<vmem>> -> memref<1x8192xf32, #tpu.memory_space<vmem>>
    %dma_start3A_554 = tpu.memref_squeeze %dma_start3A_553 : memref<1x8192xf32, #tpu.memory_space<vmem>> -> memref<8192xf32, #tpu.memory_space<vmem>>
    %dma_start3A_555 = tpu.memref_slice %arg4[%multiple_of3A_528] : memref<8388608xf32, #tpu.memory_space<hbm>> -> memref<8192xf32, #tpu.memory_space<hbm>>
    tpu.enqueue_dma source(%dma_start3A_555 : memref<8192xf32, #tpu.memory_space<hbm>>) target(%dma_start3A_554 : memref<8192xf32, #tpu.memory_space<vmem>>) target_semaphore(%arg20 : memref<!tpu.dma_semaphore, #tpu.memory_space<semaphore_mem>>)
    %add3A_556 = arith.constant 24576 : i32
    %add3A_557 = arith.addi %mul3A_2, %add3A_556 : i32
    %multiple_of3A_558 = tpu.assume_multiple %add3A_557, 8192 : i32
    %dma_start3A_559 = arith.constant 3 : i32
    %dma_start3A_560 = arith.constant 0 : i32
    %dma_start3A_561 = tpu.memref_slice %arg10[%dma_start3A_559, %dma_start3A_560] : memref<4x8192xf32, #tpu.memory_space<vmem>> -> memref<1x8192xf32, #tpu.memory_space<vmem>>
    %dma_start3A_562 = tpu.memref_squeeze %dma_start3A_561 : memref<1x8192xf32, #tpu.memory_space<vmem>> -> memref<8192xf32, #tpu.memory_space<vmem>>
    %dma_start3A_563 = tpu.memref_slice %arg2[%multiple_of3A_558] : memref<8388608xf32, #tpu.memory_space<hbm>> -> memref<8192xf32, #tpu.memory_space<hbm>>
    %dma_start3A_564 = arith.constant 0 : i32
    %dma_start3A_565 = tpu.memref_slice %arg10[%dma_start3A_559, %dma_start3A_564] : memref<4x8192xf32, #tpu.memory_space<vmem>> -> memref<1x8192xf32, #tpu.memory_space<vmem>>
    %dma_start3A_566 = tpu.memref_squeeze %dma_start3A_565 : memref<1x8192xf32, #tpu.memory_space<vmem>> -> memref<8192xf32, #tpu.memory_space<vmem>>
    %dma_start3A_567 = tpu.memref_slice %arg2[%multiple_of3A_558] : memref<8388608xf32, #tpu.memory_space<hbm>> -> memref<8192xf32, #tpu.memory_space<hbm>>
    tpu.enqueue_dma source(%dma_start3A_567 : memref<8192xf32, #tpu.memory_space<hbm>>) target(%dma_start3A_566 : memref<8192xf32, #tpu.memory_space<vmem>>) target_semaphore(%arg21 : memref<!tpu.dma_semaphore, #tpu.memory_space<semaphore_mem>>)
    %dma_start3A_568 = arith.constant 3 : i32
    %dma_start3A_569 = arith.constant 0 : i32
    %dma_start3A_570 = tpu.memref_slice %arg11[%dma_start3A_568, %dma_start3A_569] : memref<4x8192xf32, #tpu.memory_space<vmem>> -> memref<1x8192xf32, #tpu.memory_space<vmem>>
    %dma_start3A_571 = tpu.memref_squeeze %dma_start3A_570 : memref<1x8192xf32, #tpu.memory_space<vmem>> -> memref<8192xf32, #tpu.memory_space<vmem>>
    %dma_start3A_572 = tpu.memref_slice %arg3[%multiple_of3A_558] : memref<8388608xf32, #tpu.memory_space<hbm>> -> memref<8192xf32, #tpu.memory_space<hbm>>
    %dma_start3A_573 = arith.constant 0 : i32
    %dma_start3A_574 = tpu.memref_slice %arg11[%dma_start3A_568, %dma_start3A_573] : memref<4x8192xf32, #tpu.memory_space<vmem>> -> memref<1x8192xf32, #tpu.memory_space<vmem>>
    %dma_start3A_575 = tpu.memref_squeeze %dma_start3A_574 : memref<1x8192xf32, #tpu.memory_space<vmem>> -> memref<8192xf32, #tpu.memory_space<vmem>>
    %dma_start3A_576 = tpu.memref_slice %arg3[%multiple_of3A_558] : memref<8388608xf32, #tpu.memory_space<hbm>> -> memref<8192xf32, #tpu.memory_space<hbm>>
    tpu.enqueue_dma source(%dma_start3A_576 : memref<8192xf32, #tpu.memory_space<hbm>>) target(%dma_start3A_575 : memref<8192xf32, #tpu.memory_space<vmem>>) target_semaphore(%arg21 : memref<!tpu.dma_semaphore, #tpu.memory_space<semaphore_mem>>)
    %dma_start3A_577 = arith.constant 3 : i32
    %dma_start3A_578 = arith.constant 0 : i32
    %dma_start3A_579 = tpu.memref_slice %arg12[%dma_start3A_577, %dma_start3A_578] : memref<4x8192xf32, #tpu.memory_space<vmem>> -> memref<1x8192xf32, #tpu.memory_space<vmem>>
    %dma_start3A_580 = tpu.memref_squeeze %dma_start3A_579 : memref<1x8192xf32, #tpu.memory_space<vmem>> -> memref<8192xf32, #tpu.memory_space<vmem>>
    %dma_start3A_581 = tpu.memref_slice %arg4[%multiple_of3A_558] : memref<8388608xf32, #tpu.memory_space<hbm>> -> memref<8192xf32, #tpu.memory_space<hbm>>
    %dma_start3A_582 = arith.constant 0 : i32
    %dma_start3A_583 = tpu.memref_slice %arg12[%dma_start3A_577, %dma_start3A_582] : memref<4x8192xf32, #tpu.memory_space<vmem>> -> memref<1x8192xf32, #tpu.memory_space<vmem>>
    %dma_start3A_584 = tpu.memref_squeeze %dma_start3A_583 : memref<1x8192xf32, #tpu.memory_space<vmem>> -> memref<8192xf32, #tpu.memory_space<vmem>>
    %dma_start3A_585 = tpu.memref_slice %arg4[%multiple_of3A_558] : memref<8388608xf32, #tpu.memory_space<hbm>> -> memref<8192xf32, #tpu.memory_space<hbm>>
    tpu.enqueue_dma source(%dma_start3A_585 : memref<8192xf32, #tpu.memory_space<hbm>>) target(%dma_start3A_584 : memref<8192xf32, #tpu.memory_space<vmem>>) target_semaphore(%arg21 : memref<!tpu.dma_semaphore, #tpu.memory_space<semaphore_mem>>)
    %scan3A_586 = arith.constant 0 : i32
    %scan3A_587 = arith.constant 0 : i32
    %scan3A_588 = arith.constant 8 : i32
    %scan3A_589 = arith.addi %scan3A_587, %scan3A_588 : i32
    %scan3A_590 = arith.constant 1 : i32
    %scan3A_591 = scf.for %scan3A_593 = %scan3A_587 to %scan3A_589 step %scan3A_590 iter_args(%scan3A_594 = %scan3A_586) -> (i32)  : i32 {
      %mul3A_595 = arith.constant 4 : i32
      %mul3A_596 = arith.muli %scan3A_593, %mul3A_595 : i32
      %add3A_597 = arith.constant 0 : i32
      %add3A_598 = arith.addi %mul3A_596, %add3A_597 : i32
      %dma_wait3A = arith.constant 0 : i32
      %dma_wait3A_599 = arith.constant 0 : i32
      %dma_wait3A_600 = tpu.memref_slice %arg10[%dma_wait3A, %dma_wait3A_599] : memref<4x8192xf32, #tpu.memory_space<vmem>> -> memref<1x8192xf32, #tpu.memory_space<vmem>>
      %dma_wait3A_601 = tpu.memref_squeeze %dma_wait3A_600 : memref<1x8192xf32, #tpu.memory_space<vmem>> -> memref<8192xf32, #tpu.memory_space<vmem>>
      %dma_wait3A_602 = arith.constant 0 : i32
      %dma_wait3A_603 = tpu.memref_slice %arg2[%dma_wait3A_602] : memref<8388608xf32, #tpu.memory_space<hbm>> -> memref<8192xf32, #tpu.memory_space<hbm>>
      %dma_wait3A_604 = arith.constant 0 : i32
      %dma_wait3A_605 = tpu.memref_slice %arg10[%dma_wait3A, %dma_wait3A_604] : memref<4x8192xf32, #tpu.memory_space<vmem>> -> memref<1x8192xf32, #tpu.memory_space<vmem>>
      %dma_wait3A_606 = tpu.memref_squeeze %dma_wait3A_605 : memref<1x8192xf32, #tpu.memory_space<vmem>> -> memref<8192xf32, #tpu.memory_space<vmem>>
      %dma_wait3A_607 = arith.constant 0 : i32
      %dma_wait3A_608 = tpu.memref_slice %arg2[%dma_wait3A_607] : memref<8388608xf32, #tpu.memory_space<hbm>> -> memref<8192xf32, #tpu.memory_space<hbm>>
      tpu.wait_dma2 semaphore(%arg18 : memref<!tpu.dma_semaphore, #tpu.memory_space<semaphore_mem>>) src(%dma_wait3A_608 : memref<8192xf32, #tpu.memory_space<hbm>>) dst(%dma_wait3A_606 : memref<8192xf32, #tpu.memory_space<vmem>>)
      %dma_wait3A_609 = arith.constant 0 : i32
      %dma_wait3A_610 = arith.constant 0 : i32
      %dma_wait3A_611 = tpu.memref_slice %arg11[%dma_wait3A_609, %dma_wait3A_610] : memref<4x8192xf32, #tpu.memory_space<vmem>> -> memref<1x8192xf32, #tpu.memory_space<vmem>>
      %dma_wait3A_612 = tpu.memref_squeeze %dma_wait3A_611 : memref<1x8192xf32, #tpu.memory_space<vmem>> -> memref<8192xf32, #tpu.memory_space<vmem>>
      %dma_wait3A_613 = arith.constant 0 : i32
      %dma_wait3A_614 = tpu.memref_slice %arg3[%dma_wait3A_613] : memref<8388608xf32, #tpu.memory_space<hbm>> -> memref<8192xf32, #tpu.memory_space<hbm>>
      %dma_wait3A_615 = arith.constant 0 : i32
      %dma_wait3A_616 = tpu.memref_slice %arg11[%dma_wait3A_609, %dma_wait3A_615] : memref<4x8192xf32, #tpu.memory_space<vmem>> -> memref<1x8192xf32, #tpu.memory_space<vmem>>
      %dma_wait3A_617 = tpu.memref_squeeze %dma_wait3A_616 : memref<1x8192xf32, #tpu.memory_space<vmem>> -> memref<8192xf32, #tpu.memory_space<vmem>>
      %dma_wait3A_618 = arith.constant 0 : i32
      %dma_wait3A_619 = tpu.memref_slice %arg3[%dma_wait3A_618] : memref<8388608xf32, #tpu.memory_space<hbm>> -> memref<8192xf32, #tpu.memory_space<hbm>>
      tpu.wait_dma2 semaphore(%arg18 : memref<!tpu.dma_semaphore, #tpu.memory_space<semaphore_mem>>) src(%dma_wait3A_619 : memref<8192xf32, #tpu.memory_space<hbm>>) dst(%dma_wait3A_617 : memref<8192xf32, #tpu.memory_space<vmem>>)
      %dma_wait3A_620 = arith.constant 0 : i32
      %dma_wait3A_621 = arith.constant 0 : i32
      %dma_wait3A_622 = tpu.memref_slice %arg12[%dma_wait3A_620, %dma_wait3A_621] : memref<4x8192xf32, #tpu.memory_space<vmem>> -> memref<1x8192xf32, #tpu.memory_space<vmem>>
      %dma_wait3A_623 = tpu.memref_squeeze %dma_wait3A_622 : memref<1x8192xf32, #tpu.memory_space<vmem>> -> memref<8192xf32, #tpu.memory_space<vmem>>
      %dma_wait3A_624 = arith.constant 0 : i32
      %dma_wait3A_625 = tpu.memref_slice %arg4[%dma_wait3A_624] : memref<8388608xf32, #tpu.memory_space<hbm>> -> memref<8192xf32, #tpu.memory_space<hbm>>
      %dma_wait3A_626 = arith.constant 0 : i32
      %dma_wait3A_627 = tpu.memref_slice %arg12[%dma_wait3A_620, %dma_wait3A_626] : memref<4x8192xf32, #tpu.memory_space<vmem>> -> memref<1x8192xf32, #tpu.memory_space<vmem>>
      %dma_wait3A_628 = tpu.memref_squeeze %dma_wait3A_627 : memref<1x8192xf32, #tpu.memory_space<vmem>> -> memref<8192xf32, #tpu.memory_space<vmem>>
      %dma_wait3A_629 = arith.constant 0 : i32
      %dma_wait3A_630 = tpu.memref_slice %arg4[%dma_wait3A_629] : memref<8388608xf32, #tpu.memory_space<hbm>> -> memref<8192xf32, #tpu.memory_space<hbm>>
      tpu.wait_dma2 semaphore(%arg18 : memref<!tpu.dma_semaphore, #tpu.memory_space<semaphore_mem>>) src(%dma_wait3A_630 : memref<8192xf32, #tpu.memory_space<hbm>>) dst(%dma_wait3A_628 : memref<8192xf32, #tpu.memory_space<vmem>>)
      %parallel_loop3A = arith.constant 0 : i32
      %parallel_loop3A_631 = arith.constant 512 : i32
      %parallel_loop3A_632 = arith.constant 1 : i32
      scf.for %parallel_loop3A_780 = %parallel_loop3A to %parallel_loop3A_631 step %parallel_loop3A_632  : i32 {
        %parallel_loop3A_781 = arith.constant 16 : i32
        %parallel_loop3A_782 = arith.muli %parallel_loop3A_780, %parallel_loop3A_781 : i32
        %parallel_loop3A_783 = arith.constant 0 : i32
        %parallel_loop3A_784 = arith.index_cast %parallel_loop3A_783 : i32 to index
        %parallel_loop3A_785 = arith.index_cast %parallel_loop3A_782 : i32 to index
        %parallel_loop3A_786 = tpu.vector_load %arg10[%parallel_loop3A_784, %parallel_loop3A_785] {strides = array<i32>} : memref<4x8192xf32, #tpu.memory_space<vmem>>, vector<16xf32>,
        %parallel_loop3A_787 = arith.constant 0 : i32
        %parallel_loop3A_788 = arith.index_cast %parallel_loop3A_787 : i32 to index
        %parallel_loop3A_789 = arith.index_cast %parallel_loop3A_782 : i32 to index
        %parallel_loop3A_790 = tpu.vector_load %arg11[%parallel_loop3A_788, %parallel_loop3A_789] {strides = array<i32>} : memref<4x8192xf32, #tpu.memory_space<vmem>>, vector<16xf32>,
        %parallel_loop3A_791 = arith.constant 0 : i32
        %parallel_loop3A_792 = arith.index_cast %parallel_loop3A_791 : i32 to index
        %parallel_loop3A_793 = arith.index_cast %parallel_loop3A_782 : i32 to index
        %parallel_loop3A_794 = tpu.vector_load %arg12[%parallel_loop3A_792, %parallel_loop3A_793] {strides = array<i32>} : memref<4x8192xf32, #tpu.memory_space<vmem>>, vector<16xf32>,
        %parallel_loop3A_795 = arith.subf %parallel_loop3A_786, %broadcast_in_dim3A : vector<16xf32>
        %parallel_loop3A_796 = arith.mulf %parallel_loop3A_795, %div3A : vector<16xf32>
        %parallel_loop3A_797 = arith.fptosi %parallel_loop3A_796 : vector<16xf32> to vector<16xi32>
        %parallel_loop3A_798 = arith.constant 0 : i32
        %parallel_loop3A_799 = arith.constant 127 : i32
        %parallel_loop3A_800 = vector.broadcast %parallel_loop3A_798 : i32 to vector<16xi32>
        %parallel_loop3A_801 = arith.maxsi %parallel_loop3A_800, %parallel_loop3A_797 : vector<16xi32>
        %parallel_loop3A_802 = vector.broadcast %parallel_loop3A_799 : i32 to vector<16xi32>
        %parallel_loop3A_803 = arith.minsi %parallel_loop3A_802, %parallel_loop3A_801 : vector<16xi32>
        %parallel_loop3A_804 = arith.subf %parallel_loop3A_790, %broadcast_in_dim3A : vector<16xf32>
        %parallel_loop3A_805 = arith.mulf %parallel_loop3A_804, %div3A : vector<16xf32>
        %parallel_loop3A_806 = arith.fptosi %parallel_loop3A_805 : vector<16xf32> to vector<16xi32>
        %parallel_loop3A_807 = arith.constant 0 : i32
        %parallel_loop3A_808 = arith.constant 127 : i32
        %parallel_loop3A_809 = vector.broadcast %parallel_loop3A_807 : i32 to vector<16xi32>
        %parallel_loop3A_810 = arith.maxsi %parallel_loop3A_809, %parallel_loop3A_806 : vector<16xi32>
        %parallel_loop3A_811 = vector.broadcast %parallel_loop3A_808 : i32 to vector<16xi32>
        %parallel_loop3A_812 = arith.minsi %parallel_loop3A_811, %parallel_loop3A_810 : vector<16xi32>
        %parallel_loop3A_813 = arith.sitofp %parallel_loop3A_803 : vector<16xi32> to vector<16xf32>
        %parallel_loop3A_814 = arith.mulf %parallel_loop3A_813, %div3A_457 : vector<16xf32>
        %parallel_loop3A_815 = arith.addf %broadcast_in_dim3A, %parallel_loop3A_814 : vector<16xf32>
        %parallel_loop3A_816 = arith.sitofp %parallel_loop3A_812 : vector<16xi32> to vector<16xf32>
        %parallel_loop3A_817 = arith.mulf %parallel_loop3A_816, %div3A_457 : vector<16xf32>
        %parallel_loop3A_818 = arith.addf %broadcast_in_dim3A, %parallel_loop3A_817 : vector<16xf32>
        %parallel_loop3A_819 = arith.constant 16 : i32
        %parallel_loop3A_820 = vector.broadcast %parallel_loop3A_819 : i32 to vector<16xi32>
        %parallel_loop3A_821 = arith.muli %parallel_loop3A_803, %parallel_loop3A_820 : vector<16xi32>
        %parallel_loop3A_822 = arith.addi %parallel_loop3A_821, %iota3A : vector<16xi32>
        %parallel_loop3A_823 = arith.constant 16 : i32
        %parallel_loop3A_824 = vector.broadcast %parallel_loop3A_823 : i32 to vector<16xi32>
        %parallel_loop3A_825 = arith.muli %parallel_loop3A_812, %parallel_loop3A_824 : vector<16xi32>
        %parallel_loop3A_826 = arith.addi %parallel_loop3A_825, %iota3A : vector<16xi32>
        tpu.vector_store_idx %arg14[%parallel_loop3A_822], %parallel_loop3A_794 {add = true} : memref<2048xf32, #tpu.memory_space<vmem>>[vector<16xi32>], vector<16xf32>,
        %parallel_loop3A_827 = arith.subf %parallel_loop3A_786, %parallel_loop3A_815 : vector<16xf32>
        %parallel_loop3A_828 = arith.mulf %parallel_loop3A_794, %parallel_loop3A_827 : vector<16xf32>
        tpu.vector_store_idx %arg15[%parallel_loop3A_822], %parallel_loop3A_828 {add = true} : memref<2048xf32, #tpu.memory_space<vmem>>[vector<16xi32>], vector<16xf32>,
        tpu.vector_store_idx %arg16[%parallel_loop3A_826], %broadcast_in_dim3A_459 {add = true} : memref<2048xf32, #tpu.memory_space<vmem>>[vector<16xi32>], vector<16xf32>,
        %parallel_loop3A_829 = arith.subf %parallel_loop3A_790, %parallel_loop3A_818 : vector<16xf32>
        tpu.vector_store_idx %arg17[%parallel_loop3A_826], %parallel_loop3A_829 {add = true} : memref<2048xf32, #tpu.memory_space<vmem>>[vector<16xi32>], vector<16xf32>,
      } {sc.loop_unroll_factor = 4 : i64, sc.parallel_access}
      %add3A_633 = arith.constant 4 : i32
      %add3A_634 = arith.addi %add3A_598, %add3A_633 : i32
      %lt3A = arith.constant 32 : i32
      %lt3A_635 = arith.cmpi slt, %add3A_634, %lt3A : i32
      %convert_element_type3A_636 = arith.extui %lt3A_635 : i1 to i32
      %cond3A = arith.constant 0 : i32
      %cond3A_637 = arith.cmpi ne, %convert_element_type3A_636, %cond3A : i32
      scf.if %cond3A_637 {
        %add3A_780 = arith.constant 4 : i32
        %add3A_781 = arith.addi %add3A_598, %add3A_780 : i32
        %mul3A_782 = arith.constant 8192 : i32
        %mul3A_783 = arith.muli %add3A_781, %mul3A_782 : i32
        %add3A_784 = arith.addi %mul3A_2, %mul3A_783 : i32
        %multiple_of3A_785 = tpu.assume_multiple %add3A_784, 8192 : i32
        %dma_start3A_786 = arith.constant 0 : i32
        %dma_start3A_787 = arith.constant 0 : i32
        %dma_start3A_788 = tpu.memref_slice %arg10[%dma_start3A_786, %dma_start3A_787] : memref<4x8192xf32, #tpu.memory_space<vmem>> -> memref<1x8192xf32, #tpu.memory_space<vmem>>
        %dma_start3A_789 = tpu.memref_squeeze %dma_start3A_788 : memref<1x8192xf32, #tpu.memory_space<vmem>> -> memref<8192xf32, #tpu.memory_space<vmem>>
        %dma_start3A_790 = tpu.memref_slice %arg2[%multiple_of3A_785] : memref<8388608xf32, #tpu.memory_space<hbm>> -> memref<8192xf32, #tpu.memory_space<hbm>>
        %dma_start3A_791 = arith.constant 0 : i32
        %dma_start3A_792 = tpu.memref_slice %arg10[%dma_start3A_786, %dma_start3A_791] : memref<4x8192xf32, #tpu.memory_space<vmem>> -> memref<1x8192xf32, #tpu.memory_space<vmem>>
        %dma_start3A_793 = tpu.memref_squeeze %dma_start3A_792 : memref<1x8192xf32, #tpu.memory_space<vmem>> -> memref<8192xf32, #tpu.memory_space<vmem>>
        %dma_start3A_794 = tpu.memref_slice %arg2[%multiple_of3A_785] : memref<8388608xf32, #tpu.memory_space<hbm>> -> memref<8192xf32, #tpu.memory_space<hbm>>
        tpu.enqueue_dma source(%dma_start3A_794 : memref<8192xf32, #tpu.memory_space<hbm>>) target(%dma_start3A_793 : memref<8192xf32, #tpu.memory_space<vmem>>) target_semaphore(%arg18 : memref<!tpu.dma_semaphore, #tpu.memory_space<semaphore_mem>>)
        %dma_start3A_795 = arith.constant 0 : i32
        %dma_start3A_796 = arith.constant 0 : i32
        %dma_start3A_797 = tpu.memref_slice %arg11[%dma_start3A_795, %dma_start3A_796] : memref<4x8192xf32, #tpu.memory_space<vmem>> -> memref<1x8192xf32, #tpu.memory_space<vmem>>
        %dma_start3A_798 = tpu.memref_squeeze %dma_start3A_797 : memref<1x8192xf32, #tpu.memory_space<vmem>> -> memref<8192xf32, #tpu.memory_space<vmem>>
        %dma_start3A_799 = tpu.memref_slice %arg3[%multiple_of3A_785] : memref<8388608xf32, #tpu.memory_space<hbm>> -> memref<8192xf32, #tpu.memory_space<hbm>>
        %dma_start3A_800 = arith.constant 0 : i32
        %dma_start3A_801 = tpu.memref_slice %arg11[%dma_start3A_795, %dma_start3A_800] : memref<4x8192xf32, #tpu.memory_space<vmem>> -> memref<1x8192xf32, #tpu.memory_space<vmem>>
        %dma_start3A_802 = tpu.memref_squeeze %dma_start3A_801 : memref<1x8192xf32, #tpu.memory_space<vmem>> -> memref<8192xf32, #tpu.memory_space<vmem>>
        %dma_start3A_803 = tpu.memref_slice %arg3[%multiple_of3A_785] : memref<8388608xf32, #tpu.memory_space<hbm>> -> memref<8192xf32, #tpu.memory_space<hbm>>
        tpu.enqueue_dma source(%dma_start3A_803 : memref<8192xf32, #tpu.memory_space<hbm>>) target(%dma_start3A_802 : memref<8192xf32, #tpu.memory_space<vmem>>) target_semaphore(%arg18 : memref<!tpu.dma_semaphore, #tpu.memory_space<semaphore_mem>>)
        %dma_start3A_804 = arith.constant 0 : i32
        %dma_start3A_805 = arith.constant 0 : i32
        %dma_start3A_806 = tpu.memref_slice %arg12[%dma_start3A_804, %dma_start3A_805] : memref<4x8192xf32, #tpu.memory_space<vmem>> -> memref<1x8192xf32, #tpu.memory_space<vmem>>
        %dma_start3A_807 = tpu.memref_squeeze %dma_start3A_806 : memref<1x8192xf32, #tpu.memory_space<vmem>> -> memref<8192xf32, #tpu.memory_space<vmem>>
        %dma_start3A_808 = tpu.memref_slice %arg4[%multiple_of3A_785] : memref<8388608xf32, #tpu.memory_space<hbm>> -> memref<8192xf32, #tpu.memory_space<hbm>>
        %dma_start3A_809 = arith.constant 0 : i32
        %dma_start3A_810 = tpu.memref_slice %arg12[%dma_start3A_804, %dma_start3A_809] : memref<4x8192xf32, #tpu.memory_space<vmem>> -> memref<1x8192xf32, #tpu.memory_space<vmem>>
        %dma_start3A_811 = tpu.memref_squeeze %dma_start3A_810 : memref<1x8192xf32, #tpu.memory_space<vmem>> -> memref<8192xf32, #tpu.memory_space<vmem>>
        %dma_start3A_812 = tpu.memref_slice %arg4[%multiple_of3A_785] : memref<8388608xf32, #tpu.memory_space<hbm>> -> memref<8192xf32, #tpu.memory_space<hbm>>
        tpu.enqueue_dma source(%dma_start3A_812 : memref<8192xf32, #tpu.memory_space<hbm>>) target(%dma_start3A_811 : memref<8192xf32, #tpu.memory_space<vmem>>) target_semaphore(%arg18 : memref<!tpu.dma_semaphore, #tpu.memory_space<semaphore_mem>>)
      } else {
      }
      %mul3A_638 = arith.constant 4 : i32
      %mul3A_639 = arith.muli %scan3A_593, %mul3A_638 : i32
      %add3A_640 = arith.constant 1 : i32
      %add3A_641 = arith.addi %mul3A_639, %add3A_640 : i32
      %dma_wait3A_642 = arith.constant 1 : i32
      %dma_wait3A_643 = arith.constant 0 : i32
      %dma_wait3A_644 = tpu.memref_slice %arg10[%dma_wait3A_642, %dma_wait3A_643] : memref<4x8192xf32, #tpu.memory_space<vmem>> -> memref<1x8192xf32, #tpu.memory_space<vmem>>
      %dma_wait3A_645 = tpu.memref_squeeze %dma_wait3A_644 : memref<1x8192xf32, #tpu.memory_space<vmem>> -> memref<8192xf32, #tpu.memory_space<vmem>>
      %dma_wait3A_646 = arith.constant 0 : i32
      %dma_wait3A_647 = tpu.memref_slice %arg2[%dma_wait3A_646] : memref<8388608xf32, #tpu.memory_space<hbm>> -> memref<8192xf32, #tpu.memory_space<hbm>>
      %dma_wait3A_648 = arith.constant 0 : i32
      %dma_wait3A_649 = tpu.memref_slice %arg10[%dma_wait3A_642, %dma_wait3A_648] : memref<4x8192xf32, #tpu.memory_space<vmem>> -> memref<1x8192xf32, #tpu.memory_space<vmem>>
      %dma_wait3A_650 = tpu.memref_squeeze %dma_wait3A_649 : memref<1x8192xf32, #tpu.memory_space<vmem>> -> memref<8192xf32, #tpu.memory_space<vmem>>
      %dma_wait3A_651 = arith.constant 0 : i32
      %dma_wait3A_652 = tpu.memref_slice %arg2[%dma_wait3A_651] : memref<8388608xf32, #tpu.memory_space<hbm>> -> memref<8192xf32, #tpu.memory_space<hbm>>
      tpu.wait_dma2 semaphore(%arg19 : memref<!tpu.dma_semaphore, #tpu.memory_space<semaphore_mem>>) src(%dma_wait3A_652 : memref<8192xf32, #tpu.memory_space<hbm>>) dst(%dma_wait3A_650 : memref<8192xf32, #tpu.memory_space<vmem>>)
      %dma_wait3A_653 = arith.constant 1 : i32
      %dma_wait3A_654 = arith.constant 0 : i32
      %dma_wait3A_655 = tpu.memref_slice %arg11[%dma_wait3A_653, %dma_wait3A_654] : memref<4x8192xf32, #tpu.memory_space<vmem>> -> memref<1x8192xf32, #tpu.memory_space<vmem>>
      %dma_wait3A_656 = tpu.memref_squeeze %dma_wait3A_655 : memref<1x8192xf32, #tpu.memory_space<vmem>> -> memref<8192xf32, #tpu.memory_space<vmem>>
      %dma_wait3A_657 = arith.constant 0 : i32
      %dma_wait3A_658 = tpu.memref_slice %arg3[%dma_wait3A_657] : memref<8388608xf32, #tpu.memory_space<hbm>> -> memref<8192xf32, #tpu.memory_space<hbm>>
      %dma_wait3A_659 = arith.constant 0 : i32
      %dma_wait3A_660 = tpu.memref_slice %arg11[%dma_wait3A_653, %dma_wait3A_659] : memref<4x8192xf32, #tpu.memory_space<vmem>> -> memref<1x8192xf32, #tpu.memory_space<vmem>>
      %dma_wait3A_661 = tpu.memref_squeeze %dma_wait3A_660 : memref<1x8192xf32, #tpu.memory_space<vmem>> -> memref<8192xf32, #tpu.memory_space<vmem>>
      %dma_wait3A_662 = arith.constant 0 : i32
      %dma_wait3A_663 = tpu.memref_slice %arg3[%dma_wait3A_662] : memref<8388608xf32, #tpu.memory_space<hbm>> -> memref<8192xf32, #tpu.memory_space<hbm>>
      tpu.wait_dma2 semaphore(%arg19 : memref<!tpu.dma_semaphore, #tpu.memory_space<semaphore_mem>>) src(%dma_wait3A_663 : memref<8192xf32, #tpu.memory_space<hbm>>) dst(%dma_wait3A_661 : memref<8192xf32, #tpu.memory_space<vmem>>)
      %dma_wait3A_664 = arith.constant 1 : i32
      %dma_wait3A_665 = arith.constant 0 : i32
      %dma_wait3A_666 = tpu.memref_slice %arg12[%dma_wait3A_664, %dma_wait3A_665] : memref<4x8192xf32, #tpu.memory_space<vmem>> -> memref<1x8192xf32, #tpu.memory_space<vmem>>
      %dma_wait3A_667 = tpu.memref_squeeze %dma_wait3A_666 : memref<1x8192xf32, #tpu.memory_space<vmem>> -> memref<8192xf32, #tpu.memory_space<vmem>>
      %dma_wait3A_668 = arith.constant 0 : i32
      %dma_wait3A_669 = tpu.memref_slice %arg4[%dma_wait3A_668] : memref<8388608xf32, #tpu.memory_space<hbm>> -> memref<8192xf32, #tpu.memory_space<hbm>>
      %dma_wait3A_670 = arith.constant 0 : i32
      %dma_wait3A_671 = tpu.memref_slice %arg12[%dma_wait3A_664, %dma_wait3A_670] : memref<4x8192xf32, #tpu.memory_space<vmem>> -> memref<1x8192xf32, #tpu.memory_space<vmem>>
      %dma_wait3A_672 = tpu.memref_squeeze %dma_wait3A_671 : memref<1x8192xf32, #tpu.memory_space<vmem>> -> memref<8192xf32, #tpu.memory_space<vmem>>
      %dma_wait3A_673 = arith.constant 0 : i32
      %dma_wait3A_674 = tpu.memref_slice %arg4[%dma_wait3A_673] : memref<8388608xf32, #tpu.memory_space<hbm>> -> memref<8192xf32, #tpu.memory_space<hbm>>
      tpu.wait_dma2 semaphore(%arg19 : memref<!tpu.dma_semaphore, #tpu.memory_space<semaphore_mem>>) src(%dma_wait3A_674 : memref<8192xf32, #tpu.memory_space<hbm>>) dst(%dma_wait3A_672 : memref<8192xf32, #tpu.memory_space<vmem>>)
      %parallel_loop3A_675 = arith.constant 0 : i32
      %parallel_loop3A_676 = arith.constant 512 : i32
      %parallel_loop3A_677 = arith.constant 1 : i32
      scf.for %parallel_loop3A_780 = %parallel_loop3A_675 to %parallel_loop3A_676 step %parallel_loop3A_677  : i32 {
        %parallel_loop3A_781 = arith.constant 16 : i32
        %parallel_loop3A_782 = arith.muli %parallel_loop3A_780, %parallel_loop3A_781 : i32
        %parallel_loop3A_783 = arith.constant 1 : i32
        %parallel_loop3A_784 = arith.index_cast %parallel_loop3A_783 : i32 to index
        %parallel_loop3A_785 = arith.index_cast %parallel_loop3A_782 : i32 to index
        %parallel_loop3A_786 = tpu.vector_load %arg10[%parallel_loop3A_784, %parallel_loop3A_785] {strides = array<i32>} : memref<4x8192xf32, #tpu.memory_space<vmem>>, vector<16xf32>,
        %parallel_loop3A_787 = arith.constant 1 : i32
        %parallel_loop3A_788 = arith.index_cast %parallel_loop3A_787 : i32 to index
        %parallel_loop3A_789 = arith.index_cast %parallel_loop3A_782 : i32 to index
        %parallel_loop3A_790 = tpu.vector_load %arg11[%parallel_loop3A_788, %parallel_loop3A_789] {strides = array<i32>} : memref<4x8192xf32, #tpu.memory_space<vmem>>, vector<16xf32>,
        %parallel_loop3A_791 = arith.constant 1 : i32
        %parallel_loop3A_792 = arith.index_cast %parallel_loop3A_791 : i32 to index
        %parallel_loop3A_793 = arith.index_cast %parallel_loop3A_782 : i32 to index
        %parallel_loop3A_794 = tpu.vector_load %arg12[%parallel_loop3A_792, %parallel_loop3A_793] {strides = array<i32>} : memref<4x8192xf32, #tpu.memory_space<vmem>>, vector<16xf32>,
        %parallel_loop3A_795 = arith.subf %parallel_loop3A_786, %broadcast_in_dim3A : vector<16xf32>
        %parallel_loop3A_796 = arith.mulf %parallel_loop3A_795, %div3A : vector<16xf32>
        %parallel_loop3A_797 = arith.fptosi %parallel_loop3A_796 : vector<16xf32> to vector<16xi32>
        %parallel_loop3A_798 = arith.constant 0 : i32
        %parallel_loop3A_799 = arith.constant 127 : i32
        %parallel_loop3A_800 = vector.broadcast %parallel_loop3A_798 : i32 to vector<16xi32>
        %parallel_loop3A_801 = arith.maxsi %parallel_loop3A_800, %parallel_loop3A_797 : vector<16xi32>
        %parallel_loop3A_802 = vector.broadcast %parallel_loop3A_799 : i32 to vector<16xi32>
        %parallel_loop3A_803 = arith.minsi %parallel_loop3A_802, %parallel_loop3A_801 : vector<16xi32>
        %parallel_loop3A_804 = arith.subf %parallel_loop3A_790, %broadcast_in_dim3A : vector<16xf32>
        %parallel_loop3A_805 = arith.mulf %parallel_loop3A_804, %div3A : vector<16xf32>
        %parallel_loop3A_806 = arith.fptosi %parallel_loop3A_805 : vector<16xf32> to vector<16xi32>
        %parallel_loop3A_807 = arith.constant 0 : i32
        %parallel_loop3A_808 = arith.constant 127 : i32
        %parallel_loop3A_809 = vector.broadcast %parallel_loop3A_807 : i32 to vector<16xi32>
        %parallel_loop3A_810 = arith.maxsi %parallel_loop3A_809, %parallel_loop3A_806 : vector<16xi32>
        %parallel_loop3A_811 = vector.broadcast %parallel_loop3A_808 : i32 to vector<16xi32>
        %parallel_loop3A_812 = arith.minsi %parallel_loop3A_811, %parallel_loop3A_810 : vector<16xi32>
        %parallel_loop3A_813 = arith.sitofp %parallel_loop3A_803 : vector<16xi32> to vector<16xf32>
        %parallel_loop3A_814 = arith.mulf %parallel_loop3A_813, %div3A_457 : vector<16xf32>
        %parallel_loop3A_815 = arith.addf %broadcast_in_dim3A, %parallel_loop3A_814 : vector<16xf32>
        %parallel_loop3A_816 = arith.sitofp %parallel_loop3A_812 : vector<16xi32> to vector<16xf32>
        %parallel_loop3A_817 = arith.mulf %parallel_loop3A_816, %div3A_457 : vector<16xf32>
        %parallel_loop3A_818 = arith.addf %broadcast_in_dim3A, %parallel_loop3A_817 : vector<16xf32>
        %parallel_loop3A_819 = arith.constant 16 : i32
        %parallel_loop3A_820 = vector.broadcast %parallel_loop3A_819 : i32 to vector<16xi32>
        %parallel_loop3A_821 = arith.muli %parallel_loop3A_803, %parallel_loop3A_820 : vector<16xi32>
        %parallel_loop3A_822 = arith.addi %parallel_loop3A_821, %iota3A : vector<16xi32>
        %parallel_loop3A_823 = arith.constant 16 : i32
        %parallel_loop3A_824 = vector.broadcast %parallel_loop3A_823 : i32 to vector<16xi32>
        %parallel_loop3A_825 = arith.muli %parallel_loop3A_812, %parallel_loop3A_824 : vector<16xi32>
        %parallel_loop3A_826 = arith.addi %parallel_loop3A_825, %iota3A : vector<16xi32>
        tpu.vector_store_idx %arg14[%parallel_loop3A_822], %parallel_loop3A_794 {add = true} : memref<2048xf32, #tpu.memory_space<vmem>>[vector<16xi32>], vector<16xf32>,
        %parallel_loop3A_827 = arith.subf %parallel_loop3A_786, %parallel_loop3A_815 : vector<16xf32>
        %parallel_loop3A_828 = arith.mulf %parallel_loop3A_794, %parallel_loop3A_827 : vector<16xf32>
        tpu.vector_store_idx %arg15[%parallel_loop3A_822], %parallel_loop3A_828 {add = true} : memref<2048xf32, #tpu.memory_space<vmem>>[vector<16xi32>], vector<16xf32>,
        tpu.vector_store_idx %arg16[%parallel_loop3A_826], %broadcast_in_dim3A_459 {add = true} : memref<2048xf32, #tpu.memory_space<vmem>>[vector<16xi32>], vector<16xf32>,
        %parallel_loop3A_829 = arith.subf %parallel_loop3A_790, %parallel_loop3A_818 : vector<16xf32>
        tpu.vector_store_idx %arg17[%parallel_loop3A_826], %parallel_loop3A_829 {add = true} : memref<2048xf32, #tpu.memory_space<vmem>>[vector<16xi32>], vector<16xf32>,
      } {sc.loop_unroll_factor = 4 : i64, sc.parallel_access}
      %add3A_678 = arith.constant 4 : i32
      %add3A_679 = arith.addi %add3A_641, %add3A_678 : i32
      %lt3A_680 = arith.constant 32 : i32
      %lt3A_681 = arith.cmpi slt, %add3A_679, %lt3A_680 : i32
      %convert_element_type3A_682 = arith.extui %lt3A_681 : i1 to i32
      %cond3A_683 = arith.constant 0 : i32
      %cond3A_684 = arith.cmpi ne, %convert_element_type3A_682, %cond3A_683 : i32
      scf.if %cond3A_684 {
        %add3A_780 = arith.constant 4 : i32
        %add3A_781 = arith.addi %add3A_641, %add3A_780 : i32
        %mul3A_782 = arith.constant 8192 : i32
        %mul3A_783 = arith.muli %add3A_781, %mul3A_782 : i32
        %add3A_784 = arith.addi %mul3A_2, %mul3A_783 : i32
        %multiple_of3A_785 = tpu.assume_multiple %add3A_784, 8192 : i32
        %dma_start3A_786 = arith.constant 1 : i32
        %dma_start3A_787 = arith.constant 0 : i32
        %dma_start3A_788 = tpu.memref_slice %arg10[%dma_start3A_786, %dma_start3A_787] : memref<4x8192xf32, #tpu.memory_space<vmem>> -> memref<1x8192xf32, #tpu.memory_space<vmem>>
        %dma_start3A_789 = tpu.memref_squeeze %dma_start3A_788 : memref<1x8192xf32, #tpu.memory_space<vmem>> -> memref<8192xf32, #tpu.memory_space<vmem>>
        %dma_start3A_790 = tpu.memref_slice %arg2[%multiple_of3A_785] : memref<8388608xf32, #tpu.memory_space<hbm>> -> memref<8192xf32, #tpu.memory_space<hbm>>
        %dma_start3A_791 = arith.constant 0 : i32
        %dma_start3A_792 = tpu.memref_slice %arg10[%dma_start3A_786, %dma_start3A_791] : memref<4x8192xf32, #tpu.memory_space<vmem>> -> memref<1x8192xf32, #tpu.memory_space<vmem>>
        %dma_start3A_793 = tpu.memref_squeeze %dma_start3A_792 : memref<1x8192xf32, #tpu.memory_space<vmem>> -> memref<8192xf32, #tpu.memory_space<vmem>>
        %dma_start3A_794 = tpu.memref_slice %arg2[%multiple_of3A_785] : memref<8388608xf32, #tpu.memory_space<hbm>> -> memref<8192xf32, #tpu.memory_space<hbm>>
        tpu.enqueue_dma source(%dma_start3A_794 : memref<8192xf32, #tpu.memory_space<hbm>>) target(%dma_start3A_793 : memref<8192xf32, #tpu.memory_space<vmem>>) target_semaphore(%arg19 : memref<!tpu.dma_semaphore, #tpu.memory_space<semaphore_mem>>)
        %dma_start3A_795 = arith.constant 1 : i32
        %dma_start3A_796 = arith.constant 0 : i32
        %dma_start3A_797 = tpu.memref_slice %arg11[%dma_start3A_795, %dma_start3A_796] : memref<4x8192xf32, #tpu.memory_space<vmem>> -> memref<1x8192xf32, #tpu.memory_space<vmem>>
        %dma_start3A_798 = tpu.memref_squeeze %dma_start3A_797 : memref<1x8192xf32, #tpu.memory_space<vmem>> -> memref<8192xf32, #tpu.memory_space<vmem>>
        %dma_start3A_799 = tpu.memref_slice %arg3[%multiple_of3A_785] : memref<8388608xf32, #tpu.memory_space<hbm>> -> memref<8192xf32, #tpu.memory_space<hbm>>
        %dma_start3A_800 = arith.constant 0 : i32
        %dma_start3A_801 = tpu.memref_slice %arg11[%dma_start3A_795, %dma_start3A_800] : memref<4x8192xf32, #tpu.memory_space<vmem>> -> memref<1x8192xf32, #tpu.memory_space<vmem>>
        %dma_start3A_802 = tpu.memref_squeeze %dma_start3A_801 : memref<1x8192xf32, #tpu.memory_space<vmem>> -> memref<8192xf32, #tpu.memory_space<vmem>>
        %dma_start3A_803 = tpu.memref_slice %arg3[%multiple_of3A_785] : memref<8388608xf32, #tpu.memory_space<hbm>> -> memref<8192xf32, #tpu.memory_space<hbm>>
        tpu.enqueue_dma source(%dma_start3A_803 : memref<8192xf32, #tpu.memory_space<hbm>>) target(%dma_start3A_802 : memref<8192xf32, #tpu.memory_space<vmem>>) target_semaphore(%arg19 : memref<!tpu.dma_semaphore, #tpu.memory_space<semaphore_mem>>)
        %dma_start3A_804 = arith.constant 1 : i32
        %dma_start3A_805 = arith.constant 0 : i32
        %dma_start3A_806 = tpu.memref_slice %arg12[%dma_start3A_804, %dma_start3A_805] : memref<4x8192xf32, #tpu.memory_space<vmem>> -> memref<1x8192xf32, #tpu.memory_space<vmem>>
        %dma_start3A_807 = tpu.memref_squeeze %dma_start3A_806 : memref<1x8192xf32, #tpu.memory_space<vmem>> -> memref<8192xf32, #tpu.memory_space<vmem>>
        %dma_start3A_808 = tpu.memref_slice %arg4[%multiple_of3A_785] : memref<8388608xf32, #tpu.memory_space<hbm>> -> memref<8192xf32, #tpu.memory_space<hbm>>
        %dma_start3A_809 = arith.constant 0 : i32
        %dma_start3A_810 = tpu.memref_slice %arg12[%dma_start3A_804, %dma_start3A_809] : memref<4x8192xf32, #tpu.memory_space<vmem>> -> memref<1x8192xf32, #tpu.memory_space<vmem>>
        %dma_start3A_811 = tpu.memref_squeeze %dma_start3A_810 : memref<1x8192xf32, #tpu.memory_space<vmem>> -> memref<8192xf32, #tpu.memory_space<vmem>>
        %dma_start3A_812 = tpu.memref_slice %arg4[%multiple_of3A_785] : memref<8388608xf32, #tpu.memory_space<hbm>> -> memref<8192xf32, #tpu.memory_space<hbm>>
        tpu.enqueue_dma source(%dma_start3A_812 : memref<8192xf32, #tpu.memory_space<hbm>>) target(%dma_start3A_811 : memref<8192xf32, #tpu.memory_space<vmem>>) target_semaphore(%arg19 : memref<!tpu.dma_semaphore, #tpu.memory_space<semaphore_mem>>)
      } else {
      }
      %mul3A_685 = arith.constant 4 : i32
      %mul3A_686 = arith.muli %scan3A_593, %mul3A_685 : i32
      %add3A_687 = arith.constant 2 : i32
      %add3A_688 = arith.addi %mul3A_686, %add3A_687 : i32
      %dma_wait3A_689 = arith.constant 2 : i32
      %dma_wait3A_690 = arith.constant 0 : i32
      %dma_wait3A_691 = tpu.memref_slice %arg10[%dma_wait3A_689, %dma_wait3A_690] : memref<4x8192xf32, #tpu.memory_space<vmem>> -> memref<1x8192xf32, #tpu.memory_space<vmem>>
      %dma_wait3A_692 = tpu.memref_squeeze %dma_wait3A_691 : memref<1x8192xf32, #tpu.memory_space<vmem>> -> memref<8192xf32, #tpu.memory_space<vmem>>
      %dma_wait3A_693 = arith.constant 0 : i32
      %dma_wait3A_694 = tpu.memref_slice %arg2[%dma_wait3A_693] : memref<8388608xf32, #tpu.memory_space<hbm>> -> memref<8192xf32, #tpu.memory_space<hbm>>
      %dma_wait3A_695 = arith.constant 0 : i32
      %dma_wait3A_696 = tpu.memref_slice %arg10[%dma_wait3A_689, %dma_wait3A_695] : memref<4x8192xf32, #tpu.memory_space<vmem>> -> memref<1x8192xf32, #tpu.memory_space<vmem>>
      %dma_wait3A_697 = tpu.memref_squeeze %dma_wait3A_696 : memref<1x8192xf32, #tpu.memory_space<vmem>> -> memref<8192xf32, #tpu.memory_space<vmem>>
      %dma_wait3A_698 = arith.constant 0 : i32
      %dma_wait3A_699 = tpu.memref_slice %arg2[%dma_wait3A_698] : memref<8388608xf32, #tpu.memory_space<hbm>> -> memref<8192xf32, #tpu.memory_space<hbm>>
      tpu.wait_dma2 semaphore(%arg20 : memref<!tpu.dma_semaphore, #tpu.memory_space<semaphore_mem>>) src(%dma_wait3A_699 : memref<8192xf32, #tpu.memory_space<hbm>>) dst(%dma_wait3A_697 : memref<8192xf32, #tpu.memory_space<vmem>>)
      %dma_wait3A_700 = arith.constant 2 : i32
      %dma_wait3A_701 = arith.constant 0 : i32
      %dma_wait3A_702 = tpu.memref_slice %arg11[%dma_wait3A_700, %dma_wait3A_701] : memref<4x8192xf32, #tpu.memory_space<vmem>> -> memref<1x8192xf32, #tpu.memory_space<vmem>>
      %dma_wait3A_703 = tpu.memref_squeeze %dma_wait3A_702 : memref<1x8192xf32, #tpu.memory_space<vmem>> -> memref<8192xf32, #tpu.memory_space<vmem>>
      %dma_wait3A_704 = arith.constant 0 : i32
      %dma_wait3A_705 = tpu.memref_slice %arg3[%dma_wait3A_704] : memref<8388608xf32, #tpu.memory_space<hbm>> -> memref<8192xf32, #tpu.memory_space<hbm>>
      %dma_wait3A_706 = arith.constant 0 : i32
      %dma_wait3A_707 = tpu.memref_slice %arg11[%dma_wait3A_700, %dma_wait3A_706] : memref<4x8192xf32, #tpu.memory_space<vmem>> -> memref<1x8192xf32, #tpu.memory_space<vmem>>
      %dma_wait3A_708 = tpu.memref_squeeze %dma_wait3A_707 : memref<1x8192xf32, #tpu.memory_space<vmem>> -> memref<8192xf32, #tpu.memory_space<vmem>>
      %dma_wait3A_709 = arith.constant 0 : i32
      %dma_wait3A_710 = tpu.memref_slice %arg3[%dma_wait3A_709] : memref<8388608xf32, #tpu.memory_space<hbm>> -> memref<8192xf32, #tpu.memory_space<hbm>>
      tpu.wait_dma2 semaphore(%arg20 : memref<!tpu.dma_semaphore, #tpu.memory_space<semaphore_mem>>) src(%dma_wait3A_710 : memref<8192xf32, #tpu.memory_space<hbm>>) dst(%dma_wait3A_708 : memref<8192xf32, #tpu.memory_space<vmem>>)
      %dma_wait3A_711 = arith.constant 2 : i32
      %dma_wait3A_712 = arith.constant 0 : i32
      %dma_wait3A_713 = tpu.memref_slice %arg12[%dma_wait3A_711, %dma_wait3A_712] : memref<4x8192xf32, #tpu.memory_space<vmem>> -> memref<1x8192xf32, #tpu.memory_space<vmem>>
      %dma_wait3A_714 = tpu.memref_squeeze %dma_wait3A_713 : memref<1x8192xf32, #tpu.memory_space<vmem>> -> memref<8192xf32, #tpu.memory_space<vmem>>
      %dma_wait3A_715 = arith.constant 0 : i32
      %dma_wait3A_716 = tpu.memref_slice %arg4[%dma_wait3A_715] : memref<8388608xf32, #tpu.memory_space<hbm>> -> memref<8192xf32, #tpu.memory_space<hbm>>
      %dma_wait3A_717 = arith.constant 0 : i32
      %dma_wait3A_718 = tpu.memref_slice %arg12[%dma_wait3A_711, %dma_wait3A_717] : memref<4x8192xf32, #tpu.memory_space<vmem>> -> memref<1x8192xf32, #tpu.memory_space<vmem>>
      %dma_wait3A_719 = tpu.memref_squeeze %dma_wait3A_718 : memref<1x8192xf32, #tpu.memory_space<vmem>> -> memref<8192xf32, #tpu.memory_space<vmem>>
      %dma_wait3A_720 = arith.constant 0 : i32
      %dma_wait3A_721 = tpu.memref_slice %arg4[%dma_wait3A_720] : memref<8388608xf32, #tpu.memory_space<hbm>> -> memref<8192xf32, #tpu.memory_space<hbm>>
      tpu.wait_dma2 semaphore(%arg20 : memref<!tpu.dma_semaphore, #tpu.memory_space<semaphore_mem>>) src(%dma_wait3A_721 : memref<8192xf32, #tpu.memory_space<hbm>>) dst(%dma_wait3A_719 : memref<8192xf32, #tpu.memory_space<vmem>>)
      %parallel_loop3A_722 = arith.constant 0 : i32
      %parallel_loop3A_723 = arith.constant 512 : i32
      %parallel_loop3A_724 = arith.constant 1 : i32
      scf.for %parallel_loop3A_780 = %parallel_loop3A_722 to %parallel_loop3A_723 step %parallel_loop3A_724  : i32 {
        %parallel_loop3A_781 = arith.constant 16 : i32
        %parallel_loop3A_782 = arith.muli %parallel_loop3A_780, %parallel_loop3A_781 : i32
        %parallel_loop3A_783 = arith.constant 2 : i32
        %parallel_loop3A_784 = arith.index_cast %parallel_loop3A_783 : i32 to index
        %parallel_loop3A_785 = arith.index_cast %parallel_loop3A_782 : i32 to index
        %parallel_loop3A_786 = tpu.vector_load %arg10[%parallel_loop3A_784, %parallel_loop3A_785] {strides = array<i32>} : memref<4x8192xf32, #tpu.memory_space<vmem>>, vector<16xf32>,
        %parallel_loop3A_787 = arith.constant 2 : i32
        %parallel_loop3A_788 = arith.index_cast %parallel_loop3A_787 : i32 to index
        %parallel_loop3A_789 = arith.index_cast %parallel_loop3A_782 : i32 to index
        %parallel_loop3A_790 = tpu.vector_load %arg11[%parallel_loop3A_788, %parallel_loop3A_789] {strides = array<i32>} : memref<4x8192xf32, #tpu.memory_space<vmem>>, vector<16xf32>,
        %parallel_loop3A_791 = arith.constant 2 : i32
        %parallel_loop3A_792 = arith.index_cast %parallel_loop3A_791 : i32 to index
        %parallel_loop3A_793 = arith.index_cast %parallel_loop3A_782 : i32 to index
        %parallel_loop3A_794 = tpu.vector_load %arg12[%parallel_loop3A_792, %parallel_loop3A_793] {strides = array<i32>} : memref<4x8192xf32, #tpu.memory_space<vmem>>, vector<16xf32>,
        %parallel_loop3A_795 = arith.subf %parallel_loop3A_786, %broadcast_in_dim3A : vector<16xf32>
        %parallel_loop3A_796 = arith.mulf %parallel_loop3A_795, %div3A : vector<16xf32>
        %parallel_loop3A_797 = arith.fptosi %parallel_loop3A_796 : vector<16xf32> to vector<16xi32>
        %parallel_loop3A_798 = arith.constant 0 : i32
        %parallel_loop3A_799 = arith.constant 127 : i32
        %parallel_loop3A_800 = vector.broadcast %parallel_loop3A_798 : i32 to vector<16xi32>
        %parallel_loop3A_801 = arith.maxsi %parallel_loop3A_800, %parallel_loop3A_797 : vector<16xi32>
        %parallel_loop3A_802 = vector.broadcast %parallel_loop3A_799 : i32 to vector<16xi32>
        %parallel_loop3A_803 = arith.minsi %parallel_loop3A_802, %parallel_loop3A_801 : vector<16xi32>
        %parallel_loop3A_804 = arith.subf %parallel_loop3A_790, %broadcast_in_dim3A : vector<16xf32>
        %parallel_loop3A_805 = arith.mulf %parallel_loop3A_804, %div3A : vector<16xf32>
        %parallel_loop3A_806 = arith.fptosi %parallel_loop3A_805 : vector<16xf32> to vector<16xi32>
        %parallel_loop3A_807 = arith.constant 0 : i32
        %parallel_loop3A_808 = arith.constant 127 : i32
        %parallel_loop3A_809 = vector.broadcast %parallel_loop3A_807 : i32 to vector<16xi32>
        %parallel_loop3A_810 = arith.maxsi %parallel_loop3A_809, %parallel_loop3A_806 : vector<16xi32>
        %parallel_loop3A_811 = vector.broadcast %parallel_loop3A_808 : i32 to vector<16xi32>
        %parallel_loop3A_812 = arith.minsi %parallel_loop3A_811, %parallel_loop3A_810 : vector<16xi32>
        %parallel_loop3A_813 = arith.sitofp %parallel_loop3A_803 : vector<16xi32> to vector<16xf32>
        %parallel_loop3A_814 = arith.mulf %parallel_loop3A_813, %div3A_457 : vector<16xf32>
        %parallel_loop3A_815 = arith.addf %broadcast_in_dim3A, %parallel_loop3A_814 : vector<16xf32>
        %parallel_loop3A_816 = arith.sitofp %parallel_loop3A_812 : vector<16xi32> to vector<16xf32>
        %parallel_loop3A_817 = arith.mulf %parallel_loop3A_816, %div3A_457 : vector<16xf32>
        %parallel_loop3A_818 = arith.addf %broadcast_in_dim3A, %parallel_loop3A_817 : vector<16xf32>
        %parallel_loop3A_819 = arith.constant 16 : i32
        %parallel_loop3A_820 = vector.broadcast %parallel_loop3A_819 : i32 to vector<16xi32>
        %parallel_loop3A_821 = arith.muli %parallel_loop3A_803, %parallel_loop3A_820 : vector<16xi32>
        %parallel_loop3A_822 = arith.addi %parallel_loop3A_821, %iota3A : vector<16xi32>
        %parallel_loop3A_823 = arith.constant 16 : i32
        %parallel_loop3A_824 = vector.broadcast %parallel_loop3A_823 : i32 to vector<16xi32>
        %parallel_loop3A_825 = arith.muli %parallel_loop3A_812, %parallel_loop3A_824 : vector<16xi32>
        %parallel_loop3A_826 = arith.addi %parallel_loop3A_825, %iota3A : vector<16xi32>
        tpu.vector_store_idx %arg14[%parallel_loop3A_822], %parallel_loop3A_794 {add = true} : memref<2048xf32, #tpu.memory_space<vmem>>[vector<16xi32>], vector<16xf32>,
        %parallel_loop3A_827 = arith.subf %parallel_loop3A_786, %parallel_loop3A_815 : vector<16xf32>
        %parallel_loop3A_828 = arith.mulf %parallel_loop3A_794, %parallel_loop3A_827 : vector<16xf32>
        tpu.vector_store_idx %arg15[%parallel_loop3A_822], %parallel_loop3A_828 {add = true} : memref<2048xf32, #tpu.memory_space<vmem>>[vector<16xi32>], vector<16xf32>,
        tpu.vector_store_idx %arg16[%parallel_loop3A_826], %broadcast_in_dim3A_459 {add = true} : memref<2048xf32, #tpu.memory_space<vmem>>[vector<16xi32>], vector<16xf32>,
        %parallel_loop3A_829 = arith.subf %parallel_loop3A_790, %parallel_loop3A_818 : vector<16xf32>
        tpu.vector_store_idx %arg17[%parallel_loop3A_826], %parallel_loop3A_829 {add = true} : memref<2048xf32, #tpu.memory_space<vmem>>[vector<16xi32>], vector<16xf32>,
      } {sc.loop_unroll_factor = 4 : i64, sc.parallel_access}
      %add3A_725 = arith.constant 4 : i32
      %add3A_726 = arith.addi %add3A_688, %add3A_725 : i32
      %lt3A_727 = arith.constant 32 : i32
      %lt3A_728 = arith.cmpi slt, %add3A_726, %lt3A_727 : i32
      %convert_element_type3A_729 = arith.extui %lt3A_728 : i1 to i32
      %cond3A_730 = arith.constant 0 : i32
      %cond3A_731 = arith.cmpi ne, %convert_element_type3A_729, %cond3A_730 : i32
      scf.if %cond3A_731 {
        %add3A_780 = arith.constant 4 : i32
        %add3A_781 = arith.addi %add3A_688, %add3A_780 : i32
        %mul3A_782 = arith.constant 8192 : i32
        %mul3A_783 = arith.muli %add3A_781, %mul3A_782 : i32
        %add3A_784 = arith.addi %mul3A_2, %mul3A_783 : i32
        %multiple_of3A_785 = tpu.assume_multiple %add3A_784, 8192 : i32
        %dma_start3A_786 = arith.constant 2 : i32
        %dma_start3A_787 = arith.constant 0 : i32
        %dma_start3A_788 = tpu.memref_slice %arg10[%dma_start3A_786, %dma_start3A_787] : memref<4x8192xf32, #tpu.memory_space<vmem>> -> memref<1x8192xf32, #tpu.memory_space<vmem>>
        %dma_start3A_789 = tpu.memref_squeeze %dma_start3A_788 : memref<1x8192xf32, #tpu.memory_space<vmem>> -> memref<8192xf32, #tpu.memory_space<vmem>>
        %dma_start3A_790 = tpu.memref_slice %arg2[%multiple_of3A_785] : memref<8388608xf32, #tpu.memory_space<hbm>> -> memref<8192xf32, #tpu.memory_space<hbm>>
        %dma_start3A_791 = arith.constant 0 : i32
        %dma_start3A_792 = tpu.memref_slice %arg10[%dma_start3A_786, %dma_start3A_791] : memref<4x8192xf32, #tpu.memory_space<vmem>> -> memref<1x8192xf32, #tpu.memory_space<vmem>>
        %dma_start3A_793 = tpu.memref_squeeze %dma_start3A_792 : memref<1x8192xf32, #tpu.memory_space<vmem>> -> memref<8192xf32, #tpu.memory_space<vmem>>
        %dma_start3A_794 = tpu.memref_slice %arg2[%multiple_of3A_785] : memref<8388608xf32, #tpu.memory_space<hbm>> -> memref<8192xf32, #tpu.memory_space<hbm>>
        tpu.enqueue_dma source(%dma_start3A_794 : memref<8192xf32, #tpu.memory_space<hbm>>) target(%dma_start3A_793 : memref<8192xf32, #tpu.memory_space<vmem>>) target_semaphore(%arg20 : memref<!tpu.dma_semaphore, #tpu.memory_space<semaphore_mem>>)
        %dma_start3A_795 = arith.constant 2 : i32
        %dma_start3A_796 = arith.constant 0 : i32
        %dma_start3A_797 = tpu.memref_slice %arg11[%dma_start3A_795, %dma_start3A_796] : memref<4x8192xf32, #tpu.memory_space<vmem>> -> memref<1x8192xf32, #tpu.memory_space<vmem>>
        %dma_start3A_798 = tpu.memref_squeeze %dma_start3A_797 : memref<1x8192xf32, #tpu.memory_space<vmem>> -> memref<8192xf32, #tpu.memory_space<vmem>>
        %dma_start3A_799 = tpu.memref_slice %arg3[%multiple_of3A_785] : memref<8388608xf32, #tpu.memory_space<hbm>> -> memref<8192xf32, #tpu.memory_space<hbm>>
        %dma_start3A_800 = arith.constant 0 : i32
        %dma_start3A_801 = tpu.memref_slice %arg11[%dma_start3A_795, %dma_start3A_800] : memref<4x8192xf32, #tpu.memory_space<vmem>> -> memref<1x8192xf32, #tpu.memory_space<vmem>>
        %dma_start3A_802 = tpu.memref_squeeze %dma_start3A_801 : memref<1x8192xf32, #tpu.memory_space<vmem>> -> memref<8192xf32, #tpu.memory_space<vmem>>
        %dma_start3A_803 = tpu.memref_slice %arg3[%multiple_of3A_785] : memref<8388608xf32, #tpu.memory_space<hbm>> -> memref<8192xf32, #tpu.memory_space<hbm>>
        tpu.enqueue_dma source(%dma_start3A_803 : memref<8192xf32, #tpu.memory_space<hbm>>) target(%dma_start3A_802 : memref<8192xf32, #tpu.memory_space<vmem>>) target_semaphore(%arg20 : memref<!tpu.dma_semaphore, #tpu.memory_space<semaphore_mem>>)
        %dma_start3A_804 = arith.constant 2 : i32
        %dma_start3A_805 = arith.constant 0 : i32
        %dma_start3A_806 = tpu.memref_slice %arg12[%dma_start3A_804, %dma_start3A_805] : memref<4x8192xf32, #tpu.memory_space<vmem>> -> memref<1x8192xf32, #tpu.memory_space<vmem>>
        %dma_start3A_807 = tpu.memref_squeeze %dma_start3A_806 : memref<1x8192xf32, #tpu.memory_space<vmem>> -> memref<8192xf32, #tpu.memory_space<vmem>>
        %dma_start3A_808 = tpu.memref_slice %arg4[%multiple_of3A_785] : memref<8388608xf32, #tpu.memory_space<hbm>> -> memref<8192xf32, #tpu.memory_space<hbm>>
        %dma_start3A_809 = arith.constant 0 : i32
        %dma_start3A_810 = tpu.memref_slice %arg12[%dma_start3A_804, %dma_start3A_809] : memref<4x8192xf32, #tpu.memory_space<vmem>> -> memref<1x8192xf32, #tpu.memory_space<vmem>>
        %dma_start3A_811 = tpu.memref_squeeze %dma_start3A_810 : memref<1x8192xf32, #tpu.memory_space<vmem>> -> memref<8192xf32, #tpu.memory_space<vmem>>
        %dma_start3A_812 = tpu.memref_slice %arg4[%multiple_of3A_785] : memref<8388608xf32, #tpu.memory_space<hbm>> -> memref<8192xf32, #tpu.memory_space<hbm>>
        tpu.enqueue_dma source(%dma_start3A_812 : memref<8192xf32, #tpu.memory_space<hbm>>) target(%dma_start3A_811 : memref<8192xf32, #tpu.memory_space<vmem>>) target_semaphore(%arg20 : memref<!tpu.dma_semaphore, #tpu.memory_space<semaphore_mem>>)
      } else {
      }
      %mul3A_732 = arith.constant 4 : i32
      %mul3A_733 = arith.muli %scan3A_593, %mul3A_732 : i32
      %add3A_734 = arith.constant 3 : i32
      %add3A_735 = arith.addi %mul3A_733, %add3A_734 : i32
      %dma_wait3A_736 = arith.constant 3 : i32
      %dma_wait3A_737 = arith.constant 0 : i32
      %dma_wait3A_738 = tpu.memref_slice %arg10[%dma_wait3A_736, %dma_wait3A_737] : memref<4x8192xf32, #tpu.memory_space<vmem>> -> memref<1x8192xf32, #tpu.memory_space<vmem>>
      %dma_wait3A_739 = tpu.memref_squeeze %dma_wait3A_738 : memref<1x8192xf32, #tpu.memory_space<vmem>> -> memref<8192xf32, #tpu.memory_space<vmem>>
      %dma_wait3A_740 = arith.constant 0 : i32
      %dma_wait3A_741 = tpu.memref_slice %arg2[%dma_wait3A_740] : memref<8388608xf32, #tpu.memory_space<hbm>> -> memref<8192xf32, #tpu.memory_space<hbm>>
      %dma_wait3A_742 = arith.constant 0 : i32
      %dma_wait3A_743 = tpu.memref_slice %arg10[%dma_wait3A_736, %dma_wait3A_742] : memref<4x8192xf32, #tpu.memory_space<vmem>> -> memref<1x8192xf32, #tpu.memory_space<vmem>>
      %dma_wait3A_744 = tpu.memref_squeeze %dma_wait3A_743 : memref<1x8192xf32, #tpu.memory_space<vmem>> -> memref<8192xf32, #tpu.memory_space<vmem>>
      %dma_wait3A_745 = arith.constant 0 : i32
      %dma_wait3A_746 = tpu.memref_slice %arg2[%dma_wait3A_745] : memref<8388608xf32, #tpu.memory_space<hbm>> -> memref<8192xf32, #tpu.memory_space<hbm>>
      tpu.wait_dma2 semaphore(%arg21 : memref<!tpu.dma_semaphore, #tpu.memory_space<semaphore_mem>>) src(%dma_wait3A_746 : memref<8192xf32, #tpu.memory_space<hbm>>) dst(%dma_wait3A_744 : memref<8192xf32, #tpu.memory_space<vmem>>)
      %dma_wait3A_747 = arith.constant 3 : i32
      %dma_wait3A_748 = arith.constant 0 : i32
      %dma_wait3A_749 = tpu.memref_slice %arg11[%dma_wait3A_747, %dma_wait3A_748] : memref<4x8192xf32, #tpu.memory_space<vmem>> -> memref<1x8192xf32, #tpu.memory_space<vmem>>
      %dma_wait3A_750 = tpu.memref_squeeze %dma_wait3A_749 : memref<1x8192xf32, #tpu.memory_space<vmem>> -> memref<8192xf32, #tpu.memory_space<vmem>>
      %dma_wait3A_751 = arith.constant 0 : i32
      %dma_wait3A_752 = tpu.memref_slice %arg3[%dma_wait3A_751] : memref<8388608xf32, #tpu.memory_space<hbm>> -> memref<8192xf32, #tpu.memory_space<hbm>>
      %dma_wait3A_753 = arith.constant 0 : i32
      %dma_wait3A_754 = tpu.memref_slice %arg11[%dma_wait3A_747, %dma_wait3A_753] : memref<4x8192xf32, #tpu.memory_space<vmem>> -> memref<1x8192xf32, #tpu.memory_space<vmem>>
      %dma_wait3A_755 = tpu.memref_squeeze %dma_wait3A_754 : memref<1x8192xf32, #tpu.memory_space<vmem>> -> memref<8192xf32, #tpu.memory_space<vmem>>
      %dma_wait3A_756 = arith.constant 0 : i32
      %dma_wait3A_757 = tpu.memref_slice %arg3[%dma_wait3A_756] : memref<8388608xf32, #tpu.memory_space<hbm>> -> memref<8192xf32, #tpu.memory_space<hbm>>
      tpu.wait_dma2 semaphore(%arg21 : memref<!tpu.dma_semaphore, #tpu.memory_space<semaphore_mem>>) src(%dma_wait3A_757 : memref<8192xf32, #tpu.memory_space<hbm>>) dst(%dma_wait3A_755 : memref<8192xf32, #tpu.memory_space<vmem>>)
      %dma_wait3A_758 = arith.constant 3 : i32
      %dma_wait3A_759 = arith.constant 0 : i32
      %dma_wait3A_760 = tpu.memref_slice %arg12[%dma_wait3A_758, %dma_wait3A_759] : memref<4x8192xf32, #tpu.memory_space<vmem>> -> memref<1x8192xf32, #tpu.memory_space<vmem>>
      %dma_wait3A_761 = tpu.memref_squeeze %dma_wait3A_760 : memref<1x8192xf32, #tpu.memory_space<vmem>> -> memref<8192xf32, #tpu.memory_space<vmem>>
      %dma_wait3A_762 = arith.constant 0 : i32
      %dma_wait3A_763 = tpu.memref_slice %arg4[%dma_wait3A_762] : memref<8388608xf32, #tpu.memory_space<hbm>> -> memref<8192xf32, #tpu.memory_space<hbm>>
      %dma_wait3A_764 = arith.constant 0 : i32
      %dma_wait3A_765 = tpu.memref_slice %arg12[%dma_wait3A_758, %dma_wait3A_764] : memref<4x8192xf32, #tpu.memory_space<vmem>> -> memref<1x8192xf32, #tpu.memory_space<vmem>>
      %dma_wait3A_766 = tpu.memref_squeeze %dma_wait3A_765 : memref<1x8192xf32, #tpu.memory_space<vmem>> -> memref<8192xf32, #tpu.memory_space<vmem>>
      %dma_wait3A_767 = arith.constant 0 : i32
      %dma_wait3A_768 = tpu.memref_slice %arg4[%dma_wait3A_767] : memref<8388608xf32, #tpu.memory_space<hbm>> -> memref<8192xf32, #tpu.memory_space<hbm>>
      tpu.wait_dma2 semaphore(%arg21 : memref<!tpu.dma_semaphore, #tpu.memory_space<semaphore_mem>>) src(%dma_wait3A_768 : memref<8192xf32, #tpu.memory_space<hbm>>) dst(%dma_wait3A_766 : memref<8192xf32, #tpu.memory_space<vmem>>)
      %parallel_loop3A_769 = arith.constant 0 : i32
      %parallel_loop3A_770 = arith.constant 512 : i32
      %parallel_loop3A_771 = arith.constant 1 : i32
      scf.for %parallel_loop3A_780 = %parallel_loop3A_769 to %parallel_loop3A_770 step %parallel_loop3A_771  : i32 {
        %parallel_loop3A_781 = arith.constant 16 : i32
        %parallel_loop3A_782 = arith.muli %parallel_loop3A_780, %parallel_loop3A_781 : i32
        %parallel_loop3A_783 = arith.constant 3 : i32
        %parallel_loop3A_784 = arith.index_cast %parallel_loop3A_783 : i32 to index
        %parallel_loop3A_785 = arith.index_cast %parallel_loop3A_782 : i32 to index
        %parallel_loop3A_786 = tpu.vector_load %arg10[%parallel_loop3A_784, %parallel_loop3A_785] {strides = array<i32>} : memref<4x8192xf32, #tpu.memory_space<vmem>>, vector<16xf32>,
        %parallel_loop3A_787 = arith.constant 3 : i32
        %parallel_loop3A_788 = arith.index_cast %parallel_loop3A_787 : i32 to index
        %parallel_loop3A_789 = arith.index_cast %parallel_loop3A_782 : i32 to index
        %parallel_loop3A_790 = tpu.vector_load %arg11[%parallel_loop3A_788, %parallel_loop3A_789] {strides = array<i32>} : memref<4x8192xf32, #tpu.memory_space<vmem>>, vector<16xf32>,
        %parallel_loop3A_791 = arith.constant 3 : i32
        %parallel_loop3A_792 = arith.index_cast %parallel_loop3A_791 : i32 to index
        %parallel_loop3A_793 = arith.index_cast %parallel_loop3A_782 : i32 to index
        %parallel_loop3A_794 = tpu.vector_load %arg12[%parallel_loop3A_792, %parallel_loop3A_793] {strides = array<i32>} : memref<4x8192xf32, #tpu.memory_space<vmem>>, vector<16xf32>,
        %parallel_loop3A_795 = arith.subf %parallel_loop3A_786, %broadcast_in_dim3A : vector<16xf32>
        %parallel_loop3A_796 = arith.mulf %parallel_loop3A_795, %div3A : vector<16xf32>
        %parallel_loop3A_797 = arith.fptosi %parallel_loop3A_796 : vector<16xf32> to vector<16xi32>
        %parallel_loop3A_798 = arith.constant 0 : i32
        %parallel_loop3A_799 = arith.constant 127 : i32
        %parallel_loop3A_800 = vector.broadcast %parallel_loop3A_798 : i32 to vector<16xi32>
        %parallel_loop3A_801 = arith.maxsi %parallel_loop3A_800, %parallel_loop3A_797 : vector<16xi32>
        %parallel_loop3A_802 = vector.broadcast %parallel_loop3A_799 : i32 to vector<16xi32>
        %parallel_loop3A_803 = arith.minsi %parallel_loop3A_802, %parallel_loop3A_801 : vector<16xi32>
        %parallel_loop3A_804 = arith.subf %parallel_loop3A_790, %broadcast_in_dim3A : vector<16xf32>
        %parallel_loop3A_805 = arith.mulf %parallel_loop3A_804, %div3A : vector<16xf32>
        %parallel_loop3A_806 = arith.fptosi %parallel_loop3A_805 : vector<16xf32> to vector<16xi32>
        %parallel_loop3A_807 = arith.constant 0 : i32
        %parallel_loop3A_808 = arith.constant 127 : i32
        %parallel_loop3A_809 = vector.broadcast %parallel_loop3A_807 : i32 to vector<16xi32>
        %parallel_loop3A_810 = arith.maxsi %parallel_loop3A_809, %parallel_loop3A_806 : vector<16xi32>
        %parallel_loop3A_811 = vector.broadcast %parallel_loop3A_808 : i32 to vector<16xi32>
        %parallel_loop3A_812 = arith.minsi %parallel_loop3A_811, %parallel_loop3A_810 : vector<16xi32>
        %parallel_loop3A_813 = arith.sitofp %parallel_loop3A_803 : vector<16xi32> to vector<16xf32>
        %parallel_loop3A_814 = arith.mulf %parallel_loop3A_813, %div3A_457 : vector<16xf32>
        %parallel_loop3A_815 = arith.addf %broadcast_in_dim3A, %parallel_loop3A_814 : vector<16xf32>
        %parallel_loop3A_816 = arith.sitofp %parallel_loop3A_812 : vector<16xi32> to vector<16xf32>
        %parallel_loop3A_817 = arith.mulf %parallel_loop3A_816, %div3A_457 : vector<16xf32>
        %parallel_loop3A_818 = arith.addf %broadcast_in_dim3A, %parallel_loop3A_817 : vector<16xf32>
        %parallel_loop3A_819 = arith.constant 16 : i32
        %parallel_loop3A_820 = vector.broadcast %parallel_loop3A_819 : i32 to vector<16xi32>
        %parallel_loop3A_821 = arith.muli %parallel_loop3A_803, %parallel_loop3A_820 : vector<16xi32>
        %parallel_loop3A_822 = arith.addi %parallel_loop3A_821, %iota3A : vector<16xi32>
        %parallel_loop3A_823 = arith.constant 16 : i32
        %parallel_loop3A_824 = vector.broadcast %parallel_loop3A_823 : i32 to vector<16xi32>
        %parallel_loop3A_825 = arith.muli %parallel_loop3A_812, %parallel_loop3A_824 : vector<16xi32>
        %parallel_loop3A_826 = arith.addi %parallel_loop3A_825, %iota3A : vector<16xi32>
        tpu.vector_store_idx %arg14[%parallel_loop3A_822], %parallel_loop3A_794 {add = true} : memref<2048xf32, #tpu.memory_space<vmem>>[vector<16xi32>], vector<16xf32>,
        %parallel_loop3A_827 = arith.subf %parallel_loop3A_786, %parallel_loop3A_815 : vector<16xf32>
        %parallel_loop3A_828 = arith.mulf %parallel_loop3A_794, %parallel_loop3A_827 : vector<16xf32>
        tpu.vector_store_idx %arg15[%parallel_loop3A_822], %parallel_loop3A_828 {add = true} : memref<2048xf32, #tpu.memory_space<vmem>>[vector<16xi32>], vector<16xf32>,
        tpu.vector_store_idx %arg16[%parallel_loop3A_826], %broadcast_in_dim3A_459 {add = true} : memref<2048xf32, #tpu.memory_space<vmem>>[vector<16xi32>], vector<16xf32>,
        %parallel_loop3A_829 = arith.subf %parallel_loop3A_790, %parallel_loop3A_818 : vector<16xf32>
        tpu.vector_store_idx %arg17[%parallel_loop3A_826], %parallel_loop3A_829 {add = true} : memref<2048xf32, #tpu.memory_space<vmem>>[vector<16xi32>], vector<16xf32>,
      } {sc.loop_unroll_factor = 4 : i64, sc.parallel_access}
      %add3A_772 = arith.constant 4 : i32
      %add3A_773 = arith.addi %add3A_735, %add3A_772 : i32
      %lt3A_774 = arith.constant 32 : i32
      %lt3A_775 = arith.cmpi slt, %add3A_773, %lt3A_774 : i32
      %convert_element_type3A_776 = arith.extui %lt3A_775 : i1 to i32
      %cond3A_777 = arith.constant 0 : i32
      %cond3A_778 = arith.cmpi ne, %convert_element_type3A_776, %cond3A_777 : i32
      scf.if %cond3A_778 {
        %add3A_780 = arith.constant 4 : i32
        %add3A_781 = arith.addi %add3A_735, %add3A_780 : i32
        %mul3A_782 = arith.constant 8192 : i32
        %mul3A_783 = arith.muli %add3A_781, %mul3A_782 : i32
        %add3A_784 = arith.addi %mul3A_2, %mul3A_783 : i32
        %multiple_of3A_785 = tpu.assume_multiple %add3A_784, 8192 : i32
        %dma_start3A_786 = arith.constant 3 : i32
        %dma_start3A_787 = arith.constant 0 : i32
        %dma_start3A_788 = tpu.memref_slice %arg10[%dma_start3A_786, %dma_start3A_787] : memref<4x8192xf32, #tpu.memory_space<vmem>> -> memref<1x8192xf32, #tpu.memory_space<vmem>>
        %dma_start3A_789 = tpu.memref_squeeze %dma_start3A_788 : memref<1x8192xf32, #tpu.memory_space<vmem>> -> memref<8192xf32, #tpu.memory_space<vmem>>
        %dma_start3A_790 = tpu.memref_slice %arg2[%multiple_of3A_785] : memref<8388608xf32, #tpu.memory_space<hbm>> -> memref<8192xf32, #tpu.memory_space<hbm>>
        %dma_start3A_791 = arith.constant 0 : i32
        %dma_start3A_792 = tpu.memref_slice %arg10[%dma_start3A_786, %dma_start3A_791] : memref<4x8192xf32, #tpu.memory_space<vmem>> -> memref<1x8192xf32, #tpu.memory_space<vmem>>
        %dma_start3A_793 = tpu.memref_squeeze %dma_start3A_792 : memref<1x8192xf32, #tpu.memory_space<vmem>> -> memref<8192xf32, #tpu.memory_space<vmem>>
        %dma_start3A_794 = tpu.memref_slice %arg2[%multiple_of3A_785] : memref<8388608xf32, #tpu.memory_space<hbm>> -> memref<8192xf32, #tpu.memory_space<hbm>>
        tpu.enqueue_dma source(%dma_start3A_794 : memref<8192xf32, #tpu.memory_space<hbm>>) target(%dma_start3A_793 : memref<8192xf32, #tpu.memory_space<vmem>>) target_semaphore(%arg21 : memref<!tpu.dma_semaphore, #tpu.memory_space<semaphore_mem>>)
        %dma_start3A_795 = arith.constant 3 : i32
        %dma_start3A_796 = arith.constant 0 : i32
        %dma_start3A_797 = tpu.memref_slice %arg11[%dma_start3A_795, %dma_start3A_796] : memref<4x8192xf32, #tpu.memory_space<vmem>> -> memref<1x8192xf32, #tpu.memory_space<vmem>>
        %dma_start3A_798 = tpu.memref_squeeze %dma_start3A_797 : memref<1x8192xf32, #tpu.memory_space<vmem>> -> memref<8192xf32, #tpu.memory_space<vmem>>
        %dma_start3A_799 = tpu.memref_slice %arg3[%multiple_of3A_785] : memref<8388608xf32, #tpu.memory_space<hbm>> -> memref<8192xf32, #tpu.memory_space<hbm>>
        %dma_start3A_800 = arith.constant 0 : i32
        %dma_start3A_801 = tpu.memref_slice %arg11[%dma_start3A_795, %dma_start3A_800] : memref<4x8192xf32, #tpu.memory_space<vmem>> -> memref<1x8192xf32, #tpu.memory_space<vmem>>
        %dma_start3A_802 = tpu.memref_squeeze %dma_start3A_801 : memref<1x8192xf32, #tpu.memory_space<vmem>> -> memref<8192xf32, #tpu.memory_space<vmem>>
        %dma_start3A_803 = tpu.memref_slice %arg3[%multiple_of3A_785] : memref<8388608xf32, #tpu.memory_space<hbm>> -> memref<8192xf32, #tpu.memory_space<hbm>>
        tpu.enqueue_dma source(%dma_start3A_803 : memref<8192xf32, #tpu.memory_space<hbm>>) target(%dma_start3A_802 : memref<8192xf32, #tpu.memory_space<vmem>>) target_semaphore(%arg21 : memref<!tpu.dma_semaphore, #tpu.memory_space<semaphore_mem>>)
        %dma_start3A_804 = arith.constant 3 : i32
        %dma_start3A_805 = arith.constant 0 : i32
        %dma_start3A_806 = tpu.memref_slice %arg12[%dma_start3A_804, %dma_start3A_805] : memref<4x8192xf32, #tpu.memory_space<vmem>> -> memref<1x8192xf32, #tpu.memory_space<vmem>>
        %dma_start3A_807 = tpu.memref_squeeze %dma_start3A_806 : memref<1x8192xf32, #tpu.memory_space<vmem>> -> memref<8192xf32, #tpu.memory_space<vmem>>
        %dma_start3A_808 = tpu.memref_slice %arg4[%multiple_of3A_785] : memref<8388608xf32, #tpu.memory_space<hbm>> -> memref<8192xf32, #tpu.memory_space<hbm>>
        %dma_start3A_809 = arith.constant 0 : i32
        %dma_start3A_810 = tpu.memref_slice %arg12[%dma_start3A_804, %dma_start3A_809] : memref<4x8192xf32, #tpu.memory_space<vmem>> -> memref<1x8192xf32, #tpu.memory_space<vmem>>
        %dma_start3A_811 = tpu.memref_squeeze %dma_start3A_810 : memref<1x8192xf32, #tpu.memory_space<vmem>> -> memref<8192xf32, #tpu.memory_space<vmem>>
        %dma_start3A_812 = tpu.memref_slice %arg4[%multiple_of3A_785] : memref<8388608xf32, #tpu.memory_space<hbm>> -> memref<8192xf32, #tpu.memory_space<hbm>>
        tpu.enqueue_dma source(%dma_start3A_812 : memref<8192xf32, #tpu.memory_space<hbm>>) target(%dma_start3A_811 : memref<8192xf32, #tpu.memory_space<vmem>>) target_semaphore(%arg21 : memref<!tpu.dma_semaphore, #tpu.memory_space<semaphore_mem>>)
      } else {
      }
      %scan3A_779 = arith.constant 0 : i32
      scf.yield %scan3A_779 : i32
    }
    %scan3A_592 = arith.constant 8 : i32
    "tpu.region"() ({
      %run_scoped3A = tpu.sem_alloc : memref<!tpu.dma_semaphore, #tpu.memory_space<semaphore_mem>>
      %dma_start3A_593 = arith.constant 0 : i32
      %dma_start3A_594 = tpu.memref_slice %arg6[%add3A, %dma_start3A_593] : memref<32x2048xf32, #tpu.memory_space<hbm>> -> memref<1x2048xf32, #tpu.memory_space<hbm>>
      %dma_start3A_595 = tpu.memref_squeeze %dma_start3A_594 : memref<1x2048xf32, #tpu.memory_space<hbm>> -> memref<2048xf32, #tpu.memory_space<hbm>>
      %dma_start3A_596 = arith.constant 0 : i32
      %dma_start3A_597 = tpu.memref_slice %arg6[%add3A, %dma_start3A_596] : memref<32x2048xf32, #tpu.memory_space<hbm>> -> memref<1x2048xf32, #tpu.memory_space<hbm>>
      %dma_start3A_598 = tpu.memref_squeeze %dma_start3A_597 : memref<1x2048xf32, #tpu.memory_space<hbm>> -> memref<2048xf32, #tpu.memory_space<hbm>>
      tpu.enqueue_dma source(%arg14 : memref<2048xf32, #tpu.memory_space<vmem>>) target(%dma_start3A_598 : memref<2048xf32, #tpu.memory_space<hbm>>) target_semaphore(%run_scoped3A : memref<!tpu.dma_semaphore, #tpu.memory_space<semaphore_mem>>)
      %dma_wait3A = arith.constant 0 : i32
      %dma_wait3A_599 = tpu.memref_slice %arg6[%add3A, %dma_wait3A] : memref<32x2048xf32, #tpu.memory_space<hbm>> -> memref<1x2048xf32, #tpu.memory_space<hbm>>
      %dma_wait3A_600 = tpu.memref_squeeze %dma_wait3A_599 : memref<1x2048xf32, #tpu.memory_space<hbm>> -> memref<2048xf32, #tpu.memory_space<hbm>>
      %dma_wait3A_601 = arith.constant 0 : i32
      %dma_wait3A_602 = tpu.memref_slice %arg6[%add3A, %dma_wait3A_601] : memref<32x2048xf32, #tpu.memory_space<hbm>> -> memref<1x2048xf32, #tpu.memory_space<hbm>>
      %dma_wait3A_603 = tpu.memref_squeeze %dma_wait3A_602 : memref<1x2048xf32, #tpu.memory_space<hbm>> -> memref<2048xf32, #tpu.memory_space<hbm>>
      tpu.wait_dma2 semaphore(%run_scoped3A : memref<!tpu.dma_semaphore, #tpu.memory_space<semaphore_mem>>) src(%arg14 : memref<2048xf32, #tpu.memory_space<vmem>>) dst(%dma_wait3A_603 : memref<2048xf32, #tpu.memory_space<hbm>>)
      tpu.yield
    }) : () -> ()
    "tpu.region"() ({
      %run_scoped3A = tpu.sem_alloc : memref<!tpu.dma_semaphore, #tpu.memory_space<semaphore_mem>>
      %dma_start3A_593 = arith.constant 0 : i32
      %dma_start3A_594 = tpu.memref_slice %arg7[%add3A, %dma_start3A_593] : memref<32x2048xf32, #tpu.memory_space<hbm>> -> memref<1x2048xf32, #tpu.memory_space<hbm>>
      %dma_start3A_595 = tpu.memref_squeeze %dma_start3A_594 : memref<1x2048xf32, #tpu.memory_space<hbm>> -> memref<2048xf32, #tpu.memory_space<hbm>>
      %dma_start3A_596 = arith.constant 0 : i32
      %dma_start3A_597 = tpu.memref_slice %arg7[%add3A, %dma_start3A_596] : memref<32x2048xf32, #tpu.memory_space<hbm>> -> memref<1x2048xf32, #tpu.memory_space<hbm>>
      %dma_start3A_598 = tpu.memref_squeeze %dma_start3A_597 : memref<1x2048xf32, #tpu.memory_space<hbm>> -> memref<2048xf32, #tpu.memory_space<hbm>>
      tpu.enqueue_dma source(%arg15 : memref<2048xf32, #tpu.memory_space<vmem>>) target(%dma_start3A_598 : memref<2048xf32, #tpu.memory_space<hbm>>) target_semaphore(%run_scoped3A : memref<!tpu.dma_semaphore, #tpu.memory_space<semaphore_mem>>)
      %dma_wait3A = arith.constant 0 : i32
      %dma_wait3A_599 = tpu.memref_slice %arg7[%add3A, %dma_wait3A] : memref<32x2048xf32, #tpu.memory_space<hbm>> -> memref<1x2048xf32, #tpu.memory_space<hbm>>
      %dma_wait3A_600 = tpu.memref_squeeze %dma_wait3A_599 : memref<1x2048xf32, #tpu.memory_space<hbm>> -> memref<2048xf32, #tpu.memory_space<hbm>>
      %dma_wait3A_601 = arith.constant 0 : i32
      %dma_wait3A_602 = tpu.memref_slice %arg7[%add3A, %dma_wait3A_601] : memref<32x2048xf32, #tpu.memory_space<hbm>> -> memref<1x2048xf32, #tpu.memory_space<hbm>>
      %dma_wait3A_603 = tpu.memref_squeeze %dma_wait3A_602 : memref<1x2048xf32, #tpu.memory_space<hbm>> -> memref<2048xf32, #tpu.memory_space<hbm>>
      tpu.wait_dma2 semaphore(%run_scoped3A : memref<!tpu.dma_semaphore, #tpu.memory_space<semaphore_mem>>) src(%arg15 : memref<2048xf32, #tpu.memory_space<vmem>>) dst(%dma_wait3A_603 : memref<2048xf32, #tpu.memory_space<hbm>>)
      tpu.yield
    }) : () -> ()
    "tpu.region"() ({
      %run_scoped3A = tpu.sem_alloc : memref<!tpu.dma_semaphore, #tpu.memory_space<semaphore_mem>>
      %dma_start3A_593 = arith.constant 0 : i32
      %dma_start3A_594 = tpu.memref_slice %arg8[%add3A, %dma_start3A_593] : memref<32x2048xf32, #tpu.memory_space<hbm>> -> memref<1x2048xf32, #tpu.memory_space<hbm>>
      %dma_start3A_595 = tpu.memref_squeeze %dma_start3A_594 : memref<1x2048xf32, #tpu.memory_space<hbm>> -> memref<2048xf32, #tpu.memory_space<hbm>>
      %dma_start3A_596 = arith.constant 0 : i32
      %dma_start3A_597 = tpu.memref_slice %arg8[%add3A, %dma_start3A_596] : memref<32x2048xf32, #tpu.memory_space<hbm>> -> memref<1x2048xf32, #tpu.memory_space<hbm>>
      %dma_start3A_598 = tpu.memref_squeeze %dma_start3A_597 : memref<1x2048xf32, #tpu.memory_space<hbm>> -> memref<2048xf32, #tpu.memory_space<hbm>>
      tpu.enqueue_dma source(%arg16 : memref<2048xf32, #tpu.memory_space<vmem>>) target(%dma_start3A_598 : memref<2048xf32, #tpu.memory_space<hbm>>) target_semaphore(%run_scoped3A : memref<!tpu.dma_semaphore, #tpu.memory_space<semaphore_mem>>)
      %dma_wait3A = arith.constant 0 : i32
      %dma_wait3A_599 = tpu.memref_slice %arg8[%add3A, %dma_wait3A] : memref<32x2048xf32, #tpu.memory_space<hbm>> -> memref<1x2048xf32, #tpu.memory_space<hbm>>
      %dma_wait3A_600 = tpu.memref_squeeze %dma_wait3A_599 : memref<1x2048xf32, #tpu.memory_space<hbm>> -> memref<2048xf32, #tpu.memory_space<hbm>>
      %dma_wait3A_601 = arith.constant 0 : i32
      %dma_wait3A_602 = tpu.memref_slice %arg8[%add3A, %dma_wait3A_601] : memref<32x2048xf32, #tpu.memory_space<hbm>> -> memref<1x2048xf32, #tpu.memory_space<hbm>>
      %dma_wait3A_603 = tpu.memref_squeeze %dma_wait3A_602 : memref<1x2048xf32, #tpu.memory_space<hbm>> -> memref<2048xf32, #tpu.memory_space<hbm>>
      tpu.wait_dma2 semaphore(%run_scoped3A : memref<!tpu.dma_semaphore, #tpu.memory_space<semaphore_mem>>) src(%arg16 : memref<2048xf32, #tpu.memory_space<vmem>>) dst(%dma_wait3A_603 : memref<2048xf32, #tpu.memory_space<hbm>>)
      tpu.yield
    }) : () -> ()
    "tpu.region"() ({
      %run_scoped3A = tpu.sem_alloc : memref<!tpu.dma_semaphore, #tpu.memory_space<semaphore_mem>>
      %dma_start3A_593 = arith.constant 0 : i32
      %dma_start3A_594 = tpu.memref_slice %arg9[%add3A, %dma_start3A_593] : memref<32x2048xf32, #tpu.memory_space<hbm>> -> memref<1x2048xf32, #tpu.memory_space<hbm>>
      %dma_start3A_595 = tpu.memref_squeeze %dma_start3A_594 : memref<1x2048xf32, #tpu.memory_space<hbm>> -> memref<2048xf32, #tpu.memory_space<hbm>>
      %dma_start3A_596 = arith.constant 0 : i32
      %dma_start3A_597 = tpu.memref_slice %arg9[%add3A, %dma_start3A_596] : memref<32x2048xf32, #tpu.memory_space<hbm>> -> memref<1x2048xf32, #tpu.memory_space<hbm>>
      %dma_start3A_598 = tpu.memref_squeeze %dma_start3A_597 : memref<1x2048xf32, #tpu.memory_space<hbm>> -> memref<2048xf32, #tpu.memory_space<hbm>>
      tpu.enqueue_dma source(%arg17 : memref<2048xf32, #tpu.memory_space<vmem>>) target(%dma_start3A_598 : memref<2048xf32, #tpu.memory_space<hbm>>) target_semaphore(%run_scoped3A : memref<!tpu.dma_semaphore, #tpu.memory_space<semaphore_mem>>)
      %dma_wait3A = arith.constant 0 : i32
      %dma_wait3A_599 = tpu.memref_slice %arg9[%add3A, %dma_wait3A] : memref<32x2048xf32, #tpu.memory_space<hbm>> -> memref<1x2048xf32, #tpu.memory_space<hbm>>
      %dma_wait3A_600 = tpu.memref_squeeze %dma_wait3A_599 : memref<1x2048xf32, #tpu.memory_space<hbm>> -> memref<2048xf32, #tpu.memory_space<hbm>>
      %dma_wait3A_601 = arith.constant 0 : i32
      %dma_wait3A_602 = tpu.memref_slice %arg9[%add3A, %dma_wait3A_601] : memref<32x2048xf32, #tpu.memory_space<hbm>> -> memref<1x2048xf32, #tpu.memory_space<hbm>>
      %dma_wait3A_603 = tpu.memref_squeeze %dma_wait3A_602 : memref<1x2048xf32, #tpu.memory_space<hbm>> -> memref<2048xf32, #tpu.memory_space<hbm>>
      tpu.wait_dma2 semaphore(%run_scoped3A : memref<!tpu.dma_semaphore, #tpu.memory_space<semaphore_mem>>) src(%arg17 : memref<2048xf32, #tpu.memory_space<vmem>>) dst(%dma_wait3A_603 : memref<2048xf32, #tpu.memory_space<hbm>>)
      tpu.yield
    }) : () -> ()
    return
  }
}

</mosaic_0001>

<sc_bundles>
// kernel: kernel.4.cloned.1.call-start
scs
__scs_entry_jumppad:
0x0: {  	(pc) =	sbr.rel $0x88, $3  }
0x1: {  	(tag) =	ssettag $0x0;
	lr =	simm.s32 $0x1  }
0x2: {  	[smem:$0x3F9E] =	sst lr;
	_ =	strace $0xD0000000  }
0x3: {  	_ = 	snop  }
0x4: {  	_ = 	snop  }
0x5: {  	_ = 	snop  }
0x6: {  	_ = 	snop  }
0x7: {  	_ = 	snop  }
__scs_overlays_trampoline_lowered:
0x8: {  	[smem:$0x3FAD] =	sst s0  }
0x9: {  	[smem:$0x3FAE] =	sst s1  }
0xa: {  	[smem:$0x3FAF] =	sst s2  }
0xb: {  	[smem:$0x3FB0] =	sst s3  }
0xc: {  	[smem:$0x3FB1] =	sst s4  }
0xd: {  	[smem:$0x3FB2] =	sst s5  }
0xe: {  	[smem:$0x3FB3] =	sst s6  }
0xf: {  	[smem:$0x3FB4] =	sst s7  }
0x10: {  	[smem:$0x3FB5] =	sst s8  }
0x11: {  	[smem:$0x3FB6] =	sst s9;
	s0 =	simm.s32 @!p0 $0x0  }
0x12: {  	s1 =	sld [smem:$0x3F9C];
	s0 =	simm.s32 @p0 $0x1  }
0x13: {  	[smem:$0x3FB7] =	sst s0;
	s0 =	simm.s32 @!p1 $0x0  }
0x14: {  	s2 =	sld [smem:$0x3F9B];
	s0 =	simm.s32 @p1 $0x1  }
0x15: {  	[smem:$0x3FB8] =	sst s0;
	s0 =	simm.s32 @!p2 $0x0  }
0x16: {  	s3 =	sld [smem:$0x3FDB];
	s0 =	simm.s32 @p2 $0x1  }
0x17: {  	s4 =	simm.s32 $0x1BF5;
	[smem:$0x3FBA] =	sst s0  }
0x18: {  	s0 =	sld [smem:$0x3F9D];
	_ =	swait.ge [sflag:s4], $0x0  }
0x19: {  	s7 =	sld [smem:$0x3F9E]  }
0x1a: {  	s8 =	sadd.s32 $0xFFFFE003, lr  }
0x1b: {  	s9 =	sadd.s32 $0xFFFFFEF7, lr;
	s5 =	simm.s32 $0xFFFFFFFF;
	p2 =	slt.u32 s8, $0xFFFFF086  }
0x1c: {  	p1 =	slt.u32 s9, $0xF7A;
	s5 =	simm.s32 @!p2 $0x0  }
0x1d: {  	s5 =	simm.s32 @p1 $0x1;
	p0 =	seq.s32 s7, s2  }
0x1e: {  	s7 =	smul.u32 @!p0 $0xF7A, s2;
	p2 =	seq.s32 @!p0 s5, $0x0  }
0x1f: {  	s9 =	smul.u32 $0xF7A, s1;
	s8 =	simm.s32 @!p0 $0x1BF5;
	p2 =	por !p2, p0  }
0x20: {  	[sflag:s8] =	ssyncset.s32 @!p0 $0xFFFFF086;
	s6 =	sadd.s32 @!p0 s3, s7;
	s7 =	simm.s32 @!p0 $0x108  }
0x21: {  	s3 =	sadd.s32 s3, s9;
	s6 =	sadd.s32 @!p0 $0x88, s6;
	s7 =	simm.s32 @p2 $0x1082  }
0x22: {  	[simem:s7], [sflag:s8] =	dma.local @!p0 [hbm:s6], $0xF7A  }
0x23: {  	s9 =	sor.u32 $0xD0000000, s2;
	s6 =	simm.s32 $0x108;
	_ =	swait.ge @!p0 [sflag:s8], $0x0  }
0x24: {  	s3 =	sadd.s32 $0x88, s3;
	s6 =	simm.s32 @!p1 $0x1082;
	[sflag:s4] =	ssyncset.s32 $0xFFFFF086  }
0x25: {  	[simem:s6], [sflag:s4] =	dma.local [hbm:s3], $0xF7A  }
0x26: {  	[smem:$0x3F9E] =	sst s1;
	(tag) =	ssettag s2;
	_ =	strace s9  }
0x27: {  	s1 =	sld [smem:$0x3FAE]  }
0x28: {  	s2 =	sld [smem:$0x3FAF]  }
0x29: {  	s4 =	sld [smem:$0x3FB1]  }
0x2a: {  	p0 =	seq.s32 s5, $0x0;
	s5 =	sld [smem:$0x3FB2]  }
0x2b: {  	s6 =	sld [smem:$0x3FB3]  }
0x2c: {  	s7 =	sld [smem:$0x3FB4]  }
0x2d: {  	s3 =	simm.s32 $0x108;
	s8 =	sld [smem:$0x3FB5]  }
0x2e: {  	s3 =	simm.s32 @!p0 $0x1082;
	s9 =	sld [smem:$0x3FB6]  }
0x2f: {  	lr =	sadd.s32 s0, s3;
	s0 =	sld [smem:$0x3FAD]  }
0x30: {  	s3 =	sld [smem:$0x3FB0]  }
0x31: {  	[smem:$0x3FB9] =	sst s10  }
0x32: {  	s10 =	sld [smem:$0x3FB7];
	_ =	sdelay $0x3  }
0x33: {  	p0 =	seq.s32 s10, $0x1;
	s10 =	sld [smem:$0x3FB9];
	_ =	sdelay $0x3  }
0x34: {  	[smem:$0x3FB9] =	sst s10  }
0x35: {  	s10 =	sld [smem:$0x3FB8];
	_ =	sdelay $0x3  }
0x36: {  	p1 =	seq.s32 s10, $0x1;
	s10 =	sld [smem:$0x3FB9];
	_ =	sdelay $0x3  }
0x37: {  	[smem:$0x3FB9] =	sst s10  }
0x38: {  	s10 =	sld [smem:$0x3FBA]  }
0x39: {  	_ = 	snop;
	(pc) =	sbr.ind lr, $3  }
0x3a: {  	_ = 	snop  }
0x3b: {  	_ = 	snop  }
0x3c: {  	p2 =	seq.s32 s10, $0x1;
	s10 =	sld [smem:$0x3FB9]  }
0x3d: {  	_ =	shalt  }
0x3e: {  	_ =	shalt  }
0x3f: {  	_ =	shalt  }
0x40: {  	_ =	shalt  }
0x41: {  	_ =	shalt  }
0x42: {  	_ =	shalt  }
0x43: {  	_ =	shalt  }
0x44: {  	_ =	shalt  }
0x45: {  	_ =	shalt  }
0x46: {  	_ =	shalt  }
0x47: {  	_ =	shalt  }
0x48: {  	_ =	shalt  }
0x49: {  	_ =	shalt  }
0x4a: {  	_ =	shalt  }
0x4b: {  	_ =	shalt  }
0x4c: {  	_ =	shalt  }
0x4d: {  	_ =	shalt  }
0x4e: {  	_ =	shalt  }
0x4f: {  	_ =	shalt  }
0x50: {  	_ =	shalt  }
0x51: {  	_ =	shalt  }
0x52: {  	_ =	shalt  }
0x53: {  	_ =	shalt  }
0x54: {  	_ =	shalt  }
0x55: {  	_ =	shalt  }
0x56: {  	_ =	shalt  }
0x57: {  	_ =	shalt  }
0x58: {  	_ =	shalt  }
0x59: {  	_ =	shalt  }
0x5a: {  	_ =	shalt  }
0x5b: {  	_ =	shalt  }
0x5c: {  	_ =	shalt  }
0x5d: {  	_ =	shalt  }
0x5e: {  	_ =	shalt  }
0x5f: {  	_ =	shalt  }
0x60: {  	_ =	shalt  }
0x61: {  	_ =	shalt  }
0x62: {  	_ =	shalt  }
0x63: {  	_ =	shalt  }
0x64: {  	_ =	shalt  }
0x65: {  	_ =	shalt  }
0x66: {  	_ =	shalt  }
0x67: {  	_ =	shalt  }
0x68: {  	_ =	shalt  }
0x69: {  	_ =	shalt  }
0x6a: {  	_ =	shalt  }
0x6b: {  	_ =	shalt  }
0x6c: {  	_ =	shalt  }
0x6d: {  	_ =	shalt  }
0x6e: {  	_ =	shalt  }
0x6f: {  	_ =	shalt  }
0x70: {  	_ =	shalt  }
0x71: {  	_ =	shalt  }
0x72: {  	_ =	shalt  }
0x73: {  	_ =	shalt  }
0x74: {  	_ =	shalt  }
0x75: {  	_ =	shalt  }
0x76: {  	_ =	shalt  }
0x77: {  	_ =	shalt  }
0x78: {  	_ =	shalt  }
0x79: {  	_ =	shalt  }
0x7a: {  	_ =	shalt  }
0x7b: {  	_ =	shalt  }
0x7c: {  	_ =	shalt  }
0x7d: {  	_ =	shalt  }
0x7e: {  	_ =	shalt  }
0x7f: {  	_ =	shalt  }
0x80: {  	_ =	shalt  }
0x81: {  	_ =	shalt  }
0x82: {  	_ =	shalt  }
0x83: {  	_ =	shalt  }
0x84: {  	_ =	shalt  }
0x85: {  	_ =	shalt  }
0x86: {  	_ =	shalt  }
0x87: {  	_ =	shalt  }
.Lfunc_end0:
.L_simem_size_0:
called_computation_lowered:
.L_overlay_start_0:
0x88: {  	s2 =	sld [smem:$0x3FD9]  }
0x89: {  	s3 =	sld [smem:$0x3FFE];
	_ =	sdelay $0x1  }
0x8a: {  	s1 =	srdreg.scid  }
0x8b: {  	s0 =	sand.u32 $0x1, s1  }
0x8c: {  	s17 =	sshll.u32 s0, $0xA;
	s2 =	sadd.s32 s3, s2  }
0x8d: {  	s2 =	sadd.s32 s2, s17  }
0x8e: {  	[smem:$0x3FC5] =	sst s2  }
0x8f: {  	_ = 	snop  }
0x90: {  	s2 =	sld [smem:$0x3FC9]  }
0x91: {  	s18 =	sld [smem:$0x3FC8];
	(tm) =	ssettm $0x1  }
0x92: {  	s4 =	sld [smem:$0x3FFB];
	_ =	sdelay $0x3  }
0x93: {  	_ =	strace s4  }
0x94: {  	s4 =	sld [smem:$0x3FFC];
	_ =	sdelay $0x3  }
0x95: {  	_ =	strace s4  }
0x96: {  	s4 =	sld [smem:$0x3FFD];
	_ =	sdelay $0x3  }
0x97: {  	_ =	strace s4  }
0x98: {  	_ =	strace $0x8FFFFFFF  }
0x99: {  	s19 =	sld [smem:$0x3FDB];
	_ =	sdelay $0x1  }
0x9a: {  	s5 =	simm.s32 $_scs_section_size  }
0x9b: {  	s6 =	simm.s32 $_size__tile_overlayer_lowered;
	s7 =	simm.s32 $_tile_overlayer_lowered  }
0x9c: {  	s22 =	simm.s32 $0x1BFF;
	s21 =	sshll.u32 s7, $0x1;
	s4 =	sadd.s32 s5, s19  }
0x9d: {  	s8 =	simm.s32 $0x0;
	s20 =	sshll.u32 s6, $0x1;
	s6 =	sadd.s32 s21, s4  }
0x9e: {  	[timem:s8], [sflag:s22] =	dma.local [hbm:s6], s20  }
0x9f: {  	_ =	swait.ge [sflag:s22], s20  }
0xa0: {  	s5 =	ssub.s32 $0x0, s20;
	[sflag:s22] =	ssyncset.done $0x0  }
0xa1: {  	[sflag:s22] =	ssyncadd.s32 s5;
	_ =	sdelay $0x1  }
0xa2: {  	s23 =	simm.s32 $0x1B8B  }
0xa3: {  	_ =	swait.ge [sflag:s23], $0x1  }
0xa4: {  	[sflag:s23] =	ssyncset.done $0x0  }
0xa5: {  	s25 =	simm.s32 $0x1B8E;
	s24 =	sld [smem:$0x3FFE];
	[sflag:s23] =	ssyncadd.s32 $0xFFFFFFFF  }
0xa6: {  	s26 =	simm.s32 $execute0_lowered;
	[smem:$0x3FD2] =	sst s25  }
0xa7: {  	s6 =	sshll.u32 s26, $0x1;
	_ =	strace $0x80000046;
	[dreg:$0x1] =	wrdreg $0xFFFFFFFF  }
0xa8: {  	s28 =	simm.s32 $_size_execute0_lowered;
	s4 =	sadd.s32 s4, s6;
	[dreg:$0x0] =	wrdreg $0x0  }
0xa9: {  	s6 =	sshll.u32 s28, $0x1;
	[dreg:$0x2] =	wrdreg s4  }
0xaa: {  	[dreg:$0x3] =	wrdreg s6  }
0xab: {  	[dreg:$0x4] =	wrdreg $0xC0  }
0xac: {  	_ =	task [dreg:s8], $0x5FFFF  }
0xad: {  	[dreg:$0x1] =	wrdreg $0xFFFFFFFF  }
0xae: {  	[dreg:$0x0] =	wrdreg $0x60  }
0xaf: {  	[dreg:$0x2] =	wrdreg s2  }
0xb0: {  	[dreg:$0x3] =	wrdreg s18  }
0xb1: {  	[dreg:$0x4] =	wrdreg s24  }
0xb2: {  	[dreg:$0x5] =	wrdreg $0x9  }
0xb3: {  	_ =	task.clear_ibuf [dreg:s8], $0x6FFFF;
	_ =	strace $0x90000046  }
0xb4: {  	s29 =	simm.s32 $0x9;
	_ =	strace $0x80000048  }
0xb5: {  	_ =	swait.ge [sflag:s29], $0x1  }
0xb6: {  	[sflag:s29] =	ssyncadd.s32 $0xFFFFFFFF  }
0xb7: {  	_ =	strace $0x90000048  }
0xb8: {  	_ =	sfence  }
0xb9: {  	s30 =	sld [smem:$0x0];
	_ =	sdelay $0x2  }
0xba: {  	s31 =	sshll.u32 s1, $0xD;
	s1 =	sshrl.u32 s1, $0x2  }
0xbb: {  	s3 =	sand.u32 $0x4000, s31;
	s1 =	sadd.s32 s1, s30  }
0xbc: {  	s0 =	sor.u32 s3, s0;
	s1 =	sshll.u32 s1, $0x11  }
0xbd: {  	s0 =	sor.u32 s1, s0  }
0xbe: {  	s0 =	sadd.s32 $0x8F2B, s0  }
0xbf: {  	[sflag:s0] =	ssyncadd.remote.s32 $0x1  }
0xc0: {  	_ =	sfence.sel $0xFFFF  }
0xc1: {  	[dreg:$0x0] =	wrdreg $0xFFFFFFFF;
	(pc) =	sbr.abs _section_cstart, $3  }
0xc2: {  	[dreg:$0x1] =	wrdreg $0xFFFFFFFF  }
0xc3: {  	_ =	task.clear_ibuf [dreg:s8], $0x2FFFF;
	_ =	strace $0x9FFFFFFF  }
0xc4: {  	(tm) =	ssettm $0x7FFFFFFF  }
0xc5: {  	_ =	shalt  }
tec
execute0_lowered:
.L_overlay_start_1:
0x0: {  	(tag) =	ssettag $0x1  }
0x1: {  	s1 =	rddreg [dreg:$0x0]  }
0x2: {  	s2 =	rddreg [dreg:$0x1]  }
0x3: {  	s11 =	rddreg [dreg:$0x2]  }
0x4: {  	s0 =	rddreg [dreg:$0x3];
	s5 =	srdreg.scid;
	s4 =	simm.s32 $0x0  }
0x5: {  	s3 =	stileid.u32;
	s14 =	simm.s32 $0x2;
	s15 =	simm.s32 $0x8000  }
0x6: {  	s16 =	simm.s32 $0x3;
	s17 =	simm.s32 $0x0;
	s5 =	sand.u32 $0x1, s5  }
0x7: {  	[smem:$0x7FF] =	sst s4;
	s7 =	sshll.u32 s3, $0x1;
	s6 =	ssub.s32 $0x2, s5  }
0x8: {  	_ =	strace $0x80000047;
	s9 =	sor.u32 s5, s7;
	s8 =	sshrl.u32 s6, $0x1  }
.Ltmp0:
0x9: {  	s10 =	sshll.u32 s9, $0x12;
	s7 =	sshll.u32 s9, $0xF;
	(pc) =	sbr.rel .LBB2_1-.Ltmp0, $4  }
0xa: {  	s13 =	sshll.u32 s9, $0x5;
	s12 =	ssub.s32 s6, s8;
	s5 =	sadd.s32 s1, s7  }
0xb: {  	s6 =	sadd.s32 s2, s7;
	s31 =	sor.u32 $0x400, s7;
	s9 =	sor.u32 $0x4000, s10  }
0xc: {  	s10 =	sor.u32 $0x6000, s10;
	s11 =	sadd.s32 s11, s13;
	s13 =	simm.s32 $0x1  }
0xd: {  	s7 =	sadd.s32 s1, s31;
	s8 =	sadd.s32 s2, s31;
	s12 =	smax.u32 s12, $0x1  }
.LBB2_26:
0xe: {  	s17 =	sadd.s32 $0x1, s17  }
0xf: {  	[tilespmem:$0x8000] =	vst v1;
	p0 =	sne.s32 s17, s12  }
.Ltmp1:
0x10: {  	[tilespmem:$0x8080] =	vst v0;
	(pc) =	sbr.rel @!p0 .LBB2_27-.Ltmp1, $4  }
0x11: {  	[hbm4b:s11+s4] =	stream.linear.scatter [tilespmem:s15], [sflag:$0x3], $0x100, $0x38;
	[tilespmem:$0x8100] =	vst v63  }
0x12: {  	_ =	swait.ge [sflag:s16], $0x100  }
0x13: {  	[sflag:s16] =	ssyncset.done $0x0  }
0x14: {  	[sflag:s16] =	ssyncadd.s32 $0xFFFFFF00  }
.LBB2_1:
0x15: {  	s18 =	simm.s32 $0x10  }
0x16: {  	s21 =	sadd.s32 $0x0, s5;
	s19 =	simm.s32 $0x100;
	s20 =	simm.s32 $0x0  }
.LBB2_2:
0x17: {  	[tilespmem:s20], [sflag:$0x1] =	stream.linear.gather [hbm4b:s21+s4], $0x80, $0x38;
	[tilespmem:$0x8100] =	vst v63  }
0x18: {  	s21 =	smov.u32 s18;
	s20 =	smov.u32 s19;
	p0 =	sne.s32 s18, $0x3F0  }
.Ltmp2:
0x19: {  	s18 =	sadd.s32 $0x10, s18;
	(pc) =	sbr.rel @p0 .LBB2_2-.Ltmp2, $2  }
0x1a: {  	_ =	sdelay $0x2  }
0x1b: {  	s19 =	sadd.s32 $0x100, s19;
	s21 =	sadd.s32 s21, s5  }
0x1c: {  	[tilespmem:s20], [sflag:$0x1] =	stream.linear.gather [hbm4b:s21+s4], $0x80, $0x38;
	[tilespmem:$0x8100] =	vst v63  }
0x1d: {  	s18 =	simm.s32 $0x4000  }
0x1e: {  	s19 =	simm.s32 $0x10;
	s21 =	sadd.s32 $0x0, s6;
	s20 =	simm.s32 $0x4100  }
.LBB2_4:
0x1f: {  	[tilespmem:s18], [sflag:$0x1] =	stream.linear.gather [hbm4b:s21+s4], $0x80, $0x38;
	[tilespmem:$0x8100] =	vst v63  }
0x20: {  	s21 =	smov.u32 s19;
	s18 =	smov.u32 s20;
	p0 =	sne.s32 s19, $0x3F0  }
.Ltmp3:
0x21: {  	s19 =	sadd.s32 $0x10, s19;
	(pc) =	sbr.rel @p0 .LBB2_4-.Ltmp3, $2  }
0x22: {  	_ =	sdelay $0x2  }
0x23: {  	s20 =	sadd.s32 $0x100, s20;
	s21 =	sadd.s32 s21, s6  }
0x24: {  	[tilespmem:s18], [sflag:$0x1] =	stream.linear.gather [hbm4b:s21+s4], $0x80, $0x38;
	[tilespmem:$0x8100] =	vst v63  }
0x25: {  	s18 =	simm.s32 $0x80  }
0x26: {  	s19 =	simm.s32 $0x10;
	s21 =	sadd.s32 $0x0, s7;
	s20 =	simm.s32 $0x180  }
.LBB2_6:
0x27: {  	[tilespmem:s18], [sflag:$0x2] =	stream.linear.gather [hbm4b:s21+s4], $0x80, $0x38;
	[tilespmem:$0x8100] =	vst v63  }
0x28: {  	s21 =	smov.u32 s19;
	s18 =	smov.u32 s20;
	p0 =	sne.s32 s19, $0x3F0  }
.Ltmp4:
0x29: {  	s19 =	sadd.s32 $0x10, s19;
	(pc) =	sbr.rel @p0 .LBB2_6-.Ltmp4, $2  }
0x2a: {  	_ =	sdelay $0x2  }
0x2b: {  	s20 =	sadd.s32 $0x100, s20;
	s21 =	sadd.s32 s21, s7  }
0x2c: {  	[tilespmem:s18], [sflag:$0x2] =	stream.linear.gather [hbm4b:s21+s4], $0x80, $0x38;
	[tilespmem:$0x8100] =	vst v63  }
0x2d: {  	s18 =	simm.s32 $0x0;
	s19 =	simm.s32 $0x4080;
	s20 =	simm.s32 $0x0  }
.LBB2_8:
0x2e: {  	p0 =	sne.s32 s20, $0x3F0  }
.Ltmp5:
0x2f: {  	_ = 	snop;
	(pc) =	sbr.rel @p0 .LBB2_8-.Ltmp5, $4  }
0x30: {  	_ = 	snop  }
0x31: {  	s21 =	sadd.s32 s20, s8  }
0x32: {  	[tilespmem:s19], [sflag:$0x2] =	stream.linear.gather [hbm4b:s21+s18], $0x80, $0x38;
	[tilespmem:$0x8100] =	vst v63  }
0x33: {  	s20 =	sadd.s32 $0x10, s20;
	s19 =	sadd.s32 $0x100, s19  }
0x34: {  	v1 =	vimm.f32 $+Inf;
	v0 =	vimm.f32 $-Inf  }
.LBB2_10:
0x35: {  	_ =	swait.ge [sflag:s13], $0x2000  }
0x36: {  	[sflag:s13] =	ssyncset.done $0x0  }
0x37: {  	[sflag:s13] =	ssyncadd.s32 $0xFFFFE000  }
0x38: {  	s19 =	simm.s32 $0x0;
	_ =	swait.ge [sflag:s13], $0x2000  }
0x39: {  	s20 =	sand.u32 $0x40, s19;
	s19 =	sand.u32 $0x3F00, s19;
	[sflag:s13] =	ssyncset.done $0x0  }
0x3a: {  	s20 =	sor.u32 s20, s19;
	[sflag:s13] =	ssyncadd.s32 $0xFFFFE000  }
0x3b: {  	v9 =	vld [tilespmem:s20+$0x30]  }
0x3c: {  	v5 =	vld [tilespmem:s20+$0x4020]  }
0x3d: {  	v6 =	vld [tilespmem:s20+$0x20]  }
0x3e: {  	v3 =	vld [tilespmem:s20+$0x4010]  }
0x3f: {  	v7 =	vld [tilespmem:s20+$0x10]  }
0x40: {  	s31 =	simm.s32 $0x80;
	s21 =	simm.s32 $0x40;
	v10 =	vld [tilespmem:s20+$0x4000]  }
0x41: {  	s21 =	sand.u32 $0x40, s21;
	s19 =	sand.u32 $0x3F00, s31;
	v11 =	vld [tilespmem:s20+$0x0]  }
0x42: {  	s19 =	sor.u32 s21, s19;
	v12 =	vld [tilespmem:s20+$0x4030]  }
0x43: {  	v2 =	vld [tilespmem:s19+$0x30]  }
0x44: {  	v4 =	vld [tilespmem:s19+$0x4020]  }
0x45: {  	v13 =	vmin.f32 v7, v3;
	v14 =	vmax.f32 v7, v3;
	v3 =	vld [tilespmem:s19+$0x20];
	v8 =	vmin.f32 v6, v5  }
0x46: {  	v7 =	vmax.f32 v6, v5;
	v5 =	vld [tilespmem:s19+$0x4010];
	v15 =	vmin.f32 v11, v10;
	v10 =	vmax.f32 v11, v10  }
0x47: {  	v6 =	vld [tilespmem:s19+$0x10];
	v11 =	vmin.f32 v1, v15;
	v10 =	vmax.f32 v0, v10;
	v1 =	vmin.f32 v9, v12  }
0x48: {  	s22 =	simm.s32 $0x80;
	s21 =	simm.s32 $0x100;
	s20 =	simm.s32 $0x4;
	v0 =	vld [tilespmem:s19+$0x4000];
	v9 =	vmax.f32 v9, v12;
	v11 =	vmin.f32 v11, v13;
	v10 =	vmax.f32 v10, v14  }
.LBB2_11:
0x49: {  	s23 =	sand.u32 $0x40, s22;
	s24 =	sand.u32 $0x3F00, s21;
	s20 =	sadd.s32 $0x4, s20;
	v12 =	vld [tilespmem:s19+$0x0];
	v8 =	vmin.f32 v11, v8;
	v7 =	vmax.f32 v10, v7;
	v10 =	vmov v4  }
0x4a: {  	p0 =	slt.u32 s20, $0x1FC;
	v13 =	vld [tilespmem:s19+$0x4030];
	s19 =	sor.u32 s23, s24;
	v1 =	vmin.f32 v8, v1;
	v9 =	vmax.f32 v7, v9  }
0x4b: {  	v14 =	vld [tilespmem:s19+$0x30]  }
.Ltmp6:
0x4c: {  	v4 =	vld [tilespmem:s19+$0x4020];
	v11 =	vmin.f32 v6, v5;
	v15 =	vmax.f32 v6, v5;
	(pc) =	sbr.rel @p0 .LBB2_11-.Ltmp6, $4  }
0x4d: {  	v8 =	vmin.f32 v3, v10;
	v7 =	vmax.f32 v3, v10;
	v3 =	vld [tilespmem:s19+$0x20]  }
0x4e: {  	v5 =	vld [tilespmem:s19+$0x4010];
	v10 =	vmin.f32 v12, v0;
	v0 =	vmax.f32 v12, v0  }
0x4f: {  	v6 =	vld [tilespmem:s19+$0x10];
	v10 =	vmin.f32 v1, v10;
	v9 =	vmax.f32 v9, v0;
	v1 =	vmin.f32 v2, v13  }
0x50: {  	s21 =	sadd.s32 $0x80, s21;
	s22 =	sadd.s32 $0x40, s22;
	v0 =	vld [tilespmem:s19+$0x4000];
	v11 =	vmin.f32 v10, v11;
	v10 =	vmax.f32 v9, v15;
	v9 =	vmax.f32 v2, v13;
	v2 =	vmovc v14  }
0x51: {  	v12 =	vld [tilespmem:s19+$0x0];
	_ =	sdelay $0x1  }
0x52: {  	v8 =	vmin.f32 v11, v8;
	v58 =	vld [tilespmem:s19+$0x4030]  }
0x53: {  	v7 =	vmax.f32 v10, v7;
	v1 =	vmin.f32 v8, v1  }
0x54: {  	p0 =	seq.s32 s18, $0xF;
	v7 =	vmax.f32 v7, v9;
	v61 =	vmin.f32 v3, v4;
	v3 =	vmax.f32 v3, v4  }
.Ltmp7:
0x55: {  	v59 =	vmin.f32 v6, v5;
	v62 =	vmin.f32 v12, v0;
	v0 =	vmax.f32 v12, v0;
	(pc) =	sbr.rel @p0 .LBB2_18-.Ltmp7, $4  }
0x56: {  	v60 =	vmax.f32 v6, v5;
	v1 =	vmin.f32 v1, v62;
	v0 =	vmax.f32 v7, v0  }
0x57: {  	v63 =	vmin.f32 v2, v58;
	v1 =	vmin.f32 v1, v59;
	v0 =	vmax.f32 v0, v60  }
0x58: {  	v2 =	vmax.f32 v2, v58;
	v1 =	vmin.f32 v1, v61;
	v3 =	vmax.f32 v0, v3  }
0x59: {  	s19 =	sshll.u32 s18, $0xE;
	v0 =	vmin.f32 v1, v63;
	v1 =	vmax.f32 v3, v2  }
0x5a: {  	s20 =	sadd.s32 s19, s9  }
0x5b: {  	s20 =	sshrl.u32 s20, $0x3  }
0x5c: {  	s22 =	simm.s32 $0x0;
	s21 =	sadd.s32 s1, s20  }
0x5d: {  	s23 =	simm.s32 $0x10;
	s24 =	simm.s32 $0x100;
	s25 =	sadd.s32 $0x0, s21  }
.LBB2_14:
0x5e: {  	[tilespmem:s22], [sflag:$0x1] =	stream.linear.gather [hbm4b:s25+s4], $0x80, $0x38;
	[tilespmem:$0x8100] =	vst v63  }
0x5f: {  	s25 =	smov.u32 s23;
	s22 =	smov.u32 s24;
	p1 =	sne.s32 s23, $0x3F0  }
.Ltmp8:
0x60: {  	s23 =	sadd.s32 $0x10, s23;
	(pc) =	sbr.rel @p1 .LBB2_14-.Ltmp8, $2  }
0x61: {  	_ =	sdelay $0x2  }
0x62: {  	s24 =	sadd.s32 $0x100, s24;
	s25 =	sadd.s32 s25, s21  }
0x63: {  	[tilespmem:s22], [sflag:$0x1] =	stream.linear.gather [hbm4b:s25+s4], $0x80, $0x38;
	[tilespmem:$0x8100] =	vst v63  }
0x64: {  	s20 =	sadd.s32 s2, s20;
	s21 =	simm.s32 $0x4000  }
0x65: {  	s22 =	simm.s32 $0x10;
	s23 =	simm.s32 $0x4100;
	s24 =	sadd.s32 $0x0, s20  }
.LBB2_16:
0x66: {  	[tilespmem:s21], [sflag:$0x1] =	stream.linear.gather [hbm4b:s24+s4], $0x80, $0x38;
	[tilespmem:$0x8100] =	vst v63  }
0x67: {  	s24 =	smov.u32 s22;
	s21 =	smov.u32 s23;
	p1 =	sne.s32 s22, $0x3F0  }
.Ltmp9:
0x68: {  	s22 =	sadd.s32 $0x10, s22;
	(pc) =	sbr.rel @p1 .LBB2_16-.Ltmp9, $2  }
0x69: {  	_ =	sdelay $0x2  }
0x6a: {  	s23 =	sadd.s32 $0x100, s23;
	s24 =	sadd.s32 s24, s20  }
0x6b: {  	[tilespmem:s21], [sflag:$0x1] =	stream.linear.gather [hbm4b:s24+s4], $0x80, $0x38;
	[tilespmem:$0x8100] =	vst v63  }
.LBB2_18:
0x6c: {  	_ =	swait.ge [sflag:s14], $0x2000  }
0x6d: {  	p1 =	por $0x0, $0x0;
	s20 =	simm.s32 $0x1;
	[sflag:s14] =	ssyncset.done $0x0  }
0x6e: {  	s20 =	simm.s32 @!p1 $0x0;
	[sflag:s14] =	ssyncadd.s32 $0xFFFFE000  }
0x6f: {  	s20 =	sshll.u32 s20, $0x6;
	_ =	swait.ge [sflag:s14], $0x2000  }
0x70: {  	s20 =	sadd.s32 $0x0, s20;
	[sflag:s14] =	ssyncset.done $0x0  }
0x71: {  	s21 =	sor.u32 $0xB0, s20;
	[sflag:s14] =	ssyncadd.s32 $0xFFFFE000  }
0x72: {  	v2 =	vld [tilespmem:s21+$0x0]  }
0x73: {  	s22 =	sor.u32 $0xA0, s20;
	v3 =	vld [tilespmem:s21+$0x4000]  }
0x74: {  	v7 =	vld [tilespmem:s22+$0x0]  }
0x75: {  	s28 =	sor.u32 $0x90, s20;
	v10 =	vld [tilespmem:s22+$0x4000]  }
0x76: {  	p1 =	por !p1, !p1;
	v14 =	vld [tilespmem:s28+$0x0];
	s22 =	simm.s32 $0x1  }
0x77: {  	s23 =	sor.u32 $0x80, s20;
	v15 =	vld [tilespmem:s28+$0x4000];
	s22 =	simm.s32 @!p1 $0x0  }
0x78: {  	v8 =	vld [tilespmem:s23+$0x0];
	s29 =	sshll.u32 s22, $0x6  }
0x79: {  	v13 =	vld [tilespmem:s23+$0x4000];
	s20 =	sadd.s32 $0x80, s29  }
0x7a: {  	s30 =	sor.u32 $0xB0, s20  }
0x7b: {  	v5 =	vld [tilespmem:s30+$0x0]  }
0x7c: {  	s31 =	sor.u32 $0xA0, s20;
	v4 =	vld [tilespmem:s30+$0x4000]  }
0x7d: {  	v6 =	vld [tilespmem:s31+$0x0];
	v12 =	vmin.f32 v7, v10;
	v11 =	vmin.f32 v2, v3  }
0x7e: {  	s23 =	sor.u32 $0x90, s20;
	v9 =	vld [tilespmem:s31+$0x4000];
	v16 =	vmin.f32 v8, v13;
	v17 =	vmax.f32 v8, v13;
	v13 =	vmin.f32 v14, v15  }
0x7f: {  	s21 =	simm.s32 $0x80;
	p1 =	por !p1, !p1;
	s22 =	simm.s32 $0x4;
	v8 =	vld [tilespmem:s23+$0x0];
	v14 =	vmax.f32 v14, v15;
	v0 =	vmin.f32 v0, v16;
	v1 =	vmax.f32 v1, v17  }
.LBB2_19:
0x80: {  	s24 =	simm.s32 $0x1  }
0x81: {  	s25 =	sor.u32 $0x80, s20;
	v15 =	vld [tilespmem:s23+$0x4000];
	v0 =	vmin.f32 v0, v13;
	v1 =	vmax.f32 v1, v14;
	v16 =	vmax.f32 v7, v10;
	s24 =	simm.s32 @!p1 $0x0  }
0x82: {  	s21 =	sadd.s32 $0x80, s21;
	v0 =	vmin.f32 v0, v12;
	v1 =	vmax.f32 v1, v16;
	v12 =	vmax.f32 v2, v3;
	v2 =	vmovc v5;
	s20 =	sshll.u32 s24, $0x6;
	v13 =	vld [tilespmem:s25+$0x0]  }
0x83: {  	s22 =	sadd.s32 $0x4, s22;
	v3 =	vmovc v4;
	v0 =	vmin.f32 v0, v11;
	v1 =	vmax.f32 v1, v12;
	v7 =	vmov v6;
	s20 =	sadd.s32 s20, s21;
	v14 =	vld [tilespmem:s25+$0x4000]  }
0x84: {  	p2 =	slt.u32 s22, $0x1FC;
	v10 =	vmov v9;
	s23 =	sor.u32 $0xB0, s20  }
.Ltmp10:
0x85: {  	v5 =	vld [tilespmem:s23+$0x0];
	(pc) =	sbr.rel @p2 .LBB2_19-.Ltmp10, $4  }
0x86: {  	s24 =	sor.u32 $0xA0, s20;
	v4 =	vld [tilespmem:s23+$0x4000]  }
0x87: {  	v11 =	vmin.f32 v2, v3;
	v12 =	vmin.f32 v7, v10;
	v6 =	vld [tilespmem:s24+$0x0]  }
0x88: {  	s23 =	sor.u32 $0x90, s20;
	v9 =	vld [tilespmem:s24+$0x4000];
	v16 =	vmin.f32 v13, v14;
	v14 =	vmax.f32 v13, v14;
	v13 =	vmin.f32 v8, v15  }
0x89: {  	p1 =	por !p1, !p1;
	v0 =	vmin.f32 v0, v16;
	v1 =	vmax.f32 v1, v14;
	v14 =	vmax.f32 v8, v15;
	v8 =	vld [tilespmem:s23+$0x0]  }
0x8a: {  	s20 =	sor.u32 $0x80, s20;
	v15 =	vld [tilespmem:s23+$0x4000]  }
0x8b: {  	v16 =	vld [tilespmem:s20+$0x0]  }
0x8c: {  	v17 =	vld [tilespmem:s20+$0x4000]  }
0x8d: {  	v0 =	vmin.f32 v0, v13  }
0x8e: {  	v1 =	vmax.f32 v1, v14;
	v7 =	vmax.f32 v7, v10;
	v2 =	vmax.f32 v2, v3  }
0x8f: {  	v0 =	vmin.f32 v0, v12;
	v1 =	vmax.f32 v1, v7;
	v3 =	vmin.f32 v5, v4  }
0x90: {  	v0 =	vmin.f32 v0, v11;
	v1 =	vmax.f32 v1, v2;
	v2 =	vmin.f32 v6, v9  }
.Ltmp11:
0x91: {  	v60 =	vmin.f32 v8, v15;
	v58 =	vmin.f32 v16, v17;
	v59 =	vmax.f32 v16, v17;
	(pc) =	sbr.rel @p0 .LBB2_26-.Ltmp11, $4  }
0x92: {  	v61 =	vmax.f32 v8, v15;
	v0 =	vmin.f32 v0, v58;
	v1 =	vmax.f32 v1, v59  }
0x93: {  	v62 =	vmax.f32 v6, v9;
	v0 =	vmin.f32 v0, v60;
	v1 =	vmax.f32 v1, v61  }
0x94: {  	v63 =	vmax.f32 v5, v4;
	v0 =	vmin.f32 v0, v2;
	v2 =	vmax.f32 v1, v62  }
0x95: {  	v1 =	vmin.f32 v0, v3;
	v0 =	vmax.f32 v2, v63  }
0x96: {  	s19 =	sadd.s32 s19, s10  }
0x97: {  	s19 =	sshrl.u32 s19, $0x3  }
0x98: {  	s21 =	simm.s32 $0x80;
	s20 =	sadd.s32 s1, s19  }
0x99: {  	s22 =	simm.s32 $0x10;
	s23 =	simm.s32 $0x180;
	s24 =	sadd.s32 $0x0, s20  }
.LBB2_22:
0x9a: {  	[tilespmem:s21], [sflag:$0x2] =	stream.linear.gather [hbm4b:s24+s4], $0x80, $0x38;
	[tilespmem:$0x8100] =	vst v63  }
0x9b: {  	s24 =	smov.u32 s22;
	s21 =	smov.u32 s23;
	p0 =	sne.s32 s22, $0x3F0  }
.Ltmp12:
0x9c: {  	s22 =	sadd.s32 $0x10, s22;
	(pc) =	sbr.rel @p0 .LBB2_22-.Ltmp12, $2  }
0x9d: {  	_ =	sdelay $0x2  }
0x9e: {  	s23 =	sadd.s32 $0x100, s23;
	s24 =	sadd.s32 s24, s20  }
0x9f: {  	[tilespmem:s21], [sflag:$0x2] =	stream.linear.gather [hbm4b:s24+s4], $0x80, $0x38;
	[tilespmem:$0x8100] =	vst v63  }
0xa0: {  	s19 =	sadd.s32 s2, s19;
	s20 =	simm.s32 $0x4080  }
0xa1: {  	s21 =	simm.s32 $0x10;
	s22 =	simm.s32 $0x4180;
	s23 =	sadd.s32 $0x0, s19  }
.LBB2_24:
0xa2: {  	[tilespmem:s20], [sflag:$0x2] =	stream.linear.gather [hbm4b:s23+s4], $0x80, $0x38;
	[tilespmem:$0x8100] =	vst v63  }
0xa3: {  	s23 =	smov.u32 s21;
	s20 =	smov.u32 s22;
	p0 =	sne.s32 s21, $0x3F0  }
.Ltmp13:
0xa4: {  	s21 =	sadd.s32 $0x10, s21;
	(pc) =	sbr.rel @p0 .LBB2_24-.Ltmp13, $2  }
0xa5: {  	_ =	sdelay $0x2  }
0xa6: {  	s22 =	sadd.s32 $0x100, s22;
	s23 =	sadd.s32 s23, s19  }
.Ltmp14:
0xa7: {  	(pc) =	sbr.rel .LBB2_10-.Ltmp14, $3  }
0xa8: {  	_ =	sdelay $0x1  }
0xa9: {  	[tilespmem:s20], [sflag:$0x2] =	stream.linear.gather [hbm4b:s23+s4], $0x80, $0x38;
	[tilespmem:$0x8100] =	vst v63  }
0xaa: {  	s18 =	sadd.s32 $0x1, s18  }
.LBB2_27:
0xab: {  	_ =	sfence.sel $0x180000  }
0xac: {  	[bflag:$0x0] =	sbarrier.arrive $0xFFFF  }
0xad: {  	p0 =	sne.s32 s3, $0x0;
	_ =	strace $0x90000047  }
0xae: {  	s0 =	sadd.s32 @!p0 $0x100000, s0;
	[bflag:$0x2] =	sbarrier.arrive $0xFFFF  }
0xaf: {  	[sflag:s0] =	ssyncadd.tile.s32 @!p0 $0x1;
	_ =	shalt  }
.Lfunc_end2:
_tile_overlayer_lowered:
.L_overlay_start_2:
0xb0: {  	(tag) =	ssettag $0x2  }
0xb1: {  	s0 =	rddreg [dreg:$0x0];
	s2 =	stileid.u32  }
0xb2: {  	s1 =	rddreg [dreg:$0x1];
	p0 =	sne.s32 s2, $0x0  }
0xb3: {  	s3 =	rddreg [dreg:$0x2];
	[bflag:$0x3] =	sbarrier.arrive $0xFFFF;
	s2 =	simm.s32 @!p0 $0x1C03  }
0xb4: {  	[timem:s3], [sflag:s2] =	dma.local @!p0 [hbm:s0], s1  }
0xb5: {  	s0 =	simm.s32 @!p0 $0x3  }
0xb6: {  	_ =	swait.ge @!p0 [sflag:s0], s1  }
0xb7: {  	s1 =	ssub.s32 @!p0 $0x0, s1;
	[sflag:s0] =	ssyncset.done @!p0 $0x0  }
0xb8: {  	[sflag:s0] =	ssyncadd.s32 @!p0 s1  }
0xb9: {  	[bflag:$0x3] =	sbarrier.arrive $0xFFFF  }
0xba: {  	_ =	shalt  }

// kernel: kernel.7.cloned.1.call-start
scs
__scs_entry_jumppad:
0x0: {  	(pc) =	sbr.rel $0x88, $3  }
0x1: {  	(tag) =	ssettag $0x0;
	lr =	simm.s32 $0x1  }
0x2: {  	[smem:$0x3F9E] =	sst lr;
	_ =	strace $0xD0000000  }
0x3: {  	_ = 	snop  }
0x4: {  	_ = 	snop  }
0x5: {  	_ = 	snop  }
0x6: {  	_ = 	snop  }
0x7: {  	_ = 	snop  }
__scs_overlays_trampoline_lowered:
0x8: {  	[smem:$0x3FAD] =	sst s0  }
0x9: {  	[smem:$0x3FAE] =	sst s1  }
0xa: {  	[smem:$0x3FAF] =	sst s2  }
0xb: {  	[smem:$0x3FB0] =	sst s3  }
0xc: {  	[smem:$0x3FB1] =	sst s4  }
0xd: {  	[smem:$0x3FB2] =	sst s5  }
0xe: {  	[smem:$0x3FB3] =	sst s6  }
0xf: {  	[smem:$0x3FB4] =	sst s7  }
0x10: {  	[smem:$0x3FB5] =	sst s8  }
0x11: {  	[smem:$0x3FB6] =	sst s9;
	s0 =	simm.s32 @!p0 $0x0  }
0x12: {  	s1 =	sld [smem:$0x3F9C];
	s0 =	simm.s32 @p0 $0x1  }
0x13: {  	[smem:$0x3FB7] =	sst s0;
	s0 =	simm.s32 @!p1 $0x0  }
0x14: {  	s2 =	sld [smem:$0x3F9B];
	s0 =	simm.s32 @p1 $0x1  }
0x15: {  	[smem:$0x3FB8] =	sst s0;
	s0 =	simm.s32 @!p2 $0x0  }
0x16: {  	s3 =	sld [smem:$0x3FDB];
	s0 =	simm.s32 @p2 $0x1  }
0x17: {  	s4 =	simm.s32 $0x1BF5;
	[smem:$0x3FBA] =	sst s0  }
0x18: {  	s0 =	sld [smem:$0x3F9D];
	_ =	swait.ge [sflag:s4], $0x0  }
0x19: {  	s7 =	sld [smem:$0x3F9E]  }
0x1a: {  	s8 =	sadd.s32 $0xFFFFE003, lr  }
0x1b: {  	s9 =	sadd.s32 $0xFFFFFEF7, lr;
	s5 =	simm.s32 $0xFFFFFFFF;
	p2 =	slt.u32 s8, $0xFFFFF086  }
0x1c: {  	p1 =	slt.u32 s9, $0xF7A;
	s5 =	simm.s32 @!p2 $0x0  }
0x1d: {  	s5 =	simm.s32 @p1 $0x1;
	p0 =	seq.s32 s7, s2  }
0x1e: {  	s7 =	smul.u32 @!p0 $0xF7A, s2;
	p2 =	seq.s32 @!p0 s5, $0x0  }
0x1f: {  	s9 =	smul.u32 $0xF7A, s1;
	s8 =	simm.s32 @!p0 $0x1BF5;
	p2 =	por !p2, p0  }
0x20: {  	[sflag:s8] =	ssyncset.s32 @!p0 $0xFFFFF086;
	s6 =	sadd.s32 @!p0 s3, s7;
	s7 =	simm.s32 @!p0 $0x108  }
0x21: {  	s3 =	sadd.s32 s3, s9;
	s6 =	sadd.s32 @!p0 $0x88, s6;
	s7 =	simm.s32 @p2 $0x1082  }
0x22: {  	[simem:s7], [sflag:s8] =	dma.local @!p0 [hbm:s6], $0xF7A  }
0x23: {  	s9 =	sor.u32 $0xD0000000, s2;
	s6 =	simm.s32 $0x108;
	_ =	swait.ge @!p0 [sflag:s8], $0x0  }
0x24: {  	s3 =	sadd.s32 $0x88, s3;
	s6 =	simm.s32 @!p1 $0x1082;
	[sflag:s4] =	ssyncset.s32 $0xFFFFF086  }
0x25: {  	[simem:s6], [sflag:s4] =	dma.local [hbm:s3], $0xF7A  }
0x26: {  	[smem:$0x3F9E] =	sst s1;
	(tag) =	ssettag s2;
	_ =	strace s9  }
0x27: {  	s1 =	sld [smem:$0x3FAE]  }
0x28: {  	s2 =	sld [smem:$0x3FAF]  }
0x29: {  	s4 =	sld [smem:$0x3FB1]  }
0x2a: {  	p0 =	seq.s32 s5, $0x0;
	s5 =	sld [smem:$0x3FB2]  }
0x2b: {  	s6 =	sld [smem:$0x3FB3]  }
0x2c: {  	s7 =	sld [smem:$0x3FB4]  }
0x2d: {  	s3 =	simm.s32 $0x108;
	s8 =	sld [smem:$0x3FB5]  }
0x2e: {  	s3 =	simm.s32 @!p0 $0x1082;
	s9 =	sld [smem:$0x3FB6]  }
0x2f: {  	lr =	sadd.s32 s0, s3;
	s0 =	sld [smem:$0x3FAD]  }
0x30: {  	s3 =	sld [smem:$0x3FB0]  }
0x31: {  	[smem:$0x3FB9] =	sst s10  }
0x32: {  	s10 =	sld [smem:$0x3FB7];
	_ =	sdelay $0x3  }
0x33: {  	p0 =	seq.s32 s10, $0x1;
	s10 =	sld [smem:$0x3FB9];
	_ =	sdelay $0x3  }
0x34: {  	[smem:$0x3FB9] =	sst s10  }
0x35: {  	s10 =	sld [smem:$0x3FB8];
	_ =	sdelay $0x3  }
0x36: {  	p1 =	seq.s32 s10, $0x1;
	s10 =	sld [smem:$0x3FB9];
	_ =	sdelay $0x3  }
0x37: {  	[smem:$0x3FB9] =	sst s10  }
0x38: {  	s10 =	sld [smem:$0x3FBA]  }
0x39: {  	_ = 	snop;
	(pc) =	sbr.ind lr, $3  }
0x3a: {  	_ = 	snop  }
0x3b: {  	_ = 	snop  }
0x3c: {  	p2 =	seq.s32 s10, $0x1;
	s10 =	sld [smem:$0x3FB9]  }
0x3d: {  	_ =	shalt  }
0x3e: {  	_ =	shalt  }
0x3f: {  	_ =	shalt  }
0x40: {  	_ =	shalt  }
0x41: {  	_ =	shalt  }
0x42: {  	_ =	shalt  }
0x43: {  	_ =	shalt  }
0x44: {  	_ =	shalt  }
0x45: {  	_ =	shalt  }
0x46: {  	_ =	shalt  }
0x47: {  	_ =	shalt  }
0x48: {  	_ =	shalt  }
0x49: {  	_ =	shalt  }
0x4a: {  	_ =	shalt  }
0x4b: {  	_ =	shalt  }
0x4c: {  	_ =	shalt  }
0x4d: {  	_ =	shalt  }
0x4e: {  	_ =	shalt  }
0x4f: {  	_ =	shalt  }
0x50: {  	_ =	shalt  }
0x51: {  	_ =	shalt  }
0x52: {  	_ =	shalt  }
0x53: {  	_ =	shalt  }
0x54: {  	_ =	shalt  }
0x55: {  	_ =	shalt  }
0x56: {  	_ =	shalt  }
0x57: {  	_ =	shalt  }
0x58: {  	_ =	shalt  }
0x59: {  	_ =	shalt  }
0x5a: {  	_ =	shalt  }
0x5b: {  	_ =	shalt  }
0x5c: {  	_ =	shalt  }
0x5d: {  	_ =	shalt  }
0x5e: {  	_ =	shalt  }
0x5f: {  	_ =	shalt  }
0x60: {  	_ =	shalt  }
0x61: {  	_ =	shalt  }
0x62: {  	_ =	shalt  }
0x63: {  	_ =	shalt  }
0x64: {  	_ =	shalt  }
0x65: {  	_ =	shalt  }
0x66: {  	_ =	shalt  }
0x67: {  	_ =	shalt  }
0x68: {  	_ =	shalt  }
0x69: {  	_ =	shalt  }
0x6a: {  	_ =	shalt  }
0x6b: {  	_ =	shalt  }
0x6c: {  	_ =	shalt  }
0x6d: {  	_ =	shalt  }
0x6e: {  	_ =	shalt  }
0x6f: {  	_ =	shalt  }
0x70: {  	_ =	shalt  }
0x71: {  	_ =	shalt  }
0x72: {  	_ =	shalt  }
0x73: {  	_ =	shalt  }
0x74: {  	_ =	shalt  }
0x75: {  	_ =	shalt  }
0x76: {  	_ =	shalt  }
0x77: {  	_ =	shalt  }
0x78: {  	_ =	shalt  }
0x79: {  	_ =	shalt  }
0x7a: {  	_ =	shalt  }
0x7b: {  	_ =	shalt  }
0x7c: {  	_ =	shalt  }
0x7d: {  	_ =	shalt  }
0x7e: {  	_ =	shalt  }
0x7f: {  	_ =	shalt  }
0x80: {  	_ =	shalt  }
0x81: {  	_ =	shalt  }
0x82: {  	_ =	shalt  }
0x83: {  	_ =	shalt  }
0x84: {  	_ =	shalt  }
0x85: {  	_ =	shalt  }
0x86: {  	_ =	shalt  }
0x87: {  	_ =	shalt  }
.Lfunc_end0:
.L_simem_size_0:
called_computation.1_lowered:
.L_overlay_start_0:
0x88: {  	s2 =	sld [smem:$0x3FD9]  }
0x89: {  	s3 =	sld [smem:$0x3FFE];
	_ =	sdelay $0x1  }
0x8a: {  	s1 =	srdreg.scid  }
0x8b: {  	s0 =	sand.u32 $0x1, s1  }
0x8c: {  	s17 =	sshll.u32 s0, $0xA;
	s2 =	sadd.s32 s3, s2  }
0x8d: {  	s2 =	sadd.s32 s2, s17  }
0x8e: {  	[smem:$0x3FC5] =	sst s2  }
0x8f: {  	_ = 	snop  }
0x90: {  	s2 =	sld [smem:$0x3FC9]  }
0x91: {  	s18 =	sld [smem:$0x3FC8]  }
0x92: {  	s4 =	sld [smem:$0x3FC7];
	(tm) =	ssettm $0x1  }
0x93: {  	s5 =	sld [smem:$0x3FFB];
	_ =	sdelay $0x3  }
0x94: {  	_ =	strace s5  }
0x95: {  	s5 =	sld [smem:$0x3FFC];
	_ =	sdelay $0x3  }
0x96: {  	_ =	strace s5  }
0x97: {  	s5 =	sld [smem:$0x3FFD];
	_ =	sdelay $0x3  }
0x98: {  	_ =	strace s5  }
0x99: {  	_ =	strace $0x8FFFFFFF  }
0x9a: {  	s19 =	sld [smem:$0x3FDB];
	_ =	sdelay $0x1  }
0x9b: {  	s6 =	simm.s32 $_scs_section_size  }
0x9c: {  	s7 =	simm.s32 $_size__tile_overlayer_lowered;
	s8 =	simm.s32 $_tile_overlayer_lowered  }
0x9d: {  	s22 =	simm.s32 $0x1BFF;
	s21 =	sshll.u32 s8, $0x1;
	s5 =	sadd.s32 s6, s19  }
0x9e: {  	s9 =	simm.s32 $0x0;
	s20 =	sshll.u32 s7, $0x1;
	s7 =	sadd.s32 s21, s5  }
0x9f: {  	[timem:s9], [sflag:s22] =	dma.local [hbm:s7], s20  }
0xa0: {  	_ =	swait.ge [sflag:s22], s20  }
0xa1: {  	s6 =	ssub.s32 $0x0, s20;
	[sflag:s22] =	ssyncset.done $0x0  }
0xa2: {  	[sflag:s22] =	ssyncadd.s32 s6;
	_ =	sdelay $0x1  }
0xa3: {  	s23 =	simm.s32 $0x1B8B  }
0xa4: {  	_ =	swait.ge [sflag:s23], $0x1  }
0xa5: {  	[sflag:s23] =	ssyncset.done $0x0  }
0xa6: {  	s25 =	simm.s32 $0x1B8E;
	s24 =	sld [smem:$0x3FFE];
	[sflag:s23] =	ssyncadd.s32 $0xFFFFFFFF  }
0xa7: {  	s26 =	simm.s32 $execute0_lowered;
	[smem:$0x3FD2] =	sst s25  }
0xa8: {  	s7 =	sshll.u32 s26, $0x1;
	_ =	strace $0x80000049;
	[dreg:$0x1] =	wrdreg $0xFFFFFFFF  }
0xa9: {  	s28 =	simm.s32 $_size_execute0_lowered;
	s5 =	sadd.s32 s5, s7;
	[dreg:$0x0] =	wrdreg $0x0  }
0xaa: {  	s7 =	sshll.u32 s28, $0x1;
	[dreg:$0x2] =	wrdreg s5  }
0xab: {  	[dreg:$0x3] =	wrdreg s7  }
0xac: {  	[dreg:$0x4] =	wrdreg $0xC0  }
0xad: {  	_ =	task [dreg:s9], $0x5FFFF  }
0xae: {  	[dreg:$0x1] =	wrdreg $0xFFFFFFFF  }
0xaf: {  	[dreg:$0x0] =	wrdreg $0x60  }
0xb0: {  	[dreg:$0x2] =	wrdreg s2  }
0xb1: {  	[dreg:$0x3] =	wrdreg s18  }
0xb2: {  	[dreg:$0x4] =	wrdreg s4  }
0xb3: {  	[dreg:$0x5] =	wrdreg s24  }
0xb4: {  	[dreg:$0x6] =	wrdreg $0x9  }
0xb5: {  	_ =	task.clear_ibuf [dreg:s9], $0x7FFFF;
	_ =	strace $0x90000049  }
0xb6: {  	s29 =	simm.s32 $0x9;
	_ =	strace $0x8000004B  }
0xb7: {  	_ =	swait.ge [sflag:s29], $0x1  }
0xb8: {  	[sflag:s29] =	ssyncadd.s32 $0xFFFFFFFF  }
0xb9: {  	_ =	strace $0x9000004B  }
0xba: {  	_ =	sfence  }
0xbb: {  	s30 =	sld [smem:$0x0];
	_ =	sdelay $0x2  }
0xbc: {  	s31 =	sshll.u32 s1, $0xD;
	s1 =	sshrl.u32 s1, $0x2  }
0xbd: {  	s3 =	sand.u32 $0x4000, s31;
	s1 =	sadd.s32 s1, s30  }
0xbe: {  	s0 =	sor.u32 s3, s0;
	s1 =	sshll.u32 s1, $0x11  }
0xbf: {  	s0 =	sor.u32 s1, s0  }
0xc0: {  	s0 =	sadd.s32 $0x8F2B, s0  }
0xc1: {  	[sflag:s0] =	ssyncadd.remote.s32 $0x1  }
0xc2: {  	_ =	sfence.sel $0xFFFF  }
0xc3: {  	[dreg:$0x0] =	wrdreg $0xFFFFFFFF;
	(pc) =	sbr.abs _section_cstart, $3  }
0xc4: {  	[dreg:$0x1] =	wrdreg $0xFFFFFFFF  }
0xc5: {  	_ =	task.clear_ibuf [dreg:s9], $0x2FFFF;
	_ =	strace $0x9FFFFFFF  }
0xc6: {  	(tm) =	ssettm $0x7FFFFFFF  }
0xc7: {  	_ =	shalt  }
tec
execute0_lowered:
.L_overlay_start_1:
0x0: {  	(tag) =	ssettag $0x1  }
0x1: {  	s16 =	rddreg [dreg:$0x0]  }
0x2: {  	s17 =	rddreg [dreg:$0x1]  }
0x3: {  	s18 =	rddreg [dreg:$0x2]  }
0x4: {  	s0 =	srdreg.scid;
	s2 =	stileid.u32  }
0x5: {  	s4 =	rddreg [dreg:$0x3];
	s6 =	simm.s32 $0x0;
	s29 =	simm.s32 $0x1B000  }
0x6: {  	s0 =	sand.u32 $0x1, s0;
	s1 =	sshll.u32 s2, $0x1;
	s2 =	sshll.u32 s2, $0x9  }
0x7: {  	[smem:$0x7FF] =	sst s6;
	s1 =	sor.u32 s0, s1;
	s0 =	ssub.s32 $0x2, s0  }
0x8: {  	_ =	strace $0x8000004A;
	s3 =	sshll.u32 s1, $0x4;
	s19 =	sshrl.u32 s0, $0x1  }
0x9: {  	s20 =	sshll.u32 s1, $0xF;
	s1 =	sshll.u32 s1, $0x12;
	s2 =	sor.u32 s2, s3  }
0xa: {  	s0 =	ssub.s32 s0, s19;
	s7 =	sadd.s32 s16, s20;
	s8 =	sadd.s32 s17, s20  }
0xb: {  	s9 =	sadd.s32 s18, s20;
	s21 =	sor.u32 $0x400, s20;
	s5 =	sor.u32 $0x800, s20  }
0xc: {  	s22 =	sor.u32 $0xC00, s20;
	s23 =	sor.u32 $0x8000, s1;
	s24 =	sor.u32 $0xA000, s1  }
0xd: {  	s25 =	sor.u32 $0xC000, s1;
	s1 =	sor.u32 $0xE000, s1;
	s3 =	simm.s32 $0x1A000  }
0xe: {  	s2 =	sand.u32 $0x1870, s2;
	s10 =	sadd.s32 s16, s21;
	s11 =	sadd.s32 s17, s21  }
0xf: {  	s12 =	sadd.s32 s18, s21;
	s13 =	sadd.s32 s16, s5;
	[dreg:$0x5] =	wrdreg s23  }
0x10: {  	s14 =	sadd.s32 s17, s5;
	s15 =	sadd.s32 s18, s5;
	[dreg:$0x6] =	wrdreg s24  }
0x11: {  	s16 =	sadd.s32 s16, s22;
	s17 =	sadd.s32 s17, s22;
	[dreg:$0x7] =	wrdreg s25  }
0x12: {  	s18 =	sadd.s32 s18, s22;
	[dreg:$0x8] =	wrdreg s1;
	s0 =	smax.u32 s0, $0x1  }
0x13: {  	s5 =	simm.s32 $0x1B800;
	s23 =	simm.s32 $0x2;
	s2 =	sadd.s32 s2, s4  }
.Ltmp0:
0x14: {  	[dreg:$0xd] =	wrdreg s0;
	s26 =	sadd.s32 $0x2400, s2;
	(pc) =	sbr.rel .LBB2_1-.Ltmp0, $4  }
0x15: {  	s24 =	simm.s32 $0x3;
	s28 =	sadd.s32 $0x400, s2;
	[dreg:$0x9] =	wrdreg s26  }
0x16: {  	s25 =	simm.s32 $0x4;
	s30 =	sadd.s32 $0x6400, s2;
	[dreg:$0xa] =	wrdreg s28  }
0x17: {  	s4 =	simm.s32 $0x5;
	s31 =	sadd.s32 $0x4400, s2;
	[dreg:$0xb] =	wrdreg s30  }
0x18: {  	v0 =	vimm.f32 $0.0e+00;
	v1 =	vlaneseq.u32;
	v2 =	vimm.f32 $1.000000000e+00;
	s0 =	simm.s32 $0x1A800;
	s2 =	simm.s32 $0x0;
	[dreg:$0xc] =	wrdreg s31  }
.LBB2_68:
0x19: {  	s1 =	rddreg [dreg:$0x9]  }
0x1a: {  	s2 =	simm.s32 $0x80;
	s19 =	simm.s32 $0x400;
	s4 =	simm.s32 $0x5  }
0x1b: {  	[hbm4b:s1+s2] =	stream.strided.scatter [tilespmem:s3], [sflag:$0x5], $0x800, s19, s2, $0x38;
	[tilespmem:$0x1C000] =	vst v63  }
0x1c: {  	_ =	swait.ge [sflag:s4], $0x800  }
0x1d: {  	[sflag:s4] =	ssyncset.done $0x0  }
0x1e: {  	s22 =	rddreg [dreg:$0xa];
	[sflag:s4] =	ssyncadd.s32 $0xFFFFF800  }
0x1f: {  	[hbm4b:s22+s2] =	stream.strided.scatter [tilespmem:s0], [sflag:$0x5], $0x800, s19, s2, $0x38;
	[tilespmem:$0x1C000] =	vst v63  }
0x20: {  	_ =	swait.ge [sflag:s4], $0x800  }
0x21: {  	[sflag:s4] =	ssyncset.done $0x0  }
0x22: {  	s26 =	rddreg [dreg:$0xb];
	[sflag:s4] =	ssyncadd.s32 $0xFFFFF800  }
0x23: {  	[hbm4b:s26+s2] =	stream.strided.scatter [tilespmem:s29], [sflag:$0x5], $0x800, s19, s2, $0x38;
	[tilespmem:$0x1C000] =	vst v63  }
0x24: {  	_ =	swait.ge [sflag:s4], $0x800  }
0x25: {  	[sflag:s4] =	ssyncset.done $0x0  }
0x26: {  	s28 =	rddreg [dreg:$0xc];
	[sflag:s4] =	ssyncadd.s32 $0xFFFFF800  }
0x27: {  	[hbm4b:s28+s2] =	stream.strided.scatter [tilespmem:s5], [sflag:$0x5], $0x800, s19, s2, $0x38;
	[tilespmem:$0x1C000] =	vst v63  }
0x28: {  	_ =	swait.ge [sflag:s4], $0x800  }
0x29: {  	s30 =	rddreg [dreg:$0xe]  }
0x2a: {  	s31 =	rddreg [dreg:$0xd];
	s2 =	sadd.s32 $0x1, s30  }
0x2b: {  	p0 =	sne.s32 s2, s31  }
.Ltmp1:
0x2c: {  	_ = 	snop;
	(pc) =	sbr.rel @!p0 .LBB2_69-.Ltmp1, $3  }
0x2d: {  	_ =	sdelay $0x1  }
0x2e: {  	[sflag:s4] =	ssyncset.done $0x0  }
0x2f: {  	[sflag:s4] =	ssyncadd.s32 $0xFFFFF800  }
.LBB2_1:
0x30: {  	[dreg:$0xe] =	wrdreg s2  }
0x31: {  	s1 =	rddreg [dreg:$0x3];
	s31 =	simm.s32 $0x18000  }
0x32: {  	[tilespmem:s31], [sflag:$0x5] =	stream.linear.gather [hbm4b:s1+s6], $0x2000, $0x38;
	[tilespmem:$0x1C000] =	vst v63  }
0x33: {  	_ =	swait.ge [sflag:s4], $0x2000  }
0x34: {  	[sflag:s4] =	ssyncset.done $0x0  }
0x35: {  	[sflag:s4] =	ssyncadd.s32 $0xFFFFE000  }
0x36: {  	v3 =	vld [tilespmem:$0x18000]  }
0x37: {  	v5 =	vld [tilespmem:$0x18100]  }
0x38: {  	v6 =	vld [tilespmem:$0x18180]  }
0x39: {  	v7 =	vld [tilespmem:$0x18200]  }
0x3a: {  	v8 =	vld [tilespmem:$0x18280]  }
0x3b: {  	v9 =	vld [tilespmem:$0x18300]  }
0x3c: {  	v10 =	vld [tilespmem:$0x18380]  }
0x3d: {  	v11 =	vld [tilespmem:$0x18400]  }
0x3e: {  	v12 =	vld [tilespmem:$0x18480]  }
0x3f: {  	v13 =	vld [tilespmem:$0x18500]  }
0x40: {  	v14 =	vld [tilespmem:$0x18580]  }
0x41: {  	v15 =	vld [tilespmem:$0x18600]  }
0x42: {  	v16 =	vld [tilespmem:$0x18680]  }
0x43: {  	v17 =	vld [tilespmem:$0x18700]  }
0x44: {  	v18 =	vld [tilespmem:$0x18780]  }
0x45: {  	v19 =	vld [tilespmem:$0x18800]  }
0x46: {  	v20 =	vld [tilespmem:$0x18880]  }
0x47: {  	v21 =	vld [tilespmem:$0x18900]  }
0x48: {  	v22 =	vld [tilespmem:$0x18980]  }
0x49: {  	v23 =	vld [tilespmem:$0x18A00]  }
0x4a: {  	v24 =	vld [tilespmem:$0x18A80]  }
0x4b: {  	v25 =	vld [tilespmem:$0x18B00]  }
0x4c: {  	v26 =	vld [tilespmem:$0x18B80]  }
0x4d: {  	v27 =	vld [tilespmem:$0x18C00]  }
0x4e: {  	v28 =	vld [tilespmem:$0x18C80]  }
0x4f: {  	v29 =	vld [tilespmem:$0x18D00]  }
0x50: {  	v30 =	vld [tilespmem:$0x18D80]  }
0x51: {  	v31 =	vld [tilespmem:$0x18E00]  }
0x52: {  	v32 =	vld [tilespmem:$0x18E80]  }
0x53: {  	v33 =	vld [tilespmem:$0x18F00]  }
0x54: {  	v34 =	vld [tilespmem:$0x18F80]  }
0x55: {  	v35 =	vld [tilespmem:$0x19000]  }
0x56: {  	v36 =	vld [tilespmem:$0x19080]  }
0x57: {  	v37 =	vld [tilespmem:$0x19100]  }
0x58: {  	v38 =	vld [tilespmem:$0x19180]  }
0x59: {  	v39 =	vld [tilespmem:$0x19200]  }
0x5a: {  	v40 =	vld [tilespmem:$0x19280]  }
0x5b: {  	v41 =	vld [tilespmem:$0x19300]  }
0x5c: {  	v42 =	vld [tilespmem:$0x19380]  }
0x5d: {  	v43 =	vld [tilespmem:$0x19400]  }
0x5e: {  	v44 =	vld [tilespmem:$0x19480]  }
0x5f: {  	v45 =	vld [tilespmem:$0x19500]  }
0x60: {  	v46 =	vld [tilespmem:$0x19580]  }
0x61: {  	v47 =	vld [tilespmem:$0x19600]  }
0x62: {  	v48 =	vld [tilespmem:$0x19680]  }
0x63: {  	v49 =	vld [tilespmem:$0x19700]  }
0x64: {  	v50 =	vld [tilespmem:$0x19780]  }
0x65: {  	v51 =	vld [tilespmem:$0x19800]  }
0x66: {  	[tilespmem:$0x1FFC0] =	vst v3;
	v3 =	vld [tilespmem:$0x18080]  }
0x67: {  	v52 =	vld [tilespmem:$0x19880]  }
0x68: {  	v53 =	vld [tilespmem:$0x19900]  }
0x69: {  	v54 =	vld [tilespmem:$0x19980]  }
0x6a: {  	v55 =	vld [tilespmem:$0x19A00]  }
0x6b: {  	[tilespmem:$0x1FFD0] =	vst v3;
	v3 =	vld [tilespmem:$0x19E80]  }
0x6c: {  	v56 =	vld [tilespmem:$0x19A80]  }
0x6d: {  	v57 =	vld [tilespmem:$0x19B00]  }
0x6e: {  	v58 =	vld [tilespmem:$0x19B80]  }
0x6f: {  	v59 =	vld [tilespmem:$0x19C00]  }
0x70: {  	[tilespmem:$0x1FFE0] =	vst v3;
	v3 =	vld [tilespmem:$0x19F80]  }
0x71: {  	v60 =	vld [tilespmem:$0x19C80]  }
0x72: {  	v61 =	vld [tilespmem:$0x19D00]  }
0x73: {  	v62 =	vld [tilespmem:$0x19D80]  }
0x74: {  	v63 =	vld [tilespmem:$0x19E00]  }
0x75: {  	s2 =	simm.s32 $0x0;
	s1 =	simm.s32 $0x40;
	v4 =	vld [tilespmem:$0x19F00];
	[tilespmem:$0x1FFF0] =	vst v3  }
.LBB2_2:
0x76: {  	p0 =	sne.s32 s1, $0x1FC0;
	[tilespmem:s2+$0x1B800] =	vst v0;
	s4 =	smov.u32 s1;
	s1 =	sadd.s32 $0x40, s1  }
.Ltmp2:
0x77: {  	[tilespmem:s2+$0x1B000] =	vst v0;
	(pc) =	sbr.rel @p0 .LBB2_2-.Ltmp2, $3  }
0x78: {  	[tilespmem:s2+$0x1A000] =	vst v0  }
0x79: {  	[tilespmem:s2+$0x1A800] =	vst v0;
	_ =	sdelay $0x1  }
0x7a: {  	s2 =	sshra.s32 s4, $0x2  }
0x7b: {  	[tilespmem:s2+$0x1B800] =	vst v0  }
0x7c: {  	[tilespmem:s2+$0x1B000] =	vst v0  }
0x7d: {  	[tilespmem:s2+$0x1A000] =	vst v0;
	s1 =	simm.s32 $0x0  }
0x7e: {  	[tilespmem:s2+$0x1A800] =	vst v0;
	s2 =	simm.s32 $0x10;
	s19 =	sadd.s32 $0x0, s7;
	s4 =	simm.s32 $0x200  }
.LBB2_4:
0x7f: {  	[tilespmem:s1], [sflag:$0x1] =	stream.linear.gather [hbm4b:s19+s6], $0x80, $0x38;
	[tilespmem:$0x1C000] =	vst v63  }
0x80: {  	s19 =	smov.u32 s2;
	s1 =	smov.u32 s4;
	p0 =	sne.s32 s2, $0x3F0  }
.Ltmp3:
0x81: {  	s2 =	sadd.s32 $0x10, s2;
	(pc) =	sbr.rel @p0 .LBB2_4-.Ltmp3, $2  }
0x82: {  	_ =	sdelay $0x2  }
0x83: {  	s4 =	sadd.s32 $0x200, s4;
	s19 =	sadd.s32 s19, s7  }
0x84: {  	[tilespmem:s1], [sflag:$0x1] =	stream.linear.gather [hbm4b:s19+s6], $0x80, $0x38;
	[tilespmem:$0x1C000] =	vst v63  }
0x85: {  	s1 =	simm.s32 $0x8000  }
0x86: {  	s2 =	simm.s32 $0x10;
	s19 =	sadd.s32 $0x0, s8;
	s4 =	simm.s32 $0x8200  }
.LBB2_6:
0x87: {  	[tilespmem:s1], [sflag:$0x1] =	stream.linear.gather [hbm4b:s19+s6], $0x80, $0x38;
	[tilespmem:$0x1C000] =	vst v63  }
0x88: {  	s19 =	smov.u32 s2;
	s1 =	smov.u32 s4;
	p0 =	sne.s32 s2, $0x3F0  }
.Ltmp4:
0x89: {  	s2 =	sadd.s32 $0x10, s2;
	(pc) =	sbr.rel @p0 .LBB2_6-.Ltmp4, $2  }
0x8a: {  	_ =	sdelay $0x2  }
0x8b: {  	s4 =	sadd.s32 $0x200, s4;
	s19 =	sadd.s32 s19, s8  }
0x8c: {  	[tilespmem:s1], [sflag:$0x1] =	stream.linear.gather [hbm4b:s19+s6], $0x80, $0x38;
	[tilespmem:$0x1C000] =	vst v63  }
0x8d: {  	s1 =	simm.s32 $0x10000  }
0x8e: {  	s2 =	simm.s32 $0x10;
	s19 =	sadd.s32 $0x0, s9;
	s4 =	simm.s32 $0x10200  }
.LBB2_8:
0x8f: {  	[tilespmem:s1], [sflag:$0x1] =	stream.linear.gather [hbm4b:s19+s6], $0x80, $0x38;
	[tilespmem:$0x1C000] =	vst v63  }
0x90: {  	s19 =	smov.u32 s2;
	s1 =	smov.u32 s4;
	p0 =	sne.s32 s2, $0x3F0  }
.Ltmp5:
0x91: {  	s2 =	sadd.s32 $0x10, s2;
	(pc) =	sbr.rel @p0 .LBB2_8-.Ltmp5, $2  }
0x92: {  	_ =	sdelay $0x2  }
0x93: {  	s4 =	sadd.s32 $0x200, s4;
	s19 =	sadd.s32 s19, s9  }
0x94: {  	[tilespmem:s1], [sflag:$0x1] =	stream.linear.gather [hbm4b:s19+s6], $0x80, $0x38;
	[tilespmem:$0x1C000] =	vst v63  }
0x95: {  	s1 =	simm.s32 $0x80  }
0x96: {  	s2 =	simm.s32 $0x10;
	s19 =	sadd.s32 $0x0, s10;
	s4 =	simm.s32 $0x280  }
.LBB2_10:
0x97: {  	[tilespmem:s1], [sflag:$0x2] =	stream.linear.gather [hbm4b:s19+s6], $0x80, $0x38;
	[tilespmem:$0x1C000] =	vst v63  }
0x98: {  	s19 =	smov.u32 s2;
	s1 =	smov.u32 s4;
	p0 =	sne.s32 s2, $0x3F0  }
.Ltmp6:
0x99: {  	s2 =	sadd.s32 $0x10, s2;
	(pc) =	sbr.rel @p0 .LBB2_10-.Ltmp6, $2  }
0x9a: {  	_ =	sdelay $0x2  }
0x9b: {  	s4 =	sadd.s32 $0x200, s4;
	s19 =	sadd.s32 s19, s10  }
0x9c: {  	[tilespmem:s1], [sflag:$0x2] =	stream.linear.gather [hbm4b:s19+s6], $0x80, $0x38;
	[tilespmem:$0x1C000] =	vst v63  }
0x9d: {  	s1 =	simm.s32 $0x8080  }
0x9e: {  	s2 =	simm.s32 $0x10;
	s19 =	sadd.s32 $0x0, s11;
	s4 =	simm.s32 $0x8280  }
.LBB2_12:
0x9f: {  	[tilespmem:s1], [sflag:$0x2] =	stream.linear.gather [hbm4b:s19+s6], $0x80, $0x38;
	[tilespmem:$0x1C000] =	vst v63  }
0xa0: {  	s19 =	smov.u32 s2;
	s1 =	smov.u32 s4;
	p0 =	sne.s32 s2, $0x3F0  }
.Ltmp7:
0xa1: {  	s2 =	sadd.s32 $0x10, s2;
	(pc) =	sbr.rel @p0 .LBB2_12-.Ltmp7, $2  }
0xa2: {  	_ =	sdelay $0x2  }
0xa3: {  	s4 =	sadd.s32 $0x200, s4;
	s19 =	sadd.s32 s19, s11  }
0xa4: {  	[tilespmem:s1], [sflag:$0x2] =	stream.linear.gather [hbm4b:s19+s6], $0x80, $0x38;
	[tilespmem:$0x1C000] =	vst v63  }
0xa5: {  	s1 =	simm.s32 $0x10080  }
0xa6: {  	s2 =	simm.s32 $0x10;
	s19 =	sadd.s32 $0x0, s12;
	s4 =	simm.s32 $0x10280  }
.LBB2_14:
0xa7: {  	[tilespmem:s1], [sflag:$0x2] =	stream.linear.gather [hbm4b:s19+s6], $0x80, $0x38;
	[tilespmem:$0x1C000] =	vst v63  }
0xa8: {  	s19 =	smov.u32 s2;
	s1 =	smov.u32 s4;
	p0 =	sne.s32 s2, $0x3F0  }
.Ltmp8:
0xa9: {  	s2 =	sadd.s32 $0x10, s2;
	(pc) =	sbr.rel @p0 .LBB2_14-.Ltmp8, $2  }
0xaa: {  	_ =	sdelay $0x2  }
0xab: {  	s4 =	sadd.s32 $0x200, s4;
	s19 =	sadd.s32 s19, s12  }
0xac: {  	[tilespmem:s1], [sflag:$0x2] =	stream.linear.gather [hbm4b:s19+s6], $0x80, $0x38;
	[tilespmem:$0x1C000] =	vst v63  }
0xad: {  	s1 =	simm.s32 $0x100  }
0xae: {  	s2 =	simm.s32 $0x10;
	s19 =	sadd.s32 $0x0, s13;
	s4 =	simm.s32 $0x300  }
.LBB2_16:
0xaf: {  	[tilespmem:s1], [sflag:$0x3] =	stream.linear.gather [hbm4b:s19+s6], $0x80, $0x38;
	[tilespmem:$0x1C000] =	vst v63  }
0xb0: {  	s19 =	smov.u32 s2;
	s1 =	smov.u32 s4;
	p0 =	sne.s32 s2, $0x3F0  }
.Ltmp9:
0xb1: {  	s2 =	sadd.s32 $0x10, s2;
	(pc) =	sbr.rel @p0 .LBB2_16-.Ltmp9, $2  }
0xb2: {  	_ =	sdelay $0x2  }
0xb3: {  	s4 =	sadd.s32 $0x200, s4;
	s19 =	sadd.s32 s19, s13  }
0xb4: {  	[tilespmem:s1], [sflag:$0x3] =	stream.linear.gather [hbm4b:s19+s6], $0x80, $0x38;
	[tilespmem:$0x1C000] =	vst v63  }
0xb5: {  	s1 =	simm.s32 $0x8100  }
0xb6: {  	s2 =	simm.s32 $0x10;
	s19 =	sadd.s32 $0x0, s14;
	s4 =	simm.s32 $0x8300  }
.LBB2_18:
0xb7: {  	[tilespmem:s1], [sflag:$0x3] =	stream.linear.gather [hbm4b:s19+s6], $0x80, $0x38;
	[tilespmem:$0x1C000] =	vst v63  }
0xb8: {  	s19 =	smov.u32 s2;
	s1 =	smov.u32 s4;
	p0 =	sne.s32 s2, $0x3F0  }
.Ltmp10:
0xb9: {  	s2 =	sadd.s32 $0x10, s2;
	(pc) =	sbr.rel @p0 .LBB2_18-.Ltmp10, $2  }
0xba: {  	_ =	sdelay $0x2  }
0xbb: {  	s4 =	sadd.s32 $0x200, s4;
	s19 =	sadd.s32 s19, s14  }
0xbc: {  	[tilespmem:s1], [sflag:$0x3] =	stream.linear.gather [hbm4b:s19+s6], $0x80, $0x38;
	[tilespmem:$0x1C000] =	vst v63  }
0xbd: {  	s1 =	simm.s32 $0x10100  }
0xbe: {  	s2 =	simm.s32 $0x10;
	s19 =	sadd.s32 $0x0, s15;
	s4 =	simm.s32 $0x10300  }
.LBB2_20:
0xbf: {  	[tilespmem:s1], [sflag:$0x3] =	stream.linear.gather [hbm4b:s19+s6], $0x80, $0x38;
	[tilespmem:$0x1C000] =	vst v63  }
0xc0: {  	s19 =	smov.u32 s2;
	s1 =	smov.u32 s4;
	p0 =	sne.s32 s2, $0x3F0  }
.Ltmp11:
0xc1: {  	s2 =	sadd.s32 $0x10, s2;
	(pc) =	sbr.rel @p0 .LBB2_20-.Ltmp11, $2  }
0xc2: {  	_ =	sdelay $0x2  }
0xc3: {  	s4 =	sadd.s32 $0x200, s4;
	s19 =	sadd.s32 s19, s15  }
0xc4: {  	[tilespmem:s1], [sflag:$0x3] =	stream.linear.gather [hbm4b:s19+s6], $0x80, $0x38;
	[tilespmem:$0x1C000] =	vst v63  }
0xc5: {  	s1 =	simm.s32 $0x180  }
0xc6: {  	s2 =	simm.s32 $0x10;
	s19 =	sadd.s32 $0x0, s16;
	s4 =	simm.s32 $0x380  }
.LBB2_22:
0xc7: {  	[tilespmem:s1], [sflag:$0x4] =	stream.linear.gather [hbm4b:s19+s6], $0x80, $0x38;
	[tilespmem:$0x1C000] =	vst v63  }
0xc8: {  	s19 =	smov.u32 s2;
	s1 =	smov.u32 s4;
	p0 =	sne.s32 s2, $0x3F0  }
.Ltmp12:
0xc9: {  	s2 =	sadd.s32 $0x10, s2;
	(pc) =	sbr.rel @p0 .LBB2_22-.Ltmp12, $2  }
0xca: {  	_ =	sdelay $0x2  }
0xcb: {  	s4 =	sadd.s32 $0x200, s4;
	s19 =	sadd.s32 s19, s16  }
0xcc: {  	[tilespmem:s1], [sflag:$0x4] =	stream.linear.gather [hbm4b:s19+s6], $0x80, $0x38;
	[tilespmem:$0x1C000] =	vst v63  }
0xcd: {  	s1 =	simm.s32 $0x8180  }
0xce: {  	s2 =	simm.s32 $0x10;
	s19 =	sadd.s32 $0x0, s17;
	s4 =	simm.s32 $0x8380  }
.LBB2_24:
0xcf: {  	[tilespmem:s1], [sflag:$0x4] =	stream.linear.gather [hbm4b:s19+s6], $0x80, $0x38;
	[tilespmem:$0x1C000] =	vst v63  }
0xd0: {  	s19 =	smov.u32 s2;
	s1 =	smov.u32 s4;
	p0 =	sne.s32 s2, $0x3F0  }
.Ltmp13:
0xd1: {  	s2 =	sadd.s32 $0x10, s2;
	(pc) =	sbr.rel @p0 .LBB2_24-.Ltmp13, $2  }
0xd2: {  	_ =	sdelay $0x2  }
0xd3: {  	s4 =	sadd.s32 $0x200, s4;
	s19 =	sadd.s32 s19, s17  }
0xd4: {  	[tilespmem:s1], [sflag:$0x4] =	stream.linear.gather [hbm4b:s19+s6], $0x80, $0x38;
	[tilespmem:$0x1C000] =	vst v63  }
0xd5: {  	s1 =	simm.s32 $0x10180  }
0xd6: {  	s4 =	simm.s32 $0x10;
	s2 =	sadd.s32 $0x0, s18;
	s19 =	simm.s32 $0x10380  }
.LBB2_26:
0xd7: {  	[tilespmem:s1], [sflag:$0x4] =	stream.linear.gather [hbm4b:s2+s6], $0x80, $0x38;
	[tilespmem:$0x1C000] =	vst v63  }
0xd8: {  	s2 =	smov.u32 s4;
	s1 =	smov.u32 s19;
	p0 =	sne.s32 s4, $0x3F0  }
.Ltmp14:
0xd9: {  	s4 =	sadd.s32 $0x10, s4;
	(pc) =	sbr.rel @p0 .LBB2_26-.Ltmp14, $2  }
0xda: {  	_ =	sdelay $0x2  }
0xdb: {  	s19 =	sadd.s32 $0x200, s19;
	s2 =	sadd.s32 s2, s18  }
0xdc: {  	v3 =	vld [tilespmem:$0x1FFC0];
	_ =	sdelay $0x4  }
0xdd: {  	v5 =	vmin.f32 v3, v5;
	v3 =	vld [tilespmem:$0x1FFD0]  }
0xde: {  	v5 =	vmin.f32 v5, v7  }
0xdf: {  	v5 =	vmin.f32 v5, v9  }
0xe0: {  	v5 =	vmin.f32 v5, v11  }
0xe1: {  	v5 =	vmin.f32 v5, v13  }
0xe2: {  	v6 =	vmax.f32 v3, v6;
	v5 =	vmin.f32 v5, v15  }
0xe3: {  	v6 =	vmax.f32 v6, v8;
	v5 =	vmin.f32 v5, v17  }
0xe4: {  	v6 =	vmax.f32 v6, v10;
	v5 =	vmin.f32 v5, v19  }
0xe5: {  	v6 =	vmax.f32 v6, v12;
	v5 =	vmin.f32 v5, v21  }
0xe6: {  	v6 =	vmax.f32 v6, v14;
	v5 =	vmin.f32 v5, v23  }
0xe7: {  	v6 =	vmax.f32 v6, v16;
	v5 =	vmin.f32 v5, v25  }
0xe8: {  	v6 =	vmax.f32 v6, v18;
	v5 =	vmin.f32 v5, v27  }
0xe9: {  	v6 =	vmax.f32 v6, v20;
	v5 =	vmin.f32 v5, v29  }
0xea: {  	v6 =	vmax.f32 v6, v22;
	v5 =	vmin.f32 v5, v31  }
0xeb: {  	v6 =	vmax.f32 v6, v24;
	v5 =	vmin.f32 v5, v33  }
0xec: {  	v6 =	vmax.f32 v6, v26;
	v5 =	vmin.f32 v5, v35  }
0xed: {  	v6 =	vmax.f32 v6, v28;
	v5 =	vmin.f32 v5, v37  }
0xee: {  	v6 =	vmax.f32 v6, v30;
	v5 =	vmin.f32 v5, v39  }
0xef: {  	v6 =	vmax.f32 v6, v32;
	v5 =	vmin.f32 v5, v41  }
0xf0: {  	v6 =	vmax.f32 v6, v34;
	v5 =	vmin.f32 v5, v43  }
0xf1: {  	v6 =	vmax.f32 v6, v36;
	v5 =	vmin.f32 v5, v45  }
0xf2: {  	v6 =	vmax.f32 v6, v38;
	v5 =	vmin.f32 v5, v47  }
0xf3: {  	v6 =	vmax.f32 v6, v40;
	v5 =	vmin.f32 v5, v49  }
0xf4: {  	v6 =	vmax.f32 v6, v42;
	v5 =	vmin.f32 v5, v51  }
0xf5: {  	v6 =	vmax.f32 v6, v44;
	v5 =	vmin.f32 v5, v53  }
0xf6: {  	v6 =	vmax.f32 v6, v46;
	v5 =	vmin.f32 v5, v55  }
0xf7: {  	v6 =	vmax.f32 v6, v48;
	v5 =	vmin.f32 v5, v57  }
0xf8: {  	v6 =	vmax.f32 v6, v50;
	v5 =	vmin.f32 v5, v59  }
0xf9: {  	v6 =	vmax.f32 v6, v52;
	v5 =	vmin.f32 v5, v61  }
0xfa: {  	v3 =	vld [tilespmem:$0x1FFE0];
	v6 =	vmax.f32 v6, v54;
	v5 =	vmin.f32 v5, v63  }
0xfb: {  	v6 =	vmax.f32 v6, v56;
	v4 =	vmin.f32 v5, v4;
	v5 =	vld [tilespmem:$0x1FFF0]  }
0xfc: {  	v6 =	vmax.f32 v6, v58  }
0xfd: {  	v6 =	vmax.f32 v6, v60  }
0xfe: {  	v6 =	vmax.f32 v6, v62  }
0xff: {  	v3 =	vmax.f32 v6, v3  }
0x100: {  	(xrf0) =	vmin.scan.msk.f32 $0xffff, v4;
	v3 =	vmax.f32 v3, v5  }
0x101: {  	(xrf0) =	vmax.scan.msk.f32 $0xffff, v3;
	_ =	sdelay $0x4  }
0x102: {  	v3, _, _ =	vpop (xrf0)  }
0x103: {  	(v2sf) =	vpush v3, $0xF;
	v4, _, _ =	vpop (xrf0)  }
0x104: {  	(v2sf) =	vpush v4, $0xF;
	_ =	sdelay $0xd  }
0x105: {  	s4 =	spop (v2sf)  }
0x106: {  	s19 =	spop (v2sf)  }
0x107: {  	s4 =	ssub.f32 s19, s4;
	_ =	sdelay $0x1  }
0x108: {  	v4 =	vmov s4  }
0x109: {  	v5 =	vtrunc.f32 v4  }
0x10a: {  	v5 =	vcvt.f32.s32 v5;
	_ =	sdelay $0x1  }
0x10b: {  	v5 =	vcvt.s32.f32 v5;
	_ =	sdelay $0x1  }
0x10c: {  	v5 =	vadd.f32 $-1.000000000e+00, v5  }
0x10d: {  	(erf) = vrcp.f32 v4  }
0x10e: {  	(erf) = vrcp.f32 v5;
	_ =	sdelay $0x7  }
0x10f: {  	v4 =	vpop (erf)  }
0x110: {  	[tilespmem:s1], [sflag:$0x4] =	stream.linear.gather [hbm4b:s2+s6], $0x80, $0x38;
	v3 =	vbroadcast v3, $0xF;
	v6 =	vpop (erf);
	[tilespmem:$0x1C000] =	vst v63  }
0x111: {  	s26 =	simm.s32 $0x0;
	v4 =	vmul.f32 v5, v4;
	v5 =	vmul.f32 s4, v6  }
.LBB2_28:
0x112: {  	s4 =	simm.s32 $0x1  }
0x113: {  	_ =	swait.ge [sflag:s4], $0x2000  }
0x114: {  	[sflag:s4] =	ssyncset.done $0x0  }
0x115: {  	[sflag:s4] =	ssyncadd.s32 $0xFFFFE000  }
0x116: {  	_ =	swait.ge [sflag:s4], $0x2000  }
0x117: {  	[sflag:s4] =	ssyncset.done $0x0  }
0x118: {  	[sflag:s4] =	ssyncadd.s32 $0xFFFFE000  }
0x119: {  	s2 =	simm.s32 $0x0;
	_ =	swait.ge [sflag:s4], $0x2000  }
0x11a: {  	s1 =	sand.u32 $0x40, s2;
	s2 =	sand.u32 $0x7E00, s2;
	[sflag:s4] =	ssyncset.done $0x0  }
0x11b: {  	s19 =	sor.u32 s1, s2;
	[sflag:s4] =	ssyncadd.s32 $0xFFFFE000  }
0x11c: {  	v8 =	vld [tilespmem:s19+$0x8030]  }
0x11d: {  	v12 =	vld [tilespmem:s19+$0x30]  }
0x11e: {  	v16 =	vld [tilespmem:s19+$0x8020]  }
0x11f: {  	v11 =	vld [tilespmem:s19+$0x8010]  }
0x120: {  	v22 =	vld [tilespmem:s19+$0x10]  }
0x121: {  	v7 =	vld [tilespmem:s19+$0x20];
	_ =	sdelay $0x1  }
0x122: {  	v10 =	vsub.f32 v8, v3  }
0x123: {  	v13 =	vsub.f32 v12, v3;
	v14 =	vsub.f32 v16, v3  }
0x124: {  	v18 =	vsub.f32 v22, v3;
	v20 =	vsub.f32 v11, v3;
	v10 =	vmul.f32 v10, v4  }
0x125: {  	v9 =	vld [tilespmem:s19+$0x0];
	v19 =	vsub.f32 v7, v3;
	v15 =	vmul.f32 v13, v4;
	v17 =	vmul.f32 v14, v4  }
0x126: {  	v18 =	vmul.f32 v18, v4;
	v20 =	vmul.f32 v20, v4  }
0x127: {  	v19 =	vmul.f32 v19, v4;
	v15 =	vtrunc.f32 v15  }
0x128: {  	v10 =	vtrunc.f32 v10;
	v15 =	vcvt.f32.s32 v15  }
0x129: {  	v17 =	vtrunc.f32 v17;
	v18 =	vtrunc.f32 v18  }
0x12a: {  	v14 =	vcvt.f32.s32 v10;
	v10 =	vsub.f32 v9, v3;
	vm0 =	vgt.s32 v15, $0x0  }
0x12b: {  	v23 =	vtrunc.f32 v19;
	v17 =	vcvt.f32.s32 v17;
	v15 =	vnsel vm0, $0x0, v15  }
0x12c: {  	v18 =	vcvt.f32.s32 v18;
	v10 =	vmul.f32 v10, v4;
	v15 =	vmin.u32 v15, $0x7F  }
0x12d: {  	v25 =	vtrunc.f32 v20;
	vm0 =	vgt.s32 v17, $0x0;
	v21 =	vcvt.s32.f32 v15  }
0x12e: {  	v24 =	vtrunc.f32 v10;
	v10 =	vnsel vm0, $0x0, v17;
	vm0 =	vgt.s32 v18, $0x0  }
0x12f: {  	v10 =	vmin.u32 v10, $0x7F;
	v18 =	vnsel vm0, $0x0, v18;
	v19 =	vmul.f32 v21, v5  }
0x130: {  	v20 =	vshll.u32 v10, $0x4;
	v18 =	vmin.u32 v18, $0x7F;
	v10 =	vcvt.s32.f32 v10  }
0x131: {  	v17 =	vld [tilespmem:s19+$0x10030];
	v21 =	vadd.f32 v19, v3;
	v19 =	vcvt.s32.f32 v18;
	v18 =	vshll.u32 v18, $0x4  }
0x132: {  	v6 =	vld [tilespmem:s19+$0x8000];
	v26 =	vshll.u32 v15, $0x4;
	v15 =	vor.u32 v1, v18;
	v18 =	vmul.f32 v10, v5  }
0x133: {  	v10 =	vor.u32 v1, v20  }
0x134: {  	v20 =	vmul.f32 v19, v5;
	v12 =	vsub.f32 v12, v21;
	v18 =	vadd.f32 v18, v3  }
0x135: {  	v23 =	vcvt.f32.s32 v23  }
0x136: {  	v63 =	vadd.f32 v20, v3;
	v20 =	vmul.f32 v12, v17;
	v12 =	vsub.f32 v16, v18;
	v16 =	vld [tilespmem:s19+$0x10010]  }
0x137: {  	v13 =	vsub.f32 v6, v3;
	vm2 =	vgt.s32 v23, $0x0;
	v21 =	vcvt.f32.s32 v24  }
0x138: {  	v23 =	vnsel vm2, $0x0, v23;
	vm0 =	vgt.s32 v14, $0x0;
	v19 =	vor.u32 v1, v26  }
0x139: {  	s1 =	simm.s32 $0x0;
	s2 =	simm.s32 $0x100;
	s4 =	simm.s32 $0x40;
	vm1 =	vgt.s32 v21, $0x0;
	v18 =	vcvt.f32.s32 v25;
	v22 =	vsub.f32 v22, v63  }
.LBB2_29:
0x13a: {  	s20 =	sand.u32 $0x40, s4;
	s21 =	sand.u32 $0x7E00, s2;
	s1 =	sadd.s32 $0x4, s1;
	v24 =	vld [tilespmem:s19+$0x10000];
	v21 =	vnsel vm1, $0x0, v21;
	v23 =	vmin.u32 v23, $0x7F;
	v14 =	vnsel vm0, $0x0, v14  }
0x13b: {  	v13 =	vmul.f32 v13, v4;
	s20 =	sor.u32 s20, s21;
	p0 =	slt.u32 s1, $0x1FC;
	vm0 =	vgt.s32 v18, $0x0;
	[tilespmem:v15+s3+$0x0] =	vst.idx.add.f32.msk $0xffff, v16;
	v22 =	vmul.f32 v22, v16  }
0x13c: {  	v21 =	vmin.u32 v21, $0x7F;
	v14 =	vmin.u32 v14, $0x7F;
	v25 =	vld [tilespmem:s20+$0x8030];
	v18 =	vnsel vm0, $0x0, v18  }
0x13d: {  	v13 =	vtrunc.f32 v13;
	v26 =	vcvt.s32.f32 v21;
	v16 =	vld [tilespmem:s20+$0x30];
	v18 =	vmin.u32 v18, $0x7F  }
0x13e: {  	v21 =	vshll.u32 v21, $0x4;
	v27 =	vcvt.s32.f32 v18;
	v28 =	vshll.u32 v18, $0x4;
	[tilespmem:v19+s3+$0x0] =	vst.idx.add.f32.msk $0xffff, v17  }
0x13f: {  	v13 =	vcvt.f32.s32 v13;
	v21 =	vor.u32 v1, v21;
	v17 =	vmul.f32 v26, v5;
	[tilespmem:v19+s0+$0x0] =	vst.idx.add.f32.msk $0xffff, v20  }
0x140: {  	v26 =	vshll.u32 v14, $0x4;
	v20 =	vcvt.s32.f32 v14;
	v18 =	vld [tilespmem:s20+$0x8020];
	v19 =	vmul.f32 v27, v5  }
0x141: {  	vm0 =	vgt.s32 v13, $0x0;
	v17 =	vadd.f32 v17, v3;
	v27 =	vld [tilespmem:s20+$0x8000];
	v14 =	vsub.f32 v25, v3  }
0x142: {  	v28 =	vor.u32 v1, v28;
	v20 =	vmul.f32 v20, v5;
	v29 =	vld [tilespmem:s20+$0x8010];
	v19 =	vadd.f32 v19, v3  }
0x143: {  	v13 =	vnsel vm0, $0x0, v13;
	v17 =	vsub.f32 v9, v17;
	v30 =	vld [tilespmem:s20+$0x20];
	v14 =	vmul.f32 v14, v4  }
0x144: {  	v31 =	vmin.u32 v13, $0x7F;
	v13 =	vadd.f32 v20, v3;
	v9 =	vld [tilespmem:s20+$0x0];
	v11 =	vsub.f32 v11, v19  }
0x145: {  	v17 =	vmul.f32 v17, v24;
	v32 =	vld [tilespmem:s20+$0x10];
	v19 =	vsub.f32 v18, v3;
	v14 =	vtrunc.f32 v14  }
0x146: {  	v33 =	vshll.u32 v31, $0x4;
	v20 =	vsub.f32 v16, v3;
	[tilespmem:v15+s0+$0x0] =	vst.idx.add.f32.msk $0xffff, v22;
	v15 =	vsub.f32 v8, v13  }
0x147: {  	v13 =	vsub.f32 v27, v3;
	v14 =	vcvt.f32.s32 v14;
	v19 =	vmul.f32 v19, v4;
	[tilespmem:v28+s29+$0x0] =	vst.idx.add.f32.msk $0xffff, v2  }
0x148: {  	v26 =	vor.u32 v1, v26;
	v20 =	vmul.f32 v20, v4;
	v22 =	vcvt.s32.f32 v31;
	[tilespmem:v28+s5+$0x0] =	vst.idx.add.f32.msk $0xffff, v11  }
0x149: {  	v34 =	vcvt.s32.f32 v23;
	v8 =	vmovc v25;
	v31 =	vsub.f32 v30, v3;
	v11 =	vmovc v29;
	v28 =	vsub.f32 v9, v3  }
0x14a: {  	v20 =	vtrunc.f32 v20;
	v29 =	vsub.f32 v11, v3;
	v25 =	vsub.f32 v32, v3;
	[tilespmem:v21+s3+$0x0] =	vst.idx.add.f32.msk $0xffff, v24  }
0x14b: {  	v20 =	vcvt.f32.s32 v20;
	v24 =	vor.u32 v1, v33;
	[tilespmem:v21+s0+$0x0] =	vst.idx.add.f32.msk $0xffff, v17;
	v17 =	vmul.f32 v34, v5  }
0x14c: {  	v23 =	vshll.u32 v23, $0x4;
	v21 =	vmul.f32 v28, v4;
	v25 =	vmul.f32 v25, v4;
	v28 =	vld [tilespmem:s19+$0x10020];
	s19 =	smov.u32 s20  }
0x14d: {  	v23 =	vor.u32 v1, v23;
	vm0 =	vgt.s32 v20, $0x0;
	v17 =	vadd.f32 v17, v3;
	[tilespmem:v26+s29+$0x0] =	vst.idx.add.f32.msk $0xffff, v2  }
0x14e: {  	v22 =	vmul.f32 v22, v5;
	v19 =	vtrunc.f32 v19;
	v20 =	vnsel vm0, $0x0, v20;
	[tilespmem:v26+s5+$0x0] =	vst.idx.add.f32.msk $0xffff, v15  }
0x14f: {  	v15 =	vtrunc.f32 v25;
	v25 =	vmul.f32 v29, v4;
	v26 =	vsub.f32 v7, v17;
	v7 =	vmovc v30  }
0x150: {  	v19 =	vcvt.f32.s32 v19;
	v20 =	vmin.u32 v20, $0x7F;
	v29 =	vmul.f32 v31, v4;
	[tilespmem:v24+s29+$0x0] =	vst.idx.add.f32.msk $0xffff, v2  }
0x151: {  	v22 =	vadd.f32 v22, v3;
	v30 =	vcvt.s32.f32 v20;
	v17 =	vld [tilespmem:s19+$0x10030];
	v26 =	vmul.f32 v26, v28  }
0x152: {  	vm0 =	vgt.s32 v19, $0x0;
	v15 =	vcvt.f32.s32 v15;
	v29 =	vtrunc.f32 v29;
	[tilespmem:v23+s3+$0x0] =	vst.idx.add.f32.msk $0xffff, v28  }
0x153: {  	v22 =	vsub.f32 v6, v22;
	v6 =	vmovc v27;
	v21 =	vtrunc.f32 v21;
	v19 =	vnsel vm0, $0x0, v19;
	[tilespmem:v23+s0+$0x0] =	vst.idx.add.f32.msk $0xffff, v26  }
0x154: {  	v19 =	vmin.u32 v19, $0x7F;
	vm0 =	vgt.s32 v15, $0x0;
	v23 =	vmul.f32 v30, v5;
	[tilespmem:v10+s29+$0x0] =	vst.idx.add.f32.msk $0xffff, v2  }
0x155: {  	v25 =	vtrunc.f32 v25;
	v15 =	vnsel vm0, $0x0, v15;
	v26 =	vshll.u32 v19, $0x4;
	[tilespmem:v24+s5+$0x0] =	vst.idx.add.f32.msk $0xffff, v22  }
0x156: {  	v15 =	vmin.u32 v15, $0x7F;
	v19 =	vcvt.s32.f32 v19;
	v22 =	vadd.f32 v23, v3;
	[tilespmem:v10+s5+$0x0] =	vst.idx.add.f32.msk $0xffff, v12  }
0x157: {  	v20 =	vshll.u32 v20, $0x4;
	v12 =	vcvt.s32.f32 v15;
	v10 =	vshll.u32 v15, $0x4  }
0x158: {  	v23 =	vmul.f32 v19, v5;
	v15 =	vor.u32 v1, v10;
	v10 =	vor.u32 v1, v26  }
.Ltmp15:
0x159: {  	v19 =	vor.u32 v1, v20;
	v20 =	vsub.f32 v16, v22;
	v12 =	vmul.f32 v12, v5;
	(pc) =	sbr.rel @p0 .LBB2_29-.Ltmp15, $4  }
0x15a: {  	v21 =	vcvt.f32.s32 v21;
	v24 =	vcvt.f32.s32 v29;
	v22 =	vadd.f32 v23, v3;
	v16 =	vld [tilespmem:s19+$0x10010]  }
0x15b: {  	vm0 =	vgt.s32 v14, $0x0;
	v20 =	vmul.f32 v20, v17;
	v23 =	vadd.f32 v12, v3  }
0x15c: {  	vm1 =	vgt.s32 v21, $0x0;
	vm2 =	vgt.s32 v24, $0x0;
	v12 =	vsub.f32 v18, v22  }
0x15d: {  	s2 =	sadd.s32 $0x100, s2;
	s4 =	sadd.s32 $0x40, s4;
	v18 =	vcvt.f32.s32 v25;
	v22 =	vsub.f32 v32, v23;
	v23 =	vnsel vm2, $0x0, v24  }
0x15e: {  	v21 =	vnsel vm1, $0x0, v21  }
0x15f: {  	v23 =	vmin.u32 v23, $0x7F;
	v14 =	vnsel vm0, $0x0, v14;
	v13 =	vmul.f32 v13, v4  }
0x160: {  	vm14 =	vgt.s32 v18, $0x0;
	v22 =	vmul.f32 v22, v16;
	v21 =	vmin.u32 v21, $0x7F  }
0x161: {  	v14 =	vmin.u32 v14, $0x7F;
	v55 =	vcvt.s32.f32 v23;
	v18 =	vnsel vm14, $0x0, v18  }
0x162: {  	v13 =	vtrunc.f32 v13;
	v25 =	vcvt.s32.f32 v21;
	v21 =	vshll.u32 v21, $0x4  }
0x163: {  	[tilespmem:v19+s3+$0x0] =	vst.idx.add.f32.msk $0xffff, v17;
	v52 =	vcvt.s32.f32 v14;
	v14 =	vshll.u32 v14, $0x4;
	v18 =	vmin.u32 v18, $0x7F  }
0x164: {  	v53 =	vld [tilespmem:s19+$0x10000];
	v13 =	vcvt.f32.s32 v13;
	v21 =	vor.u32 v1, v21;
	v24 =	vcvt.s32.f32 v18  }
0x165: {  	v60 =	vld [tilespmem:s19+$0x10020];
	v14 =	vor.u32 v1, v14;
	v18 =	vshll.u32 v18, $0x4;
	v51 =	vmul.f32 v25, v5  }
0x166: {  	[tilespmem:v15+s3+$0x0] =	vst.idx.add.f32.msk $0xffff, v16;
	v18 =	vor.u32 v1, v18;
	vm15 =	vgt.s32 v13, $0x0;
	v50 =	vmul.f32 v24, v5  }
0x167: {  	[tilespmem:v19+s0+$0x0] =	vst.idx.add.f32.msk $0xffff, v20;
	v58 =	vmul.f32 v55, v5;
	v54 =	vmul.f32 v52, v5;
	v13 =	vnsel vm15, $0x0, v13  }
0x168: {  	[tilespmem:v15+s0+$0x0] =	vst.idx.add.f32.msk $0xffff, v22;
	v17 =	vadd.f32 v51, v3;
	v13 =	vmin.u32 v13, $0x7F;
	v16 =	vadd.f32 v50, v3  }
0x169: {  	v56 =	vadd.f32 v54, v3;
	v57 =	vshll.u32 v13, $0x4;
	v13 =	vcvt.s32.f32 v13;
	[tilespmem:v21+s3+$0x0] =	vst.idx.add.f32.msk $0xffff, v53  }
0x16a: {  	v9 =	vsub.f32 v9, v17;
	[tilespmem:v14+s29+$0x0] =	vst.idx.add.f32.msk $0xffff, v2;
	v11 =	vsub.f32 v11, v16  }
0x16b: {  	v59 =	vor.u32 v1, v57;
	[tilespmem:v18+s29+$0x0] =	vst.idx.add.f32.msk $0xffff, v2;
	v62 =	vmul.f32 v13, v5  }
0x16c: {  	v61 =	vshll.u32 v23, $0x4;
	v8 =	vsub.f32 v8, v56;
	v9 =	vmul.f32 v9, v53;
	[tilespmem:v18+s5+$0x0] =	vst.idx.add.f32.msk $0xffff, v11  }
0x16d: {  	v11 =	vadd.f32 v58, v3;
	v18 =	vor.u32 v1, v61;
	v63 =	vadd.f32 v62, v3  }
0x16e: {  	[tilespmem:v14+s5+$0x0] =	vst.idx.add.f32.msk $0xffff, v8  }
0x16f: {  	[tilespmem:v21+s0+$0x0] =	vst.idx.add.f32.msk $0xffff, v9;
	v7 =	vsub.f32 v7, v11;
	v6 =	vsub.f32 v6, v63  }
0x170: {  	p0 =	seq.s32 s26, $0x7;
	[tilespmem:v59+s29+$0x0] =	vst.idx.add.f32.msk $0xffff, v2  }
.Ltmp16:
0x171: {  	v7 =	vmul.f32 v7, v60;
	[tilespmem:v59+s5+$0x0] =	vst.idx.add.f32.msk $0xffff, v6;
	(pc) =	sbr.rel @p0 .LBB2_38-.Ltmp16, $4  }
0x172: {  	[tilespmem:v18+s3+$0x0] =	vst.idx.add.f32.msk $0xffff, v60  }
0x173: {  	[tilespmem:v18+s0+$0x0] =	vst.idx.add.f32.msk $0xffff, v7  }
0x174: {  	[tilespmem:v10+s29+$0x0] =	vst.idx.add.f32.msk $0xffff, v2  }
0x175: {  	s30 =	sshll.u32 s26, $0xF;
	[tilespmem:v10+s5+$0x0] =	vst.idx.add.f32.msk $0xffff, v12  }
0x176: {  	s1 =	rddreg [dreg:$0x5]  }
0x177: {  	s1 =	sadd.s32 s30, s1  }
0x178: {  	s2 =	rddreg [dreg:$0x0];
	s1 =	sshrl.u32 s1, $0x3  }
0x179: {  	s4 =	simm.s32 $0x0;
	s2 =	sadd.s32 s2, s1  }
0x17a: {  	s19 =	simm.s32 $0x10;
	s20 =	simm.s32 $0x200;
	s21 =	sadd.s32 $0x0, s2  }
.LBB2_32:
0x17b: {  	[tilespmem:s4], [sflag:$0x1] =	stream.linear.gather [hbm4b:s21+s6], $0x80, $0x38;
	[tilespmem:$0x1C000] =	vst v63  }
0x17c: {  	s21 =	smov.u32 s19;
	s4 =	smov.u32 s20;
	p1 =	sne.s32 s19, $0x3F0  }
.Ltmp17:
0x17d: {  	s19 =	sadd.s32 $0x10, s19;
	(pc) =	sbr.rel @p1 .LBB2_32-.Ltmp17, $2  }
0x17e: {  	_ =	sdelay $0x2  }
0x17f: {  	s20 =	sadd.s32 $0x200, s20;
	s21 =	sadd.s32 s21, s2  }
0x180: {  	[tilespmem:s4], [sflag:$0x1] =	stream.linear.gather [hbm4b:s21+s6], $0x80, $0x38;
	[tilespmem:$0x1C000] =	vst v63  }
0x181: {  	s2 =	rddreg [dreg:$0x1]  }
0x182: {  	s4 =	simm.s32 $0x8000;
	s2 =	sadd.s32 s2, s1  }
0x183: {  	s19 =	simm.s32 $0x10;
	s20 =	simm.s32 $0x8200;
	s21 =	sadd.s32 $0x0, s2  }
.LBB2_34:
0x184: {  	[tilespmem:s4], [sflag:$0x1] =	stream.linear.gather [hbm4b:s21+s6], $0x80, $0x38;
	[tilespmem:$0x1C000] =	vst v63  }
0x185: {  	s21 =	smov.u32 s19;
	s4 =	smov.u32 s20;
	p1 =	sne.s32 s19, $0x3F0  }
.Ltmp18:
0x186: {  	s19 =	sadd.s32 $0x10, s19;
	(pc) =	sbr.rel @p1 .LBB2_34-.Ltmp18, $2  }
0x187: {  	_ =	sdelay $0x2  }
0x188: {  	s20 =	sadd.s32 $0x200, s20;
	s21 =	sadd.s32 s21, s2  }
0x189: {  	[tilespmem:s4], [sflag:$0x1] =	stream.linear.gather [hbm4b:s21+s6], $0x80, $0x38;
	[tilespmem:$0x1C000] =	vst v63  }
0x18a: {  	s2 =	rddreg [dreg:$0x2]  }
0x18b: {  	s4 =	simm.s32 $0x10;
	s1 =	sadd.s32 s2, s1  }
0x18c: {  	s19 =	simm.s32 $0x10200;
	s2 =	simm.s32 $0x10000;
	s20 =	sadd.s32 $0x0, s1  }
.LBB2_36:
0x18d: {  	[tilespmem:s2], [sflag:$0x1] =	stream.linear.gather [hbm4b:s20+s6], $0x80, $0x38;
	[tilespmem:$0x1C000] =	vst v63  }
0x18e: {  	s20 =	smov.u32 s4;
	s2 =	smov.u32 s19;
	p1 =	sne.s32 s4, $0x3F0  }
.Ltmp19:
0x18f: {  	s4 =	sadd.s32 $0x10, s4;
	(pc) =	sbr.rel @p1 .LBB2_36-.Ltmp19, $2  }
0x190: {  	_ =	sdelay $0x2  }
0x191: {  	s19 =	sadd.s32 $0x200, s19;
	s20 =	sadd.s32 s20, s1  }
0x192: {  	[tilespmem:s2], [sflag:$0x1] =	stream.linear.gather [hbm4b:s20+s6], $0x80, $0x38;
	[tilespmem:$0x1C000] =	vst v63  }
.LBB2_38:
0x193: {  	_ =	swait.ge [sflag:s23], $0x2000  }
0x194: {  	[sflag:s23] =	ssyncset.done $0x0  }
0x195: {  	[sflag:s23] =	ssyncadd.s32 $0xFFFFE000  }
0x196: {  	_ =	swait.ge [sflag:s23], $0x2000  }
0x197: {  	[sflag:s23] =	ssyncset.done $0x0  }
0x198: {  	[sflag:s23] =	ssyncadd.s32 $0xFFFFE000  }
0x199: {  	s1 =	simm.s32 $0x0;
	_ =	swait.ge [sflag:s23], $0x2000  }
0x19a: {  	s2 =	sand.u32 $0x40, s1;
	s1 =	sand.u32 $0x7E00, s1;
	[sflag:s23] =	ssyncset.done $0x0  }
0x19b: {  	s19 =	sor.u32 s2, s1;
	[sflag:s23] =	ssyncadd.s32 $0xFFFFE000  }
0x19c: {  	v8 =	vld [tilespmem:s19+$0x80B0]  }
0x19d: {  	v12 =	vld [tilespmem:s19+$0xB0]  }
0x19e: {  	v16 =	vld [tilespmem:s19+$0x80A0]  }
0x19f: {  	v11 =	vld [tilespmem:s19+$0x8090]  }
0x1a0: {  	v22 =	vld [tilespmem:s19+$0x90]  }
0x1a1: {  	v7 =	vld [tilespmem:s19+$0xA0];
	_ =	sdelay $0x1  }
0x1a2: {  	v10 =	vsub.f32 v8, v3  }
0x1a3: {  	v13 =	vsub.f32 v12, v3;
	v14 =	vsub.f32 v16, v3  }
0x1a4: {  	v18 =	vsub.f32 v22, v3;
	v20 =	vsub.f32 v11, v3;
	v10 =	vmul.f32 v10, v4  }
0x1a5: {  	v9 =	vld [tilespmem:s19+$0x80];
	v19 =	vsub.f32 v7, v3;
	v15 =	vmul.f32 v13, v4;
	v17 =	vmul.f32 v14, v4  }
0x1a6: {  	v18 =	vmul.f32 v18, v4;
	v20 =	vmul.f32 v20, v4  }
0x1a7: {  	v19 =	vmul.f32 v19, v4;
	v15 =	vtrunc.f32 v15  }
0x1a8: {  	v10 =	vtrunc.f32 v10;
	v15 =	vcvt.f32.s32 v15  }
0x1a9: {  	v17 =	vtrunc.f32 v17;
	v18 =	vtrunc.f32 v18  }
0x1aa: {  	v14 =	vcvt.f32.s32 v10;
	v10 =	vsub.f32 v9, v3;
	vm0 =	vgt.s32 v15, $0x0  }
0x1ab: {  	v23 =	vtrunc.f32 v19;
	v17 =	vcvt.f32.s32 v17;
	v15 =	vnsel vm0, $0x0, v15  }
0x1ac: {  	v18 =	vcvt.f32.s32 v18;
	v10 =	vmul.f32 v10, v4;
	v15 =	vmin.u32 v15, $0x7F  }
0x1ad: {  	v25 =	vtrunc.f32 v20;
	vm0 =	vgt.s32 v17, $0x0;
	v21 =	vcvt.s32.f32 v15  }
0x1ae: {  	v24 =	vtrunc.f32 v10;
	v10 =	vnsel vm0, $0x0, v17;
	vm0 =	vgt.s32 v18, $0x0  }
0x1af: {  	v10 =	vmin.u32 v10, $0x7F;
	v18 =	vnsel vm0, $0x0, v18;
	v19 =	vmul.f32 v21, v5  }
0x1b0: {  	v20 =	vshll.u32 v10, $0x4;
	v18 =	vmin.u32 v18, $0x7F;
	v10 =	vcvt.s32.f32 v10  }
0x1b1: {  	v17 =	vld [tilespmem:s19+$0x100B0];
	v21 =	vadd.f32 v19, v3;
	v19 =	vcvt.s32.f32 v18;
	v18 =	vshll.u32 v18, $0x4  }
0x1b2: {  	v6 =	vld [tilespmem:s19+$0x8080];
	v26 =	vshll.u32 v15, $0x4;
	v15 =	vor.u32 v1, v18;
	v18 =	vmul.f32 v10, v5  }
0x1b3: {  	v10 =	vor.u32 v1, v20  }
0x1b4: {  	v20 =	vmul.f32 v19, v5;
	v12 =	vsub.f32 v12, v21;
	v18 =	vadd.f32 v18, v3  }
0x1b5: {  	v23 =	vcvt.f32.s32 v23  }
0x1b6: {  	v63 =	vadd.f32 v20, v3;
	v20 =	vmul.f32 v12, v17;
	v12 =	vsub.f32 v16, v18;
	v16 =	vld [tilespmem:s19+$0x10090]  }
0x1b7: {  	v13 =	vsub.f32 v6, v3;
	vm2 =	vgt.s32 v23, $0x0;
	v21 =	vcvt.f32.s32 v24  }
0x1b8: {  	v23 =	vnsel vm2, $0x0, v23;
	vm0 =	vgt.s32 v14, $0x0;
	v19 =	vor.u32 v1, v26  }
0x1b9: {  	s4 =	simm.s32 $0x40;
	s1 =	simm.s32 $0x0;
	s2 =	simm.s32 $0x100;
	vm1 =	vgt.s32 v21, $0x0;
	v18 =	vcvt.f32.s32 v25;
	v22 =	vsub.f32 v22, v63  }
.LBB2_39:
0x1ba: {  	s20 =	sand.u32 $0x40, s4;
	s21 =	sand.u32 $0x7E00, s2;
	s1 =	sadd.s32 $0x4, s1;
	v24 =	vld [tilespmem:s19+$0x10080];
	v21 =	vnsel vm1, $0x0, v21;
	v23 =	vmin.u32 v23, $0x7F;
	v14 =	vnsel vm0, $0x0, v14  }
0x1bb: {  	v13 =	vmul.f32 v13, v4;
	s20 =	sor.u32 s20, s21;
	p1 =	slt.u32 s1, $0x1FC;
	vm0 =	vgt.s32 v18, $0x0;
	[tilespmem:v15+s3+$0x0] =	vst.idx.add.f32.msk $0xffff, v16;
	v22 =	vmul.f32 v22, v16  }
0x1bc: {  	v21 =	vmin.u32 v21, $0x7F;
	v14 =	vmin.u32 v14, $0x7F;
	v25 =	vld [tilespmem:s20+$0x80B0];
	v18 =	vnsel vm0, $0x0, v18  }
0x1bd: {  	v13 =	vtrunc.f32 v13;
	v26 =	vcvt.s32.f32 v21;
	v16 =	vld [tilespmem:s20+$0xB0];
	v18 =	vmin.u32 v18, $0x7F  }
0x1be: {  	v21 =	vshll.u32 v21, $0x4;
	v27 =	vcvt.s32.f32 v18;
	v28 =	vshll.u32 v18, $0x4;
	[tilespmem:v19+s3+$0x0] =	vst.idx.add.f32.msk $0xffff, v17  }
0x1bf: {  	v13 =	vcvt.f32.s32 v13;
	v21 =	vor.u32 v1, v21;
	v17 =	vmul.f32 v26, v5;
	[tilespmem:v19+s0+$0x0] =	vst.idx.add.f32.msk $0xffff, v20  }
0x1c0: {  	v26 =	vshll.u32 v14, $0x4;
	v20 =	vcvt.s32.f32 v14;
	v18 =	vld [tilespmem:s20+$0x80A0];
	v19 =	vmul.f32 v27, v5  }
0x1c1: {  	vm0 =	vgt.s32 v13, $0x0;
	v17 =	vadd.f32 v17, v3;
	v27 =	vld [tilespmem:s20+$0x8080];
	v14 =	vsub.f32 v25, v3  }
0x1c2: {  	v28 =	vor.u32 v1, v28;
	v20 =	vmul.f32 v20, v5;
	v29 =	vld [tilespmem:s20+$0x8090];
	v19 =	vadd.f32 v19, v3  }
0x1c3: {  	v13 =	vnsel vm0, $0x0, v13;
	v17 =	vsub.f32 v9, v17;
	v30 =	vld [tilespmem:s20+$0xA0];
	v14 =	vmul.f32 v14, v4  }
0x1c4: {  	v31 =	vmin.u32 v13, $0x7F;
	v13 =	vadd.f32 v20, v3;
	v9 =	vld [tilespmem:s20+$0x80];
	v11 =	vsub.f32 v11, v19  }
0x1c5: {  	v17 =	vmul.f32 v17, v24;
	v32 =	vld [tilespmem:s20+$0x90];
	v19 =	vsub.f32 v18, v3;
	v14 =	vtrunc.f32 v14  }
0x1c6: {  	v33 =	vshll.u32 v31, $0x4;
	v20 =	vsub.f32 v16, v3;
	[tilespmem:v15+s0+$0x0] =	vst.idx.add.f32.msk $0xffff, v22;
	v15 =	vsub.f32 v8, v13  }
0x1c7: {  	v13 =	vsub.f32 v27, v3;
	v14 =	vcvt.f32.s32 v14;
	v19 =	vmul.f32 v19, v4;
	[tilespmem:v28+s29+$0x0] =	vst.idx.add.f32.msk $0xffff, v2  }
0x1c8: {  	v26 =	vor.u32 v1, v26;
	v20 =	vmul.f32 v20, v4;
	v22 =	vcvt.s32.f32 v31;
	[tilespmem:v28+s5+$0x0] =	vst.idx.add.f32.msk $0xffff, v11  }
0x1c9: {  	v34 =	vcvt.s32.f32 v23;
	v8 =	vmovc v25;
	v31 =	vsub.f32 v30, v3;
	v11 =	vmovc v29;
	v28 =	vsub.f32 v9, v3  }
0x1ca: {  	v20 =	vtrunc.f32 v20;
	v29 =	vsub.f32 v11, v3;
	v25 =	vsub.f32 v32, v3;
	[tilespmem:v21+s3+$0x0] =	vst.idx.add.f32.msk $0xffff, v24  }
0x1cb: {  	v20 =	vcvt.f32.s32 v20;
	v24 =	vor.u32 v1, v33;
	[tilespmem:v21+s0+$0x0] =	vst.idx.add.f32.msk $0xffff, v17;
	v17 =	vmul.f32 v34, v5  }
0x1cc: {  	v23 =	vshll.u32 v23, $0x4;
	v21 =	vmul.f32 v28, v4;
	v25 =	vmul.f32 v25, v4;
	v28 =	vld [tilespmem:s19+$0x100A0];
	s19 =	smov.u32 s20  }
0x1cd: {  	v23 =	vor.u32 v1, v23;
	vm0 =	vgt.s32 v20, $0x0;
	v17 =	vadd.f32 v17, v3;
	[tilespmem:v26+s29+$0x0] =	vst.idx.add.f32.msk $0xffff, v2  }
0x1ce: {  	v22 =	vmul.f32 v22, v5;
	v19 =	vtrunc.f32 v19;
	v20 =	vnsel vm0, $0x0, v20;
	[tilespmem:v26+s5+$0x0] =	vst.idx.add.f32.msk $0xffff, v15  }
0x1cf: {  	v15 =	vtrunc.f32 v25;
	v25 =	vmul.f32 v29, v4;
	v26 =	vsub.f32 v7, v17;
	v7 =	vmovc v30  }
0x1d0: {  	v19 =	vcvt.f32.s32 v19;
	v20 =	vmin.u32 v20, $0x7F;
	v29 =	vmul.f32 v31, v4;
	[tilespmem:v24+s29+$0x0] =	vst.idx.add.f32.msk $0xffff, v2  }
0x1d1: {  	v22 =	vadd.f32 v22, v3;
	v30 =	vcvt.s32.f32 v20;
	v17 =	vld [tilespmem:s19+$0x100B0];
	v26 =	vmul.f32 v26, v28  }
0x1d2: {  	vm0 =	vgt.s32 v19, $0x0;
	v15 =	vcvt.f32.s32 v15;
	v29 =	vtrunc.f32 v29;
	[tilespmem:v23+s3+$0x0] =	vst.idx.add.f32.msk $0xffff, v28  }
0x1d3: {  	v22 =	vsub.f32 v6, v22;
	v6 =	vmovc v27;
	v21 =	vtrunc.f32 v21;
	v19 =	vnsel vm0, $0x0, v19;
	[tilespmem:v23+s0+$0x0] =	vst.idx.add.f32.msk $0xffff, v26  }
0x1d4: {  	v19 =	vmin.u32 v19, $0x7F;
	vm0 =	vgt.s32 v15, $0x0;
	v23 =	vmul.f32 v30, v5;
	[tilespmem:v10+s29+$0x0] =	vst.idx.add.f32.msk $0xffff, v2  }
0x1d5: {  	v25 =	vtrunc.f32 v25;
	v15 =	vnsel vm0, $0x0, v15;
	v26 =	vshll.u32 v19, $0x4;
	[tilespmem:v24+s5+$0x0] =	vst.idx.add.f32.msk $0xffff, v22  }
0x1d6: {  	v15 =	vmin.u32 v15, $0x7F;
	v19 =	vcvt.s32.f32 v19;
	v22 =	vadd.f32 v23, v3;
	[tilespmem:v10+s5+$0x0] =	vst.idx.add.f32.msk $0xffff, v12  }
0x1d7: {  	v20 =	vshll.u32 v20, $0x4;
	v12 =	vcvt.s32.f32 v15;
	v10 =	vshll.u32 v15, $0x4  }
0x1d8: {  	v23 =	vmul.f32 v19, v5;
	v15 =	vor.u32 v1, v10;
	v10 =	vor.u32 v1, v26  }
.Ltmp20:
0x1d9: {  	v19 =	vor.u32 v1, v20;
	v20 =	vsub.f32 v16, v22;
	v12 =	vmul.f32 v12, v5;
	(pc) =	sbr.rel @p1 .LBB2_39-.Ltmp20, $4  }
0x1da: {  	v21 =	vcvt.f32.s32 v21;
	v24 =	vcvt.f32.s32 v29;
	v22 =	vadd.f32 v23, v3;
	v16 =	vld [tilespmem:s19+$0x10090]  }
0x1db: {  	vm0 =	vgt.s32 v14, $0x0;
	v20 =	vmul.f32 v20, v17;
	v23 =	vadd.f32 v12, v3  }
0x1dc: {  	vm1 =	vgt.s32 v21, $0x0;
	vm2 =	vgt.s32 v24, $0x0;
	v12 =	vsub.f32 v18, v22  }
0x1dd: {  	s2 =	sadd.s32 $0x100, s2;
	s4 =	sadd.s32 $0x40, s4;
	v18 =	vcvt.f32.s32 v25;
	v22 =	vsub.f32 v32, v23;
	v23 =	vnsel vm2, $0x0, v24  }
0x1de: {  	v21 =	vnsel vm1, $0x0, v21  }
0x1df: {  	v23 =	vmin.u32 v23, $0x7F;
	v14 =	vnsel vm0, $0x0, v14;
	v13 =	vmul.f32 v13, v4  }
0x1e0: {  	vm14 =	vgt.s32 v18, $0x0;
	v22 =	vmul.f32 v22, v16;
	v21 =	vmin.u32 v21, $0x7F  }
0x1e1: {  	v14 =	vmin.u32 v14, $0x7F;
	v55 =	vcvt.s32.f32 v23;
	v18 =	vnsel vm14, $0x0, v18  }
0x1e2: {  	v13 =	vtrunc.f32 v13;
	v25 =	vcvt.s32.f32 v21;
	v21 =	vshll.u32 v21, $0x4  }
0x1e3: {  	[tilespmem:v19+s3+$0x0] =	vst.idx.add.f32.msk $0xffff, v17;
	v52 =	vcvt.s32.f32 v14;
	v14 =	vshll.u32 v14, $0x4;
	v18 =	vmin.u32 v18, $0x7F  }
0x1e4: {  	v53 =	vld [tilespmem:s19+$0x10080];
	v13 =	vcvt.f32.s32 v13;
	v21 =	vor.u32 v1, v21;
	v24 =	vcvt.s32.f32 v18  }
0x1e5: {  	v60 =	vld [tilespmem:s19+$0x100A0];
	v14 =	vor.u32 v1, v14;
	v18 =	vshll.u32 v18, $0x4;
	v51 =	vmul.f32 v25, v5  }
0x1e6: {  	[tilespmem:v15+s3+$0x0] =	vst.idx.add.f32.msk $0xffff, v16;
	v18 =	vor.u32 v1, v18;
	vm15 =	vgt.s32 v13, $0x0;
	v50 =	vmul.f32 v24, v5  }
0x1e7: {  	[tilespmem:v19+s0+$0x0] =	vst.idx.add.f32.msk $0xffff, v20;
	v58 =	vmul.f32 v55, v5;
	v54 =	vmul.f32 v52, v5;
	v13 =	vnsel vm15, $0x0, v13  }
0x1e8: {  	[tilespmem:v15+s0+$0x0] =	vst.idx.add.f32.msk $0xffff, v22;
	v17 =	vadd.f32 v51, v3;
	v13 =	vmin.u32 v13, $0x7F;
	v16 =	vadd.f32 v50, v3  }
0x1e9: {  	v56 =	vadd.f32 v54, v3;
	v57 =	vshll.u32 v13, $0x4;
	v13 =	vcvt.s32.f32 v13;
	[tilespmem:v21+s3+$0x0] =	vst.idx.add.f32.msk $0xffff, v53  }
0x1ea: {  	v9 =	vsub.f32 v9, v17;
	[tilespmem:v14+s29+$0x0] =	vst.idx.add.f32.msk $0xffff, v2;
	v11 =	vsub.f32 v11, v16  }
0x1eb: {  	v59 =	vor.u32 v1, v57;
	[tilespmem:v18+s29+$0x0] =	vst.idx.add.f32.msk $0xffff, v2;
	v62 =	vmul.f32 v13, v5  }
0x1ec: {  	v61 =	vshll.u32 v23, $0x4;
	v8 =	vsub.f32 v8, v56;
	v9 =	vmul.f32 v9, v53;
	[tilespmem:v18+s5+$0x0] =	vst.idx.add.f32.msk $0xffff, v11  }
0x1ed: {  	v11 =	vadd.f32 v58, v3;
	v18 =	vor.u32 v1, v61;
	v63 =	vadd.f32 v62, v3  }
0x1ee: {  	[tilespmem:v14+s5+$0x0] =	vst.idx.add.f32.msk $0xffff, v8  }
0x1ef: {  	[tilespmem:v21+s0+$0x0] =	vst.idx.add.f32.msk $0xffff, v9;
	v7 =	vsub.f32 v7, v11;
	v6 =	vsub.f32 v6, v63  }
0x1f0: {  	[tilespmem:v59+s29+$0x0] =	vst.idx.add.f32.msk $0xffff, v2  }
.Ltmp21:
0x1f1: {  	v7 =	vmul.f32 v7, v60;
	[tilespmem:v59+s5+$0x0] =	vst.idx.add.f32.msk $0xffff, v6;
	(pc) =	sbr.rel @p0 .LBB2_48-.Ltmp21, $4  }
0x1f2: {  	[tilespmem:v18+s3+$0x0] =	vst.idx.add.f32.msk $0xffff, v60  }
0x1f3: {  	[tilespmem:v18+s0+$0x0] =	vst.idx.add.f32.msk $0xffff, v7  }
0x1f4: {  	[tilespmem:v10+s29+$0x0] =	vst.idx.add.f32.msk $0xffff, v2  }
0x1f5: {  	[tilespmem:v10+s5+$0x0] =	vst.idx.add.f32.msk $0xffff, v12  }
0x1f6: {  	s1 =	rddreg [dreg:$0x6]  }
0x1f7: {  	s1 =	sadd.s32 s30, s1  }
0x1f8: {  	s2 =	rddreg [dreg:$0x0];
	s1 =	sshrl.u32 s1, $0x3  }
0x1f9: {  	s4 =	simm.s32 $0x80;
	s2 =	sadd.s32 s2, s1  }
0x1fa: {  	s19 =	simm.s32 $0x10;
	s20 =	simm.s32 $0x280;
	s21 =	sadd.s32 $0x0, s2  }
.LBB2_42:
0x1fb: {  	[tilespmem:s4], [sflag:$0x2] =	stream.linear.gather [hbm4b:s21+s6], $0x80, $0x38;
	[tilespmem:$0x1C000] =	vst v63  }
0x1fc: {  	s21 =	smov.u32 s19;
	s4 =	smov.u32 s20;
	p1 =	sne.s32 s19, $0x3F0  }
.Ltmp22:
0x1fd: {  	s19 =	sadd.s32 $0x10, s19;
	(pc) =	sbr.rel @p1 .LBB2_42-.Ltmp22, $2  }
0x1fe: {  	_ =	sdelay $0x2  }
0x1ff: {  	s20 =	sadd.s32 $0x200, s20;
	s21 =	sadd.s32 s21, s2  }
0x200: {  	[tilespmem:s4], [sflag:$0x2] =	stream.linear.gather [hbm4b:s21+s6], $0x80, $0x38;
	[tilespmem:$0x1C000] =	vst v63  }
0x201: {  	s2 =	rddreg [dreg:$0x1]  }
0x202: {  	s4 =	simm.s32 $0x8080;
	s2 =	sadd.s32 s2, s1  }
0x203: {  	s19 =	simm.s32 $0x10;
	s20 =	simm.s32 $0x8280;
	s21 =	sadd.s32 $0x0, s2  }
.LBB2_44:
0x204: {  	[tilespmem:s4], [sflag:$0x2] =	stream.linear.gather [hbm4b:s21+s6], $0x80, $0x38;
	[tilespmem:$0x1C000] =	vst v63  }
0x205: {  	s21 =	smov.u32 s19;
	s4 =	smov.u32 s20;
	p1 =	sne.s32 s19, $0x3F0  }
.Ltmp23:
0x206: {  	s19 =	sadd.s32 $0x10, s19;
	(pc) =	sbr.rel @p1 .LBB2_44-.Ltmp23, $2  }
0x207: {  	_ =	sdelay $0x2  }
0x208: {  	s20 =	sadd.s32 $0x200, s20;
	s21 =	sadd.s32 s21, s2  }
0x209: {  	[tilespmem:s4], [sflag:$0x2] =	stream.linear.gather [hbm4b:s21+s6], $0x80, $0x38;
	[tilespmem:$0x1C000] =	vst v63  }
0x20a: {  	s2 =	rddreg [dreg:$0x2]  }
0x20b: {  	s4 =	simm.s32 $0x10;
	s1 =	sadd.s32 s2, s1  }
0x20c: {  	s19 =	simm.s32 $0x10280;
	s2 =	simm.s32 $0x10080;
	s20 =	sadd.s32 $0x0, s1  }
.LBB2_46:
0x20d: {  	[tilespmem:s2], [sflag:$0x2] =	stream.linear.gather [hbm4b:s20+s6], $0x80, $0x38;
	[tilespmem:$0x1C000] =	vst v63  }
0x20e: {  	s20 =	smov.u32 s4;
	s2 =	smov.u32 s19;
	p1 =	sne.s32 s4, $0x3F0  }
.Ltmp24:
0x20f: {  	s4 =	sadd.s32 $0x10, s4;
	(pc) =	sbr.rel @p1 .LBB2_46-.Ltmp24, $2  }
0x210: {  	_ =	sdelay $0x2  }
0x211: {  	s19 =	sadd.s32 $0x200, s19;
	s20 =	sadd.s32 s20, s1  }
0x212: {  	[tilespmem:s2], [sflag:$0x2] =	stream.linear.gather [hbm4b:s20+s6], $0x80, $0x38;
	[tilespmem:$0x1C000] =	vst v63  }
.LBB2_48:
0x213: {  	_ =	swait.ge [sflag:s24], $0x2000  }
0x214: {  	[sflag:s24] =	ssyncset.done $0x0  }
0x215: {  	[sflag:s24] =	ssyncadd.s32 $0xFFFFE000  }
0x216: {  	_ =	swait.ge [sflag:s24], $0x2000  }
0x217: {  	p1 =	por $0x0, $0x0;
	s1 =	simm.s32 $0x1;
	[sflag:s24] =	ssyncset.done $0x0  }
0x218: {  	s1 =	simm.s32 @!p1 $0x0;
	[sflag:s24] =	ssyncadd.s32 $0xFFFFE000  }
0x219: {  	s1 =	sshll.u32 s1, $0x6;
	_ =	swait.ge [sflag:s24], $0x2000  }
0x21a: {  	s1 =	sadd.s32 $0x0, s1;
	[sflag:s24] =	ssyncset.done $0x0  }
0x21b: {  	s19 =	sor.u32 $0x110, s1;
	[sflag:s24] =	ssyncadd.s32 $0xFFFFE000  }
0x21c: {  	s2 =	sor.u32 $0x130, s1;
	v8 =	vld [tilespmem:s19+$0x0]  }
0x21d: {  	s20 =	sor.u32 $0x100, s1;
	v7 =	vld [tilespmem:s2+$0x8000]  }
0x21e: {  	v24 =	vld [tilespmem:s20+$0x8000]  }
0x21f: {  	v6 =	vld [tilespmem:s20+$0x0]  }
0x220: {  	v27 =	vld [tilespmem:s19+$0x8000]  }
0x221: {  	p1 =	por !p1, !p1;
	s4 =	sor.u32 $0x120, s1;
	s1 =	simm.s32 $0x1;
	v26 =	vld [tilespmem:s2+$0x0]  }
0x222: {  	s1 =	simm.s32 @!p1 $0x0  }
0x223: {  	s1 =	sshll.u32 s1, $0x6;
	v9 =	vsub.f32 v8, v3  }
0x224: {  	s21 =	sadd.s32 $0x100, s1;
	v10 =	vsub.f32 v7, v3;
	v11 =	vsub.f32 v24, v3  }
0x225: {  	s1 =	sor.u32 $0x110, s21;
	v29 =	vld [tilespmem:s4+$0x8000];
	v12 =	vsub.f32 v6, v3;
	v13 =	vsub.f32 v27, v3  }
0x226: {  	v19 =	vld [tilespmem:s1+$0x0];
	v14 =	vsub.f32 v26, v3;
	v9 =	vmul.f32 v9, v4;
	v10 =	vmul.f32 v10, v4  }
0x227: {  	v23 =	vld [tilespmem:s4+$0x0];
	v12 =	vmul.f32 v12, v4;
	v13 =	vmul.f32 v13, v4  }
0x228: {  	v11 =	vmul.f32 v11, v4;
	v14 =	vmul.f32 v14, v4  }
0x229: {  	v9 =	vtrunc.f32 v9;
	v12 =	vtrunc.f32 v12  }
0x22a: {  	v15 =	vsub.f32 v29, v3;
	v11 =	vtrunc.f32 v11;
	v10 =	vtrunc.f32 v10  }
0x22b: {  	v37 =	vsub.f32 v19, v3;
	v9 =	vcvt.f32.s32 v9;
	v20 =	vcvt.f32.s32 v12  }
0x22c: {  	v12 =	vcvt.f32.s32 v11;
	v11 =	vtrunc.f32 v14;
	v14 =	vsub.f32 v23, v3  }
0x22d: {  	v10 =	vcvt.f32.s32 v10;
	v11 =	vcvt.f32.s32 v11;
	vm0 =	vgt.s32 v9, $0x0  }
0x22e: {  	vm1 =	vgt.s32 v12, $0x0;
	v14 =	vmul.f32 v14, v4;
	v9 =	vnsel vm0, $0x0, v9  }
0x22f: {  	vm0 =	vgt.s32 v20, $0x0;
	vm2 =	vgt.s32 v11, $0x0;
	v9 =	vmin.u32 v9, $0x7F  }
0x230: {  	v11 =	vnsel vm2, $0x0, v11;
	vm2 =	vgt.s32 v10, $0x0;
	v42 =	vnsel vm0, $0x0, v20  }
0x231: {  	v16 =	vcvt.s32.f32 v9;
	v9 =	vshll.u32 v9, $0x4;
	v17 =	vmin.u32 v11, $0x7F  }
0x232: {  	v11 =	vtrunc.f32 v13;
	v10 =	vnsel vm2, $0x0, v10;
	v13 =	vtrunc.f32 v14  }
0x233: {  	v42 =	vmin.u32 v42, $0x7F;
	v18 =	vcvt.f32.s32 v11;
	v16 =	vmul.f32 v16, v5  }
0x234: {  	v30 =	vld [tilespmem:s19+$0x10000];
	v14 =	vmin.u32 v10, $0x7F;
	v10 =	vmul.f32 v15, v4;
	v11 =	vshll.u32 v17, $0x4  }
0x235: {  	v13 =	vcvt.f32.s32 v13;
	v32 =	vor.u32 v1, v9;
	v15 =	vadd.f32 v16, v3  }
0x236: {  	v11 =	vor.u32 v1, v11;
	vm2 =	vgt.s32 v18, $0x0;
	v10 =	vtrunc.f32 v10  }
0x237: {  	v16 =	vnsel vm2, $0x0, v18;
	v10 =	vcvt.f32.s32 v10;
	v8 =	vsub.f32 v8, v15  }
0x238: {  	vm2 =	vgt.s32 v13, $0x0;
	v18 =	vcvt.s32.f32 v14;
	v16 =	vmin.u32 v16, $0x7F  }
0x239: {  	v22 =	vcvt.s32.f32 v16;
	v34 =	vshll.u32 v16, $0x4;
	v33 =	vmul.f32 v8, v30  }
0x23a: {  	v8 =	vnsel vm2, $0x0, v13;
	vm2 =	vgt.s32 v10, $0x0;
	v13 =	vcvt.s32.f32 v17  }
0x23b: {  	v17 =	vnsel vm1, $0x0, v12;
	v22 =	vmul.f32 v22, v5;
	v9 =	vmin.u32 v8, $0x7F  }
0x23c: {  	s19 =	sor.u32 $0x100, s21;
	v59 =	vld [tilespmem:s4+$0x10000];
	v10 =	vnsel vm2, $0x0, v10;
	v17 =	vmin.u32 v17, $0x7F;
	v15 =	vshll.u32 v9, $0x4  }
0x23d: {  	s22 =	sor.u32 $0x120, s21;
	v8 =	vld [tilespmem:s19+$0x8000];
	v28 =	vcvt.s32.f32 v9;
	v12 =	vmul.f32 v13, v5;
	v10 =	vmin.u32 v10, $0x7F  }
0x23e: {  	v9 =	vld [tilespmem:s22+$0x8000];
	v39 =	vcvt.s32.f32 v17;
	v17 =	vshll.u32 v17, $0x4;
	v43 =	vadd.f32 v22, v3  }
0x23f: {  	s21 =	sor.u32 $0x130, s21;
	v38 =	vor.u32 v1, v15;
	v15 =	vld [tilespmem:s22+$0x0];
	v13 =	vcvt.s32.f32 v10;
	v16 =	vshll.u32 v10, $0x4  }
0x240: {  	v10 =	vld [tilespmem:s21+$0x8000];
	v17 =	vor.u32 v1, v17;
	v36 =	vadd.f32 v12, v3;
	v28 =	vmul.f32 v28, v5  }
0x241: {  	v21 =	vor.u32 v1, v16;
	v12 =	vld [tilespmem:s1+$0x8000];
	v39 =	vmul.f32 v39, v5;
	v31 =	vmul.f32 v13, v5  }
0x242: {  	v16 =	vld [tilespmem:s19+$0x0];
	v35 =	vsub.f32 v8, v3;
	v45 =	vadd.f32 v28, v3;
	v28 =	vor.u32 v1, v34  }
0x243: {  	v13 =	vld [tilespmem:s21+$0x0];
	v34 =	vshll.u32 v42, $0x4;
	v62 =	vadd.f32 v39, v3;
	v26 =	vsub.f32 v26, v36  }
0x244: {  	v25 =	vsub.f32 v9, v3;
	v40 =	vadd.f32 v31, v3;
	v31 =	vmul.f32 v37, v4  }
0x245: {  	v41 =	vsub.f32 v15, v3;
	v57 =	vsub.f32 v10, v3;
	v35 =	vmul.f32 v35, v4  }
0x246: {  	[tilespmem:v32+s3+$0x0] =	vst.idx.add.f32.msk $0xffff, v30;
	v30 =	vsub.f32 v23, v45;
	v20 =	vsub.f32 v12, v3;
	v31 =	vtrunc.f32 v31  }
0x247: {  	[tilespmem:v32+s0+$0x0] =	vst.idx.add.f32.msk $0xffff, v33;
	v22 =	vsub.f32 v16, v3;
	v37 =	vmul.f32 v57, v4;
	v44 =	vcvt.f32.s32 v31  }
0x248: {  	v30 =	vmul.f32 v30, v59;
	v31 =	vmul.f32 v20, v4;
	v20 =	vsub.f32 v13, v3  }
0x249: {  	v24 =	vsub.f32 v24, v62;
	v63 =	vmul.f32 v41, v4;
	v22 =	vmul.f32 v22, v4  }
0x24a: {  	[tilespmem:v38+s3+$0x0] =	vst.idx.add.f32.msk $0xffff, v59;
	vm0 =	vgt.s32 v44, $0x0;
	v61 =	vtrunc.f32 v37;
	v46 =	vmul.f32 v20, v4  }
0x24b: {  	[tilespmem:v38+s0+$0x0] =	vst.idx.add.f32.msk $0xffff, v30;
	v30 =	vsub.f32 v27, v43;
	v20 =	vtrunc.f32 v22;
	v22 =	vtrunc.f32 v35  }
0x24c: {  	v23 =	vld [tilespmem:s2+$0x10000];
	v58 =	vnsel vm0, $0x0, v44;
	v32 =	vcvt.f32.s32 v61;
	v46 =	vtrunc.f32 v46  }
0x24d: {  	v20 =	vcvt.f32.s32 v20;
	v47 =	vmin.u32 v58, $0x7F;
	v60 =	vcvt.f32.s32 v46  }
0x24e: {  	v35 =	vsub.f32 v29, v40;
	v22 =	vcvt.f32.s32 v22;
	v29 =	vcvt.s32.f32 v47  }
0x24f: {  	v37 =	vshll.u32 v47, $0x4;
	vm0 =	vgt.s32 v20, $0x0;
	vm2 =	vgt.s32 v60, $0x0  }
0x250: {  	[tilespmem:v28+s29+$0x0] =	vst.idx.add.f32.msk $0xffff, v2;
	v36 =	vmul.f32 v29, v5;
	v29 =	vnsel vm2, $0x0, v60;
	vm2 =	vgt.s32 v32, $0x0  }
0x251: {  	[tilespmem:v11+s3+$0x0] =	vst.idx.add.f32.msk $0xffff, v23;
	vm1 =	vgt.s32 v22, $0x0;
	v33 =	vmin.u32 v29, $0x7F;
	v32 =	vnsel vm2, $0x0, v32  }
0x252: {  	p1 =	por !p1, !p1;
	s4 =	simm.s32 $0x100;
	s2 =	simm.s32 $0x4;
	[tilespmem:v21+s29+$0x0] =	vst.idx.add.f32.msk $0xffff, v2;
	v29 =	vtrunc.f32 v63;
	v27 =	vmin.u32 v32, $0x7F;
	v32 =	vcvt.s32.f32 v42  }
.LBB2_49:
0x253: {  	s28 =	simm.s32 $0x1  }
0x254: {  	s2 =	sadd.s32 $0x4, s2;
	v31 =	vtrunc.f32 v31;
	v25 =	vmul.f32 v25, v4;
	v38 =	vshll.u32 v33, $0x4;
	s4 =	sadd.s32 $0x100, s4;
	[tilespmem:v21+s5+$0x0] =	vst.idx.add.f32.msk $0xffff, v35;
	s28 =	simm.s32 @!p1 $0x0  }
0x255: {  	p2 =	slt.u32 s2, $0x1FC;
	v31 =	vcvt.f32.s32 v31;
	v35 =	vor.u32 v1, v38;
	v32 =	vmul.f32 v32, v5;
	s28 =	sshll.u32 s28, $0x6;
	v21 =	vld [tilespmem:s1+$0x10000]  }
0x256: {  	v36 =	vadd.f32 v36, v3;
	v37 =	vor.u32 v1, v37;
	v34 =	vor.u32 v1, v34;
	s28 =	sadd.s32 s28, s4;
	v38 =	vld [tilespmem:s20+$0x10000];
	s20 =	smov.u32 s19  }
0x257: {  	v39 =	vcvt.f32.s32 v29;
	vm2 =	vgt.s32 v31, $0x0;
	v32 =	vadd.f32 v32, v3;
	s19 =	sor.u32 $0x100, s28;
	s1 =	sor.u32 $0x110, s28;
	s31 =	sor.u32 $0x120, s28;
	[tilespmem:v28+s5+$0x0] =	vst.idx.add.f32.msk $0xffff, v30  }
0x258: {  	v19 =	vsub.f32 v19, v36;
	v25 =	vtrunc.f32 v25;
	s28 =	sor.u32 $0x130, s28;
	v28 =	vnsel vm2, $0x0, v31;
	v30 =	vld [tilespmem:s31+$0x8000]  }
0x259: {  	v25 =	vcvt.f32.s32 v25;
	vm2 =	vgt.s32 v39, $0x0;
	v28 =	vmin.u32 v28, $0x7F;
	v29 =	vld [tilespmem:s1+$0x8000]  }
0x25a: {  	v31 =	vcvt.s32.f32 v28;
	v36 =	vld [tilespmem:s28+$0x8000];
	v40 =	vmul.f32 v19, v21;
	v19 =	vnsel vm2, $0x0, v39  }
0x25b: {  	v41 =	vsub.f32 v6, v32;
	v6 =	vmovc v16;
	vm2 =	vgt.s32 v25, $0x0;
	v39 =	vmin.u32 v19, $0x7F;
	[tilespmem:v34+s3+$0x0] =	vst.idx.add.f32.msk $0xffff, v38  }
0x25c: {  	v16 =	vcvt.s32.f32 v33;
	v33 =	vshll.u32 v14, $0x4;
	v14 =	vmovc v27;
	v25 =	vnsel vm2, $0x0, v25;
	v32 =	vld [tilespmem:s19+$0x8000]  }
0x25d: {  	v18 =	vmul.f32 v18, v5;
	v33 =	vor.u32 v1, v33;
	v27 =	vshll.u32 v39, $0x4;
	v19 =	vld [tilespmem:s1+$0x0]  }
0x25e: {  	v22 =	vnsel vm1, $0x0, v22;
	v43 =	vmul.f32 v16, v5;
	v39 =	vcvt.s32.f32 v39;
	v42 =	vld [tilespmem:s31+$0x0]  }
0x25f: {  	v23 =	vmul.f32 v26, v23;
	v25 =	vmin.u32 v25, $0x7F;
	v27 =	vor.u32 v1, v27;
	v16 =	vld [tilespmem:s19+$0x0]  }
0x260: {  	v38 =	vmul.f32 v41, v38;
	v41 =	vadd.f32 v18, v3;
	v26 =	vcvt.s32.f32 v25;
	v44 =	vld [tilespmem:s28+$0x0]  }
0x261: {  	v28 =	vshll.u32 v28, $0x4;
	v43 =	vadd.f32 v43, v3;
	v18 =	vshll.u32 v25, $0x4;
	[tilespmem:v37+s3+$0x0] =	vst.idx.add.f32.msk $0xffff, v21  }
0x262: {  	v21 =	vor.u32 v1, v18;
	v18 =	vcvt.s32.f32 v14;
	[tilespmem:v34+s0+$0x0] =	vst.idx.add.f32.msk $0xffff, v38;
	v34 =	vsub.f32 v7, v41  }
0x263: {  	v26 =	vmul.f32 v26, v5;
	v7 =	vmin.u32 v22, $0x7F;
	v22 =	vmul.f32 v31, v5;
	[tilespmem:v17+s29+$0x0] =	vst.idx.add.f32.msk $0xffff, v2  }
0x264: {  	v38 =	vsub.f32 v32, v3;
	v31 =	vsub.f32 v19, v3;
	v41 =	vcvt.s32.f32 v7;
	[tilespmem:v17+s5+$0x0] =	vst.idx.add.f32.msk $0xffff, v24  }
0x265: {  	v25 =	vsub.f32 v30, v3;
	v7 =	vshll.u32 v7, $0x4;
	v24 =	vadd.f32 v26, v3;
	[tilespmem:v11+s0+$0x0] =	vst.idx.add.f32.msk $0xffff, v23  }
0x266: {  	v45 =	vsub.f32 v42, v3;
	v17 =	vor.u32 v1, v7;
	v23 =	vmul.f32 v39, v5;
	v11 =	vmovc v35  }
0x267: {  	v26 =	vmul.f32 v31, v4;
	v31 =	vsub.f32 v36, v3;
	v35 =	vnsel vm0, $0x0, v20;
	[tilespmem:v33+s29+$0x0] =	vst.idx.add.f32.msk $0xffff, v2  }
0x268: {  	v20 =	vsub.f32 v29, v3;
	v39 =	vmul.f32 v41, v5;
	v41 =	vadd.f32 v22, v3;
	v7 =	vmovc v10  }
0x269: {  	v46 =	vsub.f32 v16, v3;
	v22 =	vtrunc.f32 v26;
	v26 =	vmul.f32 v31, v4;
	[tilespmem:v33+s5+$0x0] =	vst.idx.add.f32.msk $0xffff, v34  }
0x26a: {  	v22 =	vcvt.f32.s32 v22;
	v31 =	vmul.f32 v20, v4;
	v20 =	vsub.f32 v44, v3;
	[tilespmem:v37+s0+$0x0] =	vst.idx.add.f32.msk $0xffff, v40  }
0x26b: {  	v10 =	vmovc v36;
	v23 =	vadd.f32 v23, v3;
	v33 =	vmul.f32 v46, v4;
	v34 =	vmul.f32 v38, v4  }
0x26c: {  	v28 =	vor.u32 v1, v28;
	vm0 =	vgt.s32 v22, $0x0;
	v36 =	vmul.f32 v20, v4  }
0x26d: {  	v20 =	vtrunc.f32 v33;
	v33 =	vtrunc.f32 v34;
	v34 =	vnsel vm0, $0x0, v22  }
0x26e: {  	v38 =	vmin.u32 v35, $0x7F;
	v20 =	vcvt.f32.s32 v20;
	v22 =	vcvt.f32.s32 v33;
	v33 =	vld [tilespmem:s22+$0x10000];
	s22 =	smov.u32 s31  }
0x26f: {  	v35 =	vtrunc.f32 v36;
	v37 =	vmin.u32 v34, $0x7F;
	v34 =	vshll.u32 v38, $0x4  }
0x270: {  	v36 =	vsub.f32 v15, v23;
	v15 =	vmovc v42;
	vm0 =	vgt.s32 v20, $0x0;
	vm1 =	vgt.s32 v22, $0x0;
	v23 =	vld [tilespmem:s21+$0x10000];
	s21 =	smov.u32 s28  }
0x271: {  	v42 =	vcvt.f32.s32 v35;
	v35 =	vsub.f32 v9, v24;
	v9 =	vmovc v30;
	v40 =	vcvt.s32.f32 v37;
	[tilespmem:v28+s29+$0x0] =	vst.idx.add.f32.msk $0xffff, v2  }
0x272: {  	v24 =	vtrunc.f32 v26;
	v30 =	vadd.f32 v39, v3;
	v26 =	vsub.f32 v13, v43;
	v13 =	vmovc v44  }
.Ltmp25:
0x273: {  	v39 =	vcvt.f32.s32 v24;
	vm2 =	vgt.s32 v42, $0x0;
	v43 =	vmul.f32 v36, v33;
	(pc) =	sbr.rel @p2 .LBB2_49-.Ltmp25, $4  }
0x274: {  	v24 =	vsub.f32 v8, v30;
	v36 =	vmul.f32 v40, v5;
	v40 =	vnsel vm2, $0x0, v42;
	[tilespmem:v27+s3+$0x0] =	vst.idx.add.f32.msk $0xffff, v33  }
0x275: {  	v37 =	vshll.u32 v37, $0x4;
	v8 =	vmovc v32;
	v42 =	vmul.f32 v45, v4;
	vm2 =	vgt.s32 v39, $0x0;
	[tilespmem:v27+s0+$0x0] =	vst.idx.add.f32.msk $0xffff, v43  }
0x276: {  	v30 =	vsub.f32 v12, v41;
	v12 =	vmovc v29;
	v33 =	vmin.u32 v40, $0x7F;
	v27 =	vnsel vm2, $0x0, v39;
	[tilespmem:v11+s3+$0x0] =	vst.idx.add.f32.msk $0xffff, v23  }
0x277: {  	p1 =	por !p1, !p1;
	v32 =	vcvt.s32.f32 v38;
	v29 =	vtrunc.f32 v42;
	v27 =	vmin.u32 v27, $0x7F;
	[tilespmem:v21+s29+$0x0] =	vst.idx.add.f32.msk $0xffff, v2  }
0x278: {  	v31 =	vtrunc.f32 v31;
	v25 =	vmul.f32 v25, v4  }
0x279: {  	v36 =	vadd.f32 v36, v3;
	v38 =	vshll.u32 v33, $0x4;
	v34 =	vor.u32 v1, v34  }
0x27a: {  	v39 =	vld [tilespmem:s20+$0x10000];
	v37 =	vor.u32 v1, v37;
	v29 =	vcvt.f32.s32 v29;
	v14 =	vshll.u32 v14, $0x4  }
0x27b: {  	v63 =	vld [tilespmem:s1+$0x10000];
	v18 =	vmul.f32 v18, v5;
	v23 =	vmul.f32 v26, v23;
	v22 =	vnsel vm1, $0x0, v22  }
0x27c: {  	[tilespmem:v21+s5+$0x0] =	vst.idx.add.f32.msk $0xffff, v35;
	v20 =	vnsel vm0, $0x0, v20;
	v31 =	vcvt.f32.s32 v31;
	v32 =	vmul.f32 v32, v5  }
0x27d: {  	[tilespmem:v28+s5+$0x0] =	vst.idx.add.f32.msk $0xffff, v30;
	v38 =	vor.u32 v1, v38;
	v14 =	vor.u32 v1, v14;
	v50 =	vmin.u32 v20, $0x7F  }
0x27e: {  	v48 =	vld [tilespmem:s22+$0x10000];
	v19 =	vsub.f32 v19, v36;
	v35 =	vtrunc.f32 v25;
	vm14 =	vgt.s32 v29, $0x0  }
0x27f: {  	v52 =	vld [tilespmem:s21+$0x10000];
	v18 =	vadd.f32 v18, v3;
	v20 =	vcvt.s32.f32 v50;
	v32 =	vadd.f32 v32, v3  }
0x280: {  	[tilespmem:v11+s0+$0x0] =	vst.idx.add.f32.msk $0xffff, v23;
	vm2 =	vgt.s32 v31, $0x0;
	v21 =	vcvt.f32.s32 v35;
	v29 =	vnsel vm14, $0x0, v29  }
0x281: {  	v31 =	vnsel vm2, $0x0, v31;
	v29 =	vmin.u32 v29, $0x7F;
	v6 =	vsub.f32 v6, v32;
	[tilespmem:v34+s3+$0x0] =	vst.idx.add.f32.msk $0xffff, v39  }
0x282: {  	vm15 =	vgt.s32 v21, $0x0;
	[tilespmem:v37+s3+$0x0] =	vst.idx.add.f32.msk $0xffff, v63;
	v42 =	vshll.u32 v29, $0x4;
	v29 =	vcvt.s32.f32 v29  }
0x283: {  	v7 =	vsub.f32 v7, v18;
	v20 =	vmul.f32 v20, v5;
	v21 =	vnsel vm15, $0x0, v21;
	[tilespmem:v14+s29+$0x0] =	vst.idx.add.f32.msk $0xffff, v2  }
0x284: {  	[tilespmem:v38+s3+$0x0] =	vst.idx.add.f32.msk $0xffff, v52;
	v6 =	vmul.f32 v6, v39;
	v44 =	vmin.u32 v21, $0x7F;
	v45 =	vmul.f32 v29, v5  }
0x285: {  	v40 =	vmin.u32 v31, $0x7F;
	v19 =	vmul.f32 v19, v63;
	[tilespmem:v14+s5+$0x0] =	vst.idx.add.f32.msk $0xffff, v7;
	v47 =	vcvt.s32.f32 v44  }
0x286: {  	v41 =	vcvt.s32.f32 v40;
	v46 =	vor.u32 v1, v42;
	[tilespmem:v34+s0+$0x0] =	vst.idx.add.f32.msk $0xffff, v6;
	v7 =	vadd.f32 v45, v3  }
0x287: {  	v43 =	vshll.u32 v40, $0x4;
	v6 =	vcvt.s32.f32 v33;
	[tilespmem:v17+s29+$0x0] =	vst.idx.add.f32.msk $0xffff, v2;
	v49 =	vmul.f32 v47, v5  }
0x288: {  	v11 =	vshll.u32 v44, $0x4;
	[tilespmem:v17+s5+$0x0] =	vst.idx.add.f32.msk $0xffff, v24;
	v17 =	vor.u32 v1, v43;
	v7 =	vsub.f32 v15, v7  }
0x289: {  	v59 =	vcvt.s32.f32 v27;
	[tilespmem:v37+s0+$0x0] =	vst.idx.add.f32.msk $0xffff, v19;
	v11 =	vor.u32 v1, v11;
	v6 =	vmul.f32 v6, v5  }
0x28a: {  	v55 =	vld [tilespmem:s19+$0x10000];
	v53 =	vmul.f32 v41, v5;
	v14 =	vadd.f32 v49, v3;
	v7 =	vmul.f32 v7, v48  }
0x28b: {  	v51 =	vmin.u32 v22, $0x7F;
	v56 =	vadd.f32 v20, v3;
	[tilespmem:v46+s3+$0x0] =	vst.idx.add.f32.msk $0xffff, v48;
	v6 =	vadd.f32 v6, v3  }
0x28c: {  	v18 =	vshll.u32 v50, $0x4;
	v22 =	vadd.f32 v53, v3;
	v9 =	vsub.f32 v9, v14;
	[tilespmem:v46+s0+$0x0] =	vst.idx.add.f32.msk $0xffff, v7  }
0x28d: {  	v19 =	vshll.u32 v51, $0x4;
	v7 =	vor.u32 v1, v18;
	v6 =	vsub.f32 v13, v6;
	[tilespmem:v17+s29+$0x0] =	vst.idx.add.f32.msk $0xffff, v2  }
0x28e: {  	v54 =	vcvt.s32.f32 v51;
	v19 =	vor.u32 v1, v19;
	v12 =	vsub.f32 v12, v22;
	[tilespmem:v11+s29+$0x0] =	vst.idx.add.f32.msk $0xffff, v2  }
0x28f: {  	v61 =	vshll.u32 v27, $0x4;
	v58 =	vsub.f32 v16, v56;
	[tilespmem:v11+s5+$0x0] =	vst.idx.add.f32.msk $0xffff, v9;
	v6 =	vmul.f32 v6, v52  }
0x290: {  	v57 =	vmul.f32 v54, v5;
	[tilespmem:v17+s5+$0x0] =	vst.idx.add.f32.msk $0xffff, v12;
	v9 =	vor.u32 v1, v61  }
0x291: {  	v63 =	vmul.f32 v59, v5;
	v62 =	vmul.f32 v58, v55;
	[tilespmem:v38+s0+$0x0] =	vst.idx.add.f32.msk $0xffff, v6  }
0x292: {  	v60 =	vadd.f32 v57, v3;
	[tilespmem:v7+s3+$0x0] =	vst.idx.add.f32.msk $0xffff, v55  }
.Ltmp26:
0x293: {  	[tilespmem:v7+s0+$0x0] =	vst.idx.add.f32.msk $0xffff, v62;
	v7 =	vadd.f32 v63, v3;
	(pc) =	sbr.rel @p0 .LBB2_58-.Ltmp26, $4  }
0x294: {  	v8 =	vsub.f32 v8, v60;
	[tilespmem:v19+s29+$0x0] =	vst.idx.add.f32.msk $0xffff, v2  }
0x295: {  	[tilespmem:v9+s29+$0x0] =	vst.idx.add.f32.msk $0xffff, v2;
	v7 =	vsub.f32 v10, v7  }
0x296: {  	[tilespmem:v19+s5+$0x0] =	vst.idx.add.f32.msk $0xffff, v8  }
0x297: {  	[tilespmem:v9+s5+$0x0] =	vst.idx.add.f32.msk $0xffff, v7  }
0x298: {  	s1 =	rddreg [dreg:$0x7]  }
0x299: {  	s1 =	sadd.s32 s30, s1  }
0x29a: {  	s2 =	rddreg [dreg:$0x0];
	s1 =	sshrl.u32 s1, $0x3  }
0x29b: {  	s4 =	simm.s32 $0x100;
	s2 =	sadd.s32 s2, s1  }
0x29c: {  	s19 =	simm.s32 $0x10;
	s20 =	simm.s32 $0x300;
	s21 =	sadd.s32 $0x0, s2  }
.LBB2_52:
0x29d: {  	[tilespmem:s4], [sflag:$0x3] =	stream.linear.gather [hbm4b:s21+s6], $0x80, $0x38;
	[tilespmem:$0x1C000] =	vst v63  }
0x29e: {  	s21 =	smov.u32 s19;
	s4 =	smov.u32 s20;
	p1 =	sne.s32 s19, $0x3F0  }
.Ltmp27:
0x29f: {  	s19 =	sadd.s32 $0x10, s19;
	(pc) =	sbr.rel @p1 .LBB2_52-.Ltmp27, $2  }
0x2a0: {  	_ =	sdelay $0x2  }
0x2a1: {  	s20 =	sadd.s32 $0x200, s20;
	s21 =	sadd.s32 s21, s2  }
0x2a2: {  	[tilespmem:s4], [sflag:$0x3] =	stream.linear.gather [hbm4b:s21+s6], $0x80, $0x38;
	[tilespmem:$0x1C000] =	vst v63  }
0x2a3: {  	s2 =	rddreg [dreg:$0x1]  }
0x2a4: {  	s4 =	simm.s32 $0x8100;
	s2 =	sadd.s32 s2, s1  }
0x2a5: {  	s19 =	simm.s32 $0x10;
	s20 =	simm.s32 $0x8300;
	s21 =	sadd.s32 $0x0, s2  }
.LBB2_54:
0x2a6: {  	[tilespmem:s4], [sflag:$0x3] =	stream.linear.gather [hbm4b:s21+s6], $0x80, $0x38;
	[tilespmem:$0x1C000] =	vst v63  }
0x2a7: {  	s21 =	smov.u32 s19;
	s4 =	smov.u32 s20;
	p1 =	sne.s32 s19, $0x3F0  }
.Ltmp28:
0x2a8: {  	s19 =	sadd.s32 $0x10, s19;
	(pc) =	sbr.rel @p1 .LBB2_54-.Ltmp28, $2  }
0x2a9: {  	_ =	sdelay $0x2  }
0x2aa: {  	s20 =	sadd.s32 $0x200, s20;
	s21 =	sadd.s32 s21, s2  }
0x2ab: {  	[tilespmem:s4], [sflag:$0x3] =	stream.linear.gather [hbm4b:s21+s6], $0x80, $0x38;
	[tilespmem:$0x1C000] =	vst v63  }
0x2ac: {  	s2 =	rddreg [dreg:$0x2]  }
0x2ad: {  	s4 =	simm.s32 $0x10;
	s1 =	sadd.s32 s2, s1  }
0x2ae: {  	s19 =	simm.s32 $0x10300;
	s2 =	simm.s32 $0x10100;
	s20 =	sadd.s32 $0x0, s1  }
.LBB2_56:
0x2af: {  	[tilespmem:s2], [sflag:$0x3] =	stream.linear.gather [hbm4b:s20+s6], $0x80, $0x38;
	[tilespmem:$0x1C000] =	vst v63  }
0x2b0: {  	s20 =	smov.u32 s4;
	s2 =	smov.u32 s19;
	p1 =	sne.s32 s4, $0x3F0  }
.Ltmp29:
0x2b1: {  	s4 =	sadd.s32 $0x10, s4;
	(pc) =	sbr.rel @p1 .LBB2_56-.Ltmp29, $2  }
0x2b2: {  	_ =	sdelay $0x2  }
0x2b3: {  	s19 =	sadd.s32 $0x200, s19;
	s20 =	sadd.s32 s20, s1  }
0x2b4: {  	[tilespmem:s2], [sflag:$0x3] =	stream.linear.gather [hbm4b:s20+s6], $0x80, $0x38;
	[tilespmem:$0x1C000] =	vst v63  }
.LBB2_58:
0x2b5: {  	_ =	swait.ge [sflag:s25], $0x2000  }
0x2b6: {  	[sflag:s25] =	ssyncset.done $0x0  }
0x2b7: {  	[sflag:s25] =	ssyncadd.s32 $0xFFFFE000  }
0x2b8: {  	_ =	swait.ge [sflag:s25], $0x2000  }
0x2b9: {  	p1 =	por $0x0, $0x0;
	s1 =	simm.s32 $0x1;
	[sflag:s25] =	ssyncset.done $0x0  }
0x2ba: {  	s1 =	simm.s32 @!p1 $0x0;
	[sflag:s25] =	ssyncadd.s32 $0xFFFFE000  }
0x2bb: {  	s1 =	sshll.u32 s1, $0x6;
	_ =	swait.ge [sflag:s25], $0x2000  }
0x2bc: {  	s1 =	sadd.s32 $0x0, s1;
	[sflag:s25] =	ssyncset.done $0x0  }
0x2bd: {  	s19 =	sor.u32 $0x190, s1;
	[sflag:s25] =	ssyncadd.s32 $0xFFFFE000  }
0x2be: {  	s2 =	sor.u32 $0x1B0, s1;
	v8 =	vld [tilespmem:s19+$0x0]  }
0x2bf: {  	s20 =	sor.u32 $0x180, s1;
	v7 =	vld [tilespmem:s2+$0x8000]  }
0x2c0: {  	v24 =	vld [tilespmem:s20+$0x8000]  }
0x2c1: {  	v6 =	vld [tilespmem:s20+$0x0]  }
0x2c2: {  	v27 =	vld [tilespmem:s19+$0x8000]  }
0x2c3: {  	p1 =	por !p1, !p1;
	s4 =	sor.u32 $0x1A0, s1;
	s1 =	simm.s32 $0x1;
	v26 =	vld [tilespmem:s2+$0x0]  }
0x2c4: {  	s1 =	simm.s32 @!p1 $0x0  }
0x2c5: {  	s1 =	sshll.u32 s1, $0x6;
	v9 =	vsub.f32 v8, v3  }
0x2c6: {  	s21 =	sadd.s32 $0x100, s1;
	v10 =	vsub.f32 v7, v3;
	v11 =	vsub.f32 v24, v3  }
0x2c7: {  	s1 =	sor.u32 $0x190, s21;
	v29 =	vld [tilespmem:s4+$0x8000];
	v12 =	vsub.f32 v6, v3;
	v13 =	vsub.f32 v27, v3  }
0x2c8: {  	v19 =	vld [tilespmem:s1+$0x0];
	v14 =	vsub.f32 v26, v3;
	v9 =	vmul.f32 v9, v4;
	v10 =	vmul.f32 v10, v4  }
0x2c9: {  	v23 =	vld [tilespmem:s4+$0x0];
	v12 =	vmul.f32 v12, v4;
	v13 =	vmul.f32 v13, v4  }
0x2ca: {  	v11 =	vmul.f32 v11, v4;
	v14 =	vmul.f32 v14, v4  }
0x2cb: {  	v9 =	vtrunc.f32 v9;
	v12 =	vtrunc.f32 v12  }
0x2cc: {  	v15 =	vsub.f32 v29, v3;
	v11 =	vtrunc.f32 v11;
	v10 =	vtrunc.f32 v10  }
0x2cd: {  	v37 =	vsub.f32 v19, v3;
	v9 =	vcvt.f32.s32 v9;
	v20 =	vcvt.f32.s32 v12  }
0x2ce: {  	v12 =	vcvt.f32.s32 v11;
	v11 =	vtrunc.f32 v14;
	v14 =	vsub.f32 v23, v3  }
0x2cf: {  	v10 =	vcvt.f32.s32 v10;
	v11 =	vcvt.f32.s32 v11;
	vm0 =	vgt.s32 v9, $0x0  }
0x2d0: {  	vm1 =	vgt.s32 v12, $0x0;
	v14 =	vmul.f32 v14, v4;
	v9 =	vnsel vm0, $0x0, v9  }
0x2d1: {  	vm0 =	vgt.s32 v20, $0x0;
	vm2 =	vgt.s32 v11, $0x0;
	v9 =	vmin.u32 v9, $0x7F  }
0x2d2: {  	v11 =	vnsel vm2, $0x0, v11;
	vm2 =	vgt.s32 v10, $0x0;
	v42 =	vnsel vm0, $0x0, v20  }
0x2d3: {  	v16 =	vcvt.s32.f32 v9;
	v9 =	vshll.u32 v9, $0x4;
	v17 =	vmin.u32 v11, $0x7F  }
0x2d4: {  	v11 =	vtrunc.f32 v13;
	v10 =	vnsel vm2, $0x0, v10;
	v13 =	vtrunc.f32 v14  }
0x2d5: {  	v42 =	vmin.u32 v42, $0x7F;
	v18 =	vcvt.f32.s32 v11;
	v16 =	vmul.f32 v16, v5  }
0x2d6: {  	v30 =	vld [tilespmem:s19+$0x10000];
	v14 =	vmin.u32 v10, $0x7F;
	v10 =	vmul.f32 v15, v4;
	v11 =	vshll.u32 v17, $0x4  }
0x2d7: {  	v13 =	vcvt.f32.s32 v13;
	v32 =	vor.u32 v1, v9;
	v15 =	vadd.f32 v16, v3  }
0x2d8: {  	v11 =	vor.u32 v1, v11;
	vm2 =	vgt.s32 v18, $0x0;
	v10 =	vtrunc.f32 v10  }
0x2d9: {  	v16 =	vnsel vm2, $0x0, v18;
	v10 =	vcvt.f32.s32 v10;
	v8 =	vsub.f32 v8, v15  }
0x2da: {  	vm2 =	vgt.s32 v13, $0x0;
	v18 =	vcvt.s32.f32 v14;
	v16 =	vmin.u32 v16, $0x7F  }
0x2db: {  	v22 =	vcvt.s32.f32 v16;
	v34 =	vshll.u32 v16, $0x4;
	v33 =	vmul.f32 v8, v30  }
0x2dc: {  	v8 =	vnsel vm2, $0x0, v13;
	vm2 =	vgt.s32 v10, $0x0;
	v13 =	vcvt.s32.f32 v17  }
0x2dd: {  	v17 =	vnsel vm1, $0x0, v12;
	v22 =	vmul.f32 v22, v5;
	v9 =	vmin.u32 v8, $0x7F  }
0x2de: {  	s19 =	sor.u32 $0x180, s21;
	v59 =	vld [tilespmem:s4+$0x10000];
	v10 =	vnsel vm2, $0x0, v10;
	v17 =	vmin.u32 v17, $0x7F;
	v15 =	vshll.u32 v9, $0x4  }
0x2df: {  	s22 =	sor.u32 $0x1A0, s21;
	v8 =	vld [tilespmem:s19+$0x8000];
	v28 =	vcvt.s32.f32 v9;
	v12 =	vmul.f32 v13, v5;
	v10 =	vmin.u32 v10, $0x7F  }
0x2e0: {  	v9 =	vld [tilespmem:s22+$0x8000];
	v39 =	vcvt.s32.f32 v17;
	v17 =	vshll.u32 v17, $0x4;
	v43 =	vadd.f32 v22, v3  }
0x2e1: {  	s21 =	sor.u32 $0x1B0, s21;
	v38 =	vor.u32 v1, v15;
	v15 =	vld [tilespmem:s22+$0x0];
	v13 =	vcvt.s32.f32 v10;
	v16 =	vshll.u32 v10, $0x4  }
0x2e2: {  	v10 =	vld [tilespmem:s21+$0x8000];
	v17 =	vor.u32 v1, v17;
	v36 =	vadd.f32 v12, v3;
	v28 =	vmul.f32 v28, v5  }
0x2e3: {  	v21 =	vor.u32 v1, v16;
	v12 =	vld [tilespmem:s1+$0x8000];
	v39 =	vmul.f32 v39, v5;
	v31 =	vmul.f32 v13, v5  }
0x2e4: {  	v16 =	vld [tilespmem:s19+$0x0];
	v35 =	vsub.f32 v8, v3;
	v45 =	vadd.f32 v28, v3;
	v28 =	vor.u32 v1, v34  }
0x2e5: {  	v13 =	vld [tilespmem:s21+$0x0];
	v34 =	vshll.u32 v42, $0x4;
	v62 =	vadd.f32 v39, v3;
	v26 =	vsub.f32 v26, v36  }
0x2e6: {  	v25 =	vsub.f32 v9, v3;
	v40 =	vadd.f32 v31, v3;
	v31 =	vmul.f32 v37, v4  }
0x2e7: {  	v41 =	vsub.f32 v15, v3;
	v57 =	vsub.f32 v10, v3;
	v35 =	vmul.f32 v35, v4  }
0x2e8: {  	[tilespmem:v32+s3+$0x0] =	vst.idx.add.f32.msk $0xffff, v30;
	v30 =	vsub.f32 v23, v45;
	v20 =	vsub.f32 v12, v3;
	v31 =	vtrunc.f32 v31  }
0x2e9: {  	[tilespmem:v32+s0+$0x0] =	vst.idx.add.f32.msk $0xffff, v33;
	v22 =	vsub.f32 v16, v3;
	v37 =	vmul.f32 v57, v4;
	v44 =	vcvt.f32.s32 v31  }
0x2ea: {  	v30 =	vmul.f32 v30, v59;
	v31 =	vmul.f32 v20, v4;
	v20 =	vsub.f32 v13, v3  }
0x2eb: {  	v24 =	vsub.f32 v24, v62;
	v63 =	vmul.f32 v41, v4;
	v22 =	vmul.f32 v22, v4  }
0x2ec: {  	[tilespmem:v38+s3+$0x0] =	vst.idx.add.f32.msk $0xffff, v59;
	vm0 =	vgt.s32 v44, $0x0;
	v61 =	vtrunc.f32 v37;
	v46 =	vmul.f32 v20, v4  }
0x2ed: {  	[tilespmem:v38+s0+$0x0] =	vst.idx.add.f32.msk $0xffff, v30;
	v30 =	vsub.f32 v27, v43;
	v20 =	vtrunc.f32 v22;
	v22 =	vtrunc.f32 v35  }
0x2ee: {  	v23 =	vld [tilespmem:s2+$0x10000];
	v58 =	vnsel vm0, $0x0, v44;
	v32 =	vcvt.f32.s32 v61;
	v46 =	vtrunc.f32 v46  }
0x2ef: {  	v20 =	vcvt.f32.s32 v20;
	v47 =	vmin.u32 v58, $0x7F;
	v60 =	vcvt.f32.s32 v46  }
0x2f0: {  	v35 =	vsub.f32 v29, v40;
	v22 =	vcvt.f32.s32 v22;
	v29 =	vcvt.s32.f32 v47  }
0x2f1: {  	v37 =	vshll.u32 v47, $0x4;
	vm0 =	vgt.s32 v20, $0x0;
	vm2 =	vgt.s32 v60, $0x0  }
0x2f2: {  	[tilespmem:v28+s29+$0x0] =	vst.idx.add.f32.msk $0xffff, v2;
	v36 =	vmul.f32 v29, v5;
	v29 =	vnsel vm2, $0x0, v60;
	vm2 =	vgt.s32 v32, $0x0  }
0x2f3: {  	[tilespmem:v11+s3+$0x0] =	vst.idx.add.f32.msk $0xffff, v23;
	vm1 =	vgt.s32 v22, $0x0;
	v33 =	vmin.u32 v29, $0x7F;
	v32 =	vnsel vm2, $0x0, v32  }
0x2f4: {  	p1 =	por !p1, !p1;
	s4 =	simm.s32 $0x100;
	s2 =	simm.s32 $0x4;
	[tilespmem:v21+s29+$0x0] =	vst.idx.add.f32.msk $0xffff, v2;
	v29 =	vtrunc.f32 v63;
	v27 =	vmin.u32 v32, $0x7F;
	v32 =	vcvt.s32.f32 v42  }
.LBB2_59:
0x2f5: {  	s28 =	simm.s32 $0x1  }
0x2f6: {  	s2 =	sadd.s32 $0x4, s2;
	v31 =	vtrunc.f32 v31;
	v25 =	vmul.f32 v25, v4;
	v38 =	vshll.u32 v33, $0x4;
	s4 =	sadd.s32 $0x100, s4;
	[tilespmem:v21+s5+$0x0] =	vst.idx.add.f32.msk $0xffff, v35;
	s28 =	simm.s32 @!p1 $0x0  }
0x2f7: {  	p2 =	slt.u32 s2, $0x1FC;
	v31 =	vcvt.f32.s32 v31;
	v35 =	vor.u32 v1, v38;
	v32 =	vmul.f32 v32, v5;
	s28 =	sshll.u32 s28, $0x6;
	v21 =	vld [tilespmem:s1+$0x10000]  }
0x2f8: {  	v36 =	vadd.f32 v36, v3;
	v37 =	vor.u32 v1, v37;
	v34 =	vor.u32 v1, v34;
	s28 =	sadd.s32 s28, s4;
	v38 =	vld [tilespmem:s20+$0x10000];
	s20 =	smov.u32 s19  }
0x2f9: {  	v39 =	vcvt.f32.s32 v29;
	vm2 =	vgt.s32 v31, $0x0;
	v32 =	vadd.f32 v32, v3;
	s19 =	sor.u32 $0x180, s28;
	s1 =	sor.u32 $0x190, s28;
	s31 =	sor.u32 $0x1A0, s28;
	[tilespmem:v28+s5+$0x0] =	vst.idx.add.f32.msk $0xffff, v30  }
0x2fa: {  	v19 =	vsub.f32 v19, v36;
	v25 =	vtrunc.f32 v25;
	s28 =	sor.u32 $0x1B0, s28;
	v28 =	vnsel vm2, $0x0, v31;
	v30 =	vld [tilespmem:s31+$0x8000]  }
0x2fb: {  	v25 =	vcvt.f32.s32 v25;
	vm2 =	vgt.s32 v39, $0x0;
	v28 =	vmin.u32 v28, $0x7F;
	v29 =	vld [tilespmem:s1+$0x8000]  }
0x2fc: {  	v31 =	vcvt.s32.f32 v28;
	v36 =	vld [tilespmem:s28+$0x8000];
	v40 =	vmul.f32 v19, v21;
	v19 =	vnsel vm2, $0x0, v39  }
0x2fd: {  	v41 =	vsub.f32 v6, v32;
	v6 =	vmovc v16;
	vm2 =	vgt.s32 v25, $0x0;
	v39 =	vmin.u32 v19, $0x7F;
	[tilespmem:v34+s3+$0x0] =	vst.idx.add.f32.msk $0xffff, v38  }
0x2fe: {  	v16 =	vcvt.s32.f32 v33;
	v33 =	vshll.u32 v14, $0x4;
	v14 =	vmovc v27;
	v25 =	vnsel vm2, $0x0, v25;
	v32 =	vld [tilespmem:s19+$0x8000]  }
0x2ff: {  	v18 =	vmul.f32 v18, v5;
	v33 =	vor.u32 v1, v33;
	v27 =	vshll.u32 v39, $0x4;
	v19 =	vld [tilespmem:s1+$0x0]  }
0x300: {  	v22 =	vnsel vm1, $0x0, v22;
	v43 =	vmul.f32 v16, v5;
	v39 =	vcvt.s32.f32 v39;
	v42 =	vld [tilespmem:s31+$0x0]  }
0x301: {  	v23 =	vmul.f32 v26, v23;
	v25 =	vmin.u32 v25, $0x7F;
	v27 =	vor.u32 v1, v27;
	v16 =	vld [tilespmem:s19+$0x0]  }
0x302: {  	v38 =	vmul.f32 v41, v38;
	v41 =	vadd.f32 v18, v3;
	v26 =	vcvt.s32.f32 v25;
	v44 =	vld [tilespmem:s28+$0x0]  }
0x303: {  	v28 =	vshll.u32 v28, $0x4;
	v43 =	vadd.f32 v43, v3;
	v18 =	vshll.u32 v25, $0x4;
	[tilespmem:v37+s3+$0x0] =	vst.idx.add.f32.msk $0xffff, v21  }
0x304: {  	v21 =	vor.u32 v1, v18;
	v18 =	vcvt.s32.f32 v14;
	[tilespmem:v34+s0+$0x0] =	vst.idx.add.f32.msk $0xffff, v38;
	v34 =	vsub.f32 v7, v41  }
0x305: {  	v26 =	vmul.f32 v26, v5;
	v7 =	vmin.u32 v22, $0x7F;
	v22 =	vmul.f32 v31, v5;
	[tilespmem:v17+s29+$0x0] =	vst.idx.add.f32.msk $0xffff, v2  }
0x306: {  	v38 =	vsub.f32 v32, v3;
	v31 =	vsub.f32 v19, v3;
	v41 =	vcvt.s32.f32 v7;
	[tilespmem:v17+s5+$0x0] =	vst.idx.add.f32.msk $0xffff, v24  }
0x307: {  	v25 =	vsub.f32 v30, v3;
	v7 =	vshll.u32 v7, $0x4;
	v24 =	vadd.f32 v26, v3;
	[tilespmem:v11+s0+$0x0] =	vst.idx.add.f32.msk $0xffff, v23  }
0x308: {  	v45 =	vsub.f32 v42, v3;
	v17 =	vor.u32 v1, v7;
	v23 =	vmul.f32 v39, v5;
	v11 =	vmovc v35  }
0x309: {  	v26 =	vmul.f32 v31, v4;
	v31 =	vsub.f32 v36, v3;
	v35 =	vnsel vm0, $0x0, v20;
	[tilespmem:v33+s29+$0x0] =	vst.idx.add.f32.msk $0xffff, v2  }
0x30a: {  	v20 =	vsub.f32 v29, v3;
	v39 =	vmul.f32 v41, v5;
	v41 =	vadd.f32 v22, v3;
	v7 =	vmovc v10  }
0x30b: {  	v46 =	vsub.f32 v16, v3;
	v22 =	vtrunc.f32 v26;
	v26 =	vmul.f32 v31, v4;
	[tilespmem:v33+s5+$0x0] =	vst.idx.add.f32.msk $0xffff, v34  }
0x30c: {  	v22 =	vcvt.f32.s32 v22;
	v31 =	vmul.f32 v20, v4;
	v20 =	vsub.f32 v44, v3;
	[tilespmem:v37+s0+$0x0] =	vst.idx.add.f32.msk $0xffff, v40  }
0x30d: {  	v10 =	vmovc v36;
	v23 =	vadd.f32 v23, v3;
	v33 =	vmul.f32 v46, v4;
	v34 =	vmul.f32 v38, v4  }
0x30e: {  	v28 =	vor.u32 v1, v28;
	vm0 =	vgt.s32 v22, $0x0;
	v36 =	vmul.f32 v20, v4  }
0x30f: {  	v20 =	vtrunc.f32 v33;
	v33 =	vtrunc.f32 v34;
	v34 =	vnsel vm0, $0x0, v22  }
0x310: {  	v38 =	vmin.u32 v35, $0x7F;
	v20 =	vcvt.f32.s32 v20;
	v22 =	vcvt.f32.s32 v33;
	v33 =	vld [tilespmem:s22+$0x10000];
	s22 =	smov.u32 s31  }
0x311: {  	v35 =	vtrunc.f32 v36;
	v37 =	vmin.u32 v34, $0x7F;
	v34 =	vshll.u32 v38, $0x4  }
0x312: {  	v36 =	vsub.f32 v15, v23;
	v15 =	vmovc v42;
	vm0 =	vgt.s32 v20, $0x0;
	vm1 =	vgt.s32 v22, $0x0;
	v23 =	vld [tilespmem:s21+$0x10000];
	s21 =	smov.u32 s28  }
0x313: {  	v42 =	vcvt.f32.s32 v35;
	v35 =	vsub.f32 v9, v24;
	v9 =	vmovc v30;
	v40 =	vcvt.s32.f32 v37;
	[tilespmem:v28+s29+$0x0] =	vst.idx.add.f32.msk $0xffff, v2  }
0x314: {  	v24 =	vtrunc.f32 v26;
	v30 =	vadd.f32 v39, v3;
	v26 =	vsub.f32 v13, v43;
	v13 =	vmovc v44  }
.Ltmp30:
0x315: {  	v39 =	vcvt.f32.s32 v24;
	vm2 =	vgt.s32 v42, $0x0;
	v43 =	vmul.f32 v36, v33;
	(pc) =	sbr.rel @p2 .LBB2_59-.Ltmp30, $4  }
0x316: {  	v24 =	vsub.f32 v8, v30;
	v36 =	vmul.f32 v40, v5;
	v40 =	vnsel vm2, $0x0, v42;
	[tilespmem:v27+s3+$0x0] =	vst.idx.add.f32.msk $0xffff, v33  }
0x317: {  	v37 =	vshll.u32 v37, $0x4;
	v8 =	vmovc v32;
	v42 =	vmul.f32 v45, v4;
	vm2 =	vgt.s32 v39, $0x0;
	[tilespmem:v27+s0+$0x0] =	vst.idx.add.f32.msk $0xffff, v43  }
0x318: {  	v30 =	vsub.f32 v12, v41;
	v12 =	vmovc v29;
	v33 =	vmin.u32 v40, $0x7F;
	v27 =	vnsel vm2, $0x0, v39;
	[tilespmem:v11+s3+$0x0] =	vst.idx.add.f32.msk $0xffff, v23  }
0x319: {  	p1 =	por !p1, !p1;
	v32 =	vcvt.s32.f32 v38;
	v29 =	vtrunc.f32 v42;
	v27 =	vmin.u32 v27, $0x7F;
	[tilespmem:v21+s29+$0x0] =	vst.idx.add.f32.msk $0xffff, v2  }
0x31a: {  	v31 =	vtrunc.f32 v31;
	v25 =	vmul.f32 v25, v4  }
0x31b: {  	v36 =	vadd.f32 v36, v3;
	v38 =	vshll.u32 v33, $0x4;
	v34 =	vor.u32 v1, v34  }
0x31c: {  	v39 =	vld [tilespmem:s20+$0x10000];
	v37 =	vor.u32 v1, v37;
	v29 =	vcvt.f32.s32 v29;
	v14 =	vshll.u32 v14, $0x4  }
0x31d: {  	v63 =	vld [tilespmem:s1+$0x10000];
	v18 =	vmul.f32 v18, v5;
	v23 =	vmul.f32 v26, v23;
	v22 =	vnsel vm1, $0x0, v22  }
0x31e: {  	[tilespmem:v21+s5+$0x0] =	vst.idx.add.f32.msk $0xffff, v35;
	v20 =	vnsel vm0, $0x0, v20;
	v31 =	vcvt.f32.s32 v31;
	v32 =	vmul.f32 v32, v5  }
0x31f: {  	[tilespmem:v28+s5+$0x0] =	vst.idx.add.f32.msk $0xffff, v30;
	v38 =	vor.u32 v1, v38;
	v14 =	vor.u32 v1, v14;
	v50 =	vmin.u32 v20, $0x7F  }
0x320: {  	v48 =	vld [tilespmem:s22+$0x10000];
	v19 =	vsub.f32 v19, v36;
	v35 =	vtrunc.f32 v25;
	vm14 =	vgt.s32 v29, $0x0  }
0x321: {  	v52 =	vld [tilespmem:s21+$0x10000];
	v18 =	vadd.f32 v18, v3;
	v20 =	vcvt.s32.f32 v50;
	v32 =	vadd.f32 v32, v3  }
0x322: {  	[tilespmem:v11+s0+$0x0] =	vst.idx.add.f32.msk $0xffff, v23;
	vm2 =	vgt.s32 v31, $0x0;
	v21 =	vcvt.f32.s32 v35;
	v29 =	vnsel vm14, $0x0, v29  }
0x323: {  	v31 =	vnsel vm2, $0x0, v31;
	v29 =	vmin.u32 v29, $0x7F;
	v6 =	vsub.f32 v6, v32;
	[tilespmem:v34+s3+$0x0] =	vst.idx.add.f32.msk $0xffff, v39  }
0x324: {  	vm15 =	vgt.s32 v21, $0x0;
	[tilespmem:v37+s3+$0x0] =	vst.idx.add.f32.msk $0xffff, v63;
	v42 =	vshll.u32 v29, $0x4;
	v29 =	vcvt.s32.f32 v29  }
0x325: {  	v7 =	vsub.f32 v7, v18;
	v20 =	vmul.f32 v20, v5;
	v21 =	vnsel vm15, $0x0, v21;
	[tilespmem:v14+s29+$0x0] =	vst.idx.add.f32.msk $0xffff, v2  }
0x326: {  	[tilespmem:v38+s3+$0x0] =	vst.idx.add.f32.msk $0xffff, v52;
	v6 =	vmul.f32 v6, v39;
	v44 =	vmin.u32 v21, $0x7F;
	v45 =	vmul.f32 v29, v5  }
0x327: {  	v40 =	vmin.u32 v31, $0x7F;
	v19 =	vmul.f32 v19, v63;
	[tilespmem:v14+s5+$0x0] =	vst.idx.add.f32.msk $0xffff, v7;
	v47 =	vcvt.s32.f32 v44  }
0x328: {  	v41 =	vcvt.s32.f32 v40;
	v46 =	vor.u32 v1, v42;
	[tilespmem:v34+s0+$0x0] =	vst.idx.add.f32.msk $0xffff, v6;
	v7 =	vadd.f32 v45, v3  }
0x329: {  	v43 =	vshll.u32 v40, $0x4;
	v6 =	vcvt.s32.f32 v33;
	[tilespmem:v17+s29+$0x0] =	vst.idx.add.f32.msk $0xffff, v2;
	v49 =	vmul.f32 v47, v5  }
0x32a: {  	v11 =	vshll.u32 v44, $0x4;
	[tilespmem:v17+s5+$0x0] =	vst.idx.add.f32.msk $0xffff, v24;
	v17 =	vor.u32 v1, v43;
	v7 =	vsub.f32 v15, v7  }
0x32b: {  	v59 =	vcvt.s32.f32 v27;
	[tilespmem:v37+s0+$0x0] =	vst.idx.add.f32.msk $0xffff, v19;
	v11 =	vor.u32 v1, v11;
	v6 =	vmul.f32 v6, v5  }
0x32c: {  	v55 =	vld [tilespmem:s19+$0x10000];
	v53 =	vmul.f32 v41, v5;
	v14 =	vadd.f32 v49, v3;
	v7 =	vmul.f32 v7, v48  }
0x32d: {  	v51 =	vmin.u32 v22, $0x7F;
	v56 =	vadd.f32 v20, v3;
	[tilespmem:v46+s3+$0x0] =	vst.idx.add.f32.msk $0xffff, v48;
	v6 =	vadd.f32 v6, v3  }
0x32e: {  	v18 =	vshll.u32 v50, $0x4;
	v22 =	vadd.f32 v53, v3;
	v9 =	vsub.f32 v9, v14;
	[tilespmem:v46+s0+$0x0] =	vst.idx.add.f32.msk $0xffff, v7  }
0x32f: {  	v19 =	vshll.u32 v51, $0x4;
	v7 =	vor.u32 v1, v18;
	v6 =	vsub.f32 v13, v6;
	[tilespmem:v17+s29+$0x0] =	vst.idx.add.f32.msk $0xffff, v2  }
0x330: {  	v54 =	vcvt.s32.f32 v51;
	v19 =	vor.u32 v1, v19;
	v12 =	vsub.f32 v12, v22;
	[tilespmem:v11+s29+$0x0] =	vst.idx.add.f32.msk $0xffff, v2  }
0x331: {  	v61 =	vshll.u32 v27, $0x4;
	v58 =	vsub.f32 v16, v56;
	[tilespmem:v11+s5+$0x0] =	vst.idx.add.f32.msk $0xffff, v9;
	v6 =	vmul.f32 v6, v52  }
0x332: {  	v57 =	vmul.f32 v54, v5;
	[tilespmem:v17+s5+$0x0] =	vst.idx.add.f32.msk $0xffff, v12;
	v9 =	vor.u32 v1, v61  }
0x333: {  	v63 =	vmul.f32 v59, v5;
	v62 =	vmul.f32 v58, v55;
	[tilespmem:v38+s0+$0x0] =	vst.idx.add.f32.msk $0xffff, v6  }
0x334: {  	v60 =	vadd.f32 v57, v3;
	[tilespmem:v7+s3+$0x0] =	vst.idx.add.f32.msk $0xffff, v55  }
.Ltmp31:
0x335: {  	[tilespmem:v7+s0+$0x0] =	vst.idx.add.f32.msk $0xffff, v62;
	v7 =	vadd.f32 v63, v3;
	(pc) =	sbr.rel @p0 .LBB2_68-.Ltmp31, $4  }
0x336: {  	v8 =	vsub.f32 v8, v60;
	[tilespmem:v19+s29+$0x0] =	vst.idx.add.f32.msk $0xffff, v2  }
0x337: {  	[tilespmem:v9+s29+$0x0] =	vst.idx.add.f32.msk $0xffff, v2;
	v7 =	vsub.f32 v10, v7  }
0x338: {  	[tilespmem:v19+s5+$0x0] =	vst.idx.add.f32.msk $0xffff, v8  }
0x339: {  	[tilespmem:v9+s5+$0x0] =	vst.idx.add.f32.msk $0xffff, v7  }
0x33a: {  	s1 =	rddreg [dreg:$0x8]  }
0x33b: {  	s1 =	sadd.s32 s30, s1  }
0x33c: {  	s2 =	rddreg [dreg:$0x0];
	s1 =	sshrl.u32 s1, $0x3  }
0x33d: {  	s4 =	simm.s32 $0x180;
	s2 =	sadd.s32 s2, s1  }
0x33e: {  	s19 =	simm.s32 $0x10;
	s20 =	simm.s32 $0x380;
	s21 =	sadd.s32 $0x0, s2  }
.LBB2_62:
0x33f: {  	[tilespmem:s4], [sflag:$0x4] =	stream.linear.gather [hbm4b:s21+s6], $0x80, $0x38;
	[tilespmem:$0x1C000] =	vst v63  }
0x340: {  	s21 =	smov.u32 s19;
	s4 =	smov.u32 s20;
	p0 =	sne.s32 s19, $0x3F0  }
.Ltmp32:
0x341: {  	s19 =	sadd.s32 $0x10, s19;
	(pc) =	sbr.rel @p0 .LBB2_62-.Ltmp32, $2  }
0x342: {  	_ =	sdelay $0x2  }
0x343: {  	s20 =	sadd.s32 $0x200, s20;
	s21 =	sadd.s32 s21, s2  }
0x344: {  	[tilespmem:s4], [sflag:$0x4] =	stream.linear.gather [hbm4b:s21+s6], $0x80, $0x38;
	[tilespmem:$0x1C000] =	vst v63  }
0x345: {  	s2 =	rddreg [dreg:$0x1]  }
0x346: {  	s4 =	simm.s32 $0x8180;
	s2 =	sadd.s32 s2, s1  }
0x347: {  	s19 =	simm.s32 $0x10;
	s20 =	simm.s32 $0x8380;
	s21 =	sadd.s32 $0x0, s2  }
.LBB2_64:
0x348: {  	[tilespmem:s4], [sflag:$0x4] =	stream.linear.gather [hbm4b:s21+s6], $0x80, $0x38;
	[tilespmem:$0x1C000] =	vst v63  }
0x349: {  	s21 =	smov.u32 s19;
	s4 =	smov.u32 s20;
	p0 =	sne.s32 s19, $0x3F0  }
.Ltmp33:
0x34a: {  	s19 =	sadd.s32 $0x10, s19;
	(pc) =	sbr.rel @p0 .LBB2_64-.Ltmp33, $2  }
0x34b: {  	_ =	sdelay $0x2  }
0x34c: {  	s20 =	sadd.s32 $0x200, s20;
	s21 =	sadd.s32 s21, s2  }
0x34d: {  	[tilespmem:s4], [sflag:$0x4] =	stream.linear.gather [hbm4b:s21+s6], $0x80, $0x38;
	[tilespmem:$0x1C000] =	vst v63  }
0x34e: {  	s2 =	rddreg [dreg:$0x2]  }
0x34f: {  	s4 =	simm.s32 $0x10;
	s1 =	sadd.s32 s2, s1  }
0x350: {  	s19 =	simm.s32 $0x10380;
	s2 =	simm.s32 $0x10180;
	s20 =	sadd.s32 $0x0, s1  }
.LBB2_66:
0x351: {  	[tilespmem:s2], [sflag:$0x4] =	stream.linear.gather [hbm4b:s20+s6], $0x80, $0x38;
	[tilespmem:$0x1C000] =	vst v63  }
0x352: {  	s20 =	smov.u32 s4;
	s2 =	smov.u32 s19;
	p0 =	sne.s32 s4, $0x3F0  }
.Ltmp34:
0x353: {  	s4 =	sadd.s32 $0x10, s4;
	(pc) =	sbr.rel @p0 .LBB2_66-.Ltmp34, $2  }
0x354: {  	_ =	sdelay $0x2  }
0x355: {  	s19 =	sadd.s32 $0x200, s19;
	s20 =	sadd.s32 s20, s1  }
.Ltmp35:
0x356: {  	(pc) =	sbr.rel .LBB2_28-.Ltmp35, $3  }
0x357: {  	_ =	sdelay $0x1  }
0x358: {  	[tilespmem:s2], [sflag:$0x4] =	stream.linear.gather [hbm4b:s20+s6], $0x80, $0x38;
	[tilespmem:$0x1C000] =	vst v63  }
0x359: {  	s26 =	sadd.s32 $0x1, s26  }
.LBB2_69:
0x35a: {  	_ =	sfence.sel $0x180000  }
0x35b: {  	[bflag:$0x0] =	sbarrier.arrive $0xFFFF  }
0x35c: {  	_ =	strace $0x9000004A  }
0x35d: {  	s0 =	stileid.u32;
	[bflag:$0x2] =	sbarrier.arrive $0xFFFF  }
0x35e: {  	p0 =	sne.s32 s0, $0x0;
	s0 =	rddreg [dreg:$0x4]  }
0x35f: {  	s0 =	sadd.s32 @!p0 $0x100000, s0  }
0x360: {  	[sflag:s0] =	ssyncadd.tile.s32 @!p0 $0x1;
	_ =	shalt  }
.Lfunc_end2:
_tile_overlayer_lowered:
.L_overlay_start_2:
0x361: {  	(tag) =	ssettag $0x2  }
0x362: {  	s0 =	rddreg [dreg:$0x0];
	s2 =	stileid.u32  }
0x363: {  	s1 =	rddreg [dreg:$0x1];
	p0 =	sne.s32 s2, $0x0  }
0x364: {  	s3 =	rddreg [dreg:$0x2];
	[bflag:$0x3] =	sbarrier.arrive $0xFFFF;
	s2 =	simm.s32 @!p0 $0x1C05  }
0x365: {  	[timem:s3], [sflag:s2] =	dma.local @!p0 [hbm:s0], s1  }
0x366: {  	s0 =	simm.s32 @!p0 $0x5  }
0x367: {  	_ =	swait.ge @!p0 [sflag:s0], s1  }
0x368: {  	s1 =	ssub.s32 @!p0 $0x0, s1;
	[sflag:s0] =	ssyncset.done @!p0 $0x0  }
0x369: {  	[sflag:s0] =	ssyncadd.s32 @!p0 s1  }
0x36a: {  	[bflag:$0x3] =	sbarrier.arrive $0xFFFF  }
0x36b: {  	_ =	shalt  }

</sc_bundles>
